<compile_context>
chip_gen: v7x
topology: tpu7x:2x2x1
jax: 0.10.2.dev20260603
libtpu: 0.0.44.dev20260713+nightly
codegen_flags: <defaults>
</compile_context>

<pallas_src>
import functools

import jax
import jax.numpy as jnp
from jax import lax
from jax.experimental import pallas as pl
from jax.experimental.pallas import tpu as pltpu
from jax.experimental.pallas import tpu_sc as plsc

N_EDGES = 320000
D_FEAT = 128
N_CORES = 2
N_SUBCORES = 16
N_WORKERS = N_CORES * N_SUBCORES
E_PER_W = N_EDGES // N_WORKERS
CHUNK = 112
N_FULL = E_PER_W // CHUNK
TAIL = E_PER_W - N_FULL * CHUNK
N_PAIRS = N_FULL // 2
LANES = 16
VECS_PER_ROW = D_FEAT // LANES


def _tanh_lane(y):
    e = jnp.exp(y + y)
    return 1.0 - 2.0 / (e + 1.0)


def _sc_body(x_hbm, idx_hbm, w_hbm, b_hbm, out_hbm,
             idx_all, g2, w2, b2, o2,
             gs0, gs1, ws0, ws1, bs0, bs1, os0, os1):
    cid = lax.axis_index("c")
    sid = lax.axis_index("s")
    wid = sid * N_CORES + cid
    base0 = wid * E_PER_W
    sems = ((gs0, ws0, bs0, os0), (gs1, ws1, bs1, os1))

    pltpu.sync_copy(idx_hbm.at[pl.ds(base0, E_PER_W)], idx_all)

    def in_copies(ci, s, n):
        loc = pl.multiple_of(ci * CHUNK, 8)
        base = base0 + loc
        sg, sw, sb, _ = sems[s]
        return (
            pltpu.make_async_copy(x_hbm.at[idx_all.at[pl.ds(loc, n)]],
                                  g2.at[s, pl.ds(0, n), :], sg),
            pltpu.make_async_copy(w_hbm.at[pl.ds(base, n), :],
                                  w2.at[s, pl.ds(0, n), :], sw),
            pltpu.make_async_copy(b_hbm.at[pl.ds(base, n), :],
                                  b2.at[s, pl.ds(0, n), :], sb),
        )

    def out_copy(ci, s, n):
        base = base0 + pl.multiple_of(ci * CHUNK, 8)
        return pltpu.make_async_copy(o2.at[s, pl.ds(0, n), :],
                                     out_hbm.at[pl.ds(base, n), :], sems[s][3])

    def issue_in(ci, s, n=CHUNK):
        for cp in in_copies(ci, s, n):
            cp.start()

    def wait_in(ci, s, n=CHUNK):
        for cp in in_copies(ci, s, n):
            cp.wait()

    def compute(s, n=CHUNK):
        def row_body(e, c2):
            for j in range(VECS_PER_ROW):
                sl = pl.ds(j * LANES, LANES)
                y = g2[s, e, sl] * w2[s, e, sl] + b2[s, e, sl]
                o2[s, e, sl] = _tanh_lane(y)
            return c2
        lax.fori_loop(0, n, row_body, 0)

    issue_in(0, 0)
    issue_in(1, 1)

    def pair_body(g, carry):
        for s in (0, 1):
            ci = 2 * g + s
            wait_in(ci, s)

            @pl.when(g >= 1)
            def _():
                out_copy(ci - 2, s, CHUNK).wait()

            compute(s)
            out_copy(ci, s, CHUNK).start()
            if s == 0:
                issue_in(ci + 2, s)
            else:
                @pl.when(g < N_PAIRS - 1)
                def _():
                    issue_in(ci + 2, s)

                @pl.when(g == N_PAIRS - 1)
                def _():
                    issue_in(N_FULL, s, TAIL)
        return carry

    lax.fori_loop(0, N_PAIRS, pair_body, 0)

    wait_in(N_FULL - 1, 0)
    out_copy(N_FULL - 3, 0, CHUNK).wait()
    compute(0)
    out_copy(N_FULL - 1, 0, CHUNK).start()

    wait_in(N_FULL, 1, TAIL)
    out_copy(N_FULL - 2, 1, CHUNK).wait()
    compute(1, TAIL)
    out_copy(N_FULL, 1, TAIL).start()

    out_copy(N_FULL - 1, 0, CHUNK).wait()
    out_copy(N_FULL, 1, TAIL).wait()


@jax.jit
def kernel(x, idx, W, b):
    idx32 = idx.astype(jnp.int32)
    mesh = plsc.VectorSubcoreMesh(core_axis_name="c", subcore_axis_name="s")
    run = functools.partial(
        pl.kernel,
        mesh=mesh,
        out_type=jax.ShapeDtypeStruct((N_EDGES, D_FEAT), jnp.float32),
        scratch_types=[
            pltpu.VMEM((E_PER_W,), jnp.int32),
            pltpu.VMEM((2, CHUNK, D_FEAT), jnp.float32),
            pltpu.VMEM((2, CHUNK, D_FEAT), jnp.float32),
            pltpu.VMEM((2, CHUNK, D_FEAT), jnp.float32),
            pltpu.VMEM((2, CHUNK, D_FEAT), jnp.float32),
        ] + [pltpu.SemaphoreType.DMA] * 8,
    )(_sc_body)
    return run(x, idx32, W, b)

# --- scband reference (transcript-rebuilt; emitter-appended) ---
"""Pipeline reference for scband-weighted-atom-layer-5420248727865 (READ-ONLY COPY).

The authoritative reference and input builder live on the scoring server;
editing this copy changes nothing except your own understanding.
"""

import jax, jax.numpy as jnp
import numpy as np

N_NODES = 10000
N_EDGES = 320000
D_FEAT = 128

def setup_inputs(seed: int = 0) -> dict:
    key = jax.random.key(seed)
    k1, k2, k3, k4 = jax.random.split(key, 4)
    # layer_values: concatenated source-neuron values, dict[int, Tensor] flattened into one tensor
    x = jax.random.normal(k1, (N_NODES, D_FEAT), dtype=jnp.float32)
    # gather module: precomputed ordinal indices of each neuron's input
    idx = jax.random.randint(k2, (N_EDGES,), 0, N_NODES, dtype=jnp.int64)
    # Linear(assume_all_weights_same=False): per-neuron (per-gathered-row) learned weights + bias
    W = jax.random.normal(k3, (N_EDGES, D_FEAT), dtype=jnp.float32) * 0.1
    b = jax.random.normal(k4, (N_EDGES, D_FEAT), dtype=jnp.float32) * 0.1
    return {"x": x, "idx": idx, "W": W, "b": b}

def reference(x, idx, W, b):
    # self.gather(layer_values): index into flattened value store
    input_values = jnp.take(x, idx, axis=0)
    # self.linear(input_values): per-neuron weighted transform (weights NOT shared)
    y = input_values * W + b
    # torch.tanh(y)
    return jnp.tanh(y)

if __name__ == "__main__":
    import jax
    _d = setup_inputs()
    print(jax.jit(kernel)(*tuple(_d.values())))

</pallas_src>

<mosaic_0001>
#map = affine_map<(d0, d1) -> (0, 0)>
#map1 = affine_map<(d0, d1) -> (0)>
module attributes {stable_mosaic.version = 14 : i64} {
  func.func @_sc_body(%arg0: i32, %arg1: i32, %arg2: memref<10000x128xf32, #tpu.memory_space<hbm>>, %arg3: memref<320000xi32, #tpu.memory_space<hbm>>, %arg4: memref<320000x128xf32, #tpu.memory_space<hbm>>, %arg5: memref<320000x128xf32, #tpu.memory_space<hbm>>, %arg6: memref<320000x128xf32, #tpu.memory_space<hbm>>, %arg7: memref<10000xi32, #tpu.memory_space<vmem>>, %arg8: memref<2x112x128xf32, #tpu.memory_space<vmem>>, %arg9: memref<2x112x128xf32, #tpu.memory_space<vmem>>, %arg10: memref<2x112x128xf32, #tpu.memory_space<vmem>>, %arg11: memref<2x112x128xf32, #tpu.memory_space<vmem>>, %arg12: memref<!tpu.dma_semaphore, #tpu.memory_space<semaphore_mem>>, %arg13: memref<!tpu.dma_semaphore, #tpu.memory_space<semaphore_mem>>, %arg14: memref<!tpu.dma_semaphore, #tpu.memory_space<semaphore_mem>>, %arg15: memref<!tpu.dma_semaphore, #tpu.memory_space<semaphore_mem>>, %arg16: memref<!tpu.dma_semaphore, #tpu.memory_space<semaphore_mem>>, %arg17: memref<!tpu.dma_semaphore, #tpu.memory_space<semaphore_mem>>, %arg18: memref<!tpu.dma_semaphore, #tpu.memory_space<semaphore_mem>>, %arg19: memref<!tpu.dma_semaphore, #tpu.memory_space<semaphore_mem>>) attributes {dimension_semantics = [#tpu.dimension_semantics<core_parallel>, #tpu.dimension_semantics<subcore_parallel>], iteration_bounds = array<i64: 2, 16>, scalar_prefetch = 0 : i64, scratch_operands = 13 : i64, tpu.core_type = #tpu.core_type<sc_vector_subcore>, window_params = [{transform_indices = #map}, {transform_indices = #map1}, {transform_indices = #map}, {transform_indices = #map}, {transform_indices = #map}]} {
    %mul3A = arith.constant 2 : i32
    %mul3A_0 = arith.muli %arg1, %mul3A : i32
    %add3A = arith.addi %mul3A_0, %arg0 : i32
    %mul3A_1 = arith.constant 10000 : i32
    %mul3A_2 = arith.muli %add3A, %mul3A_1 : i32
    "tpu.region"() ({
      %run_scoped3A = tpu.sem_alloc : memref<!tpu.dma_semaphore, #tpu.memory_space<semaphore_mem>>
      %dma_start3A_265 = tpu.memref_slice %arg3[%mul3A_2] : memref<320000xi32, #tpu.memory_space<hbm>> -> memref<10000xi32, #tpu.memory_space<hbm>>
      %dma_start3A_266 = tpu.memref_slice %arg3[%mul3A_2] : memref<320000xi32, #tpu.memory_space<hbm>> -> memref<10000xi32, #tpu.memory_space<hbm>>
      tpu.enqueue_dma source(%dma_start3A_266 : memref<10000xi32, #tpu.memory_space<hbm>>) target(%arg7 : memref<10000xi32, #tpu.memory_space<vmem>>) target_semaphore(%run_scoped3A : memref<!tpu.dma_semaphore, #tpu.memory_space<semaphore_mem>>)
      %dma_wait3A_267 = tpu.memref_slice %arg3[%mul3A_2] : memref<320000xi32, #tpu.memory_space<hbm>> -> memref<10000xi32, #tpu.memory_space<hbm>>
      %dma_wait3A_268 = tpu.memref_slice %arg3[%mul3A_2] : memref<320000xi32, #tpu.memory_space<hbm>> -> memref<10000xi32, #tpu.memory_space<hbm>>
      tpu.wait_dma2 semaphore(%run_scoped3A : memref<!tpu.dma_semaphore, #tpu.memory_space<semaphore_mem>>) src(%dma_wait3A_268 : memref<10000xi32, #tpu.memory_space<hbm>>) dst(%arg7 : memref<10000xi32, #tpu.memory_space<vmem>>)
      tpu.yield
    }) : () -> ()
    %multiple_of3A = arith.constant 0 : i32
    %multiple_of3A_3 = tpu.assume_multiple %multiple_of3A, 8 : i32
    %add3A_4 = arith.addi %mul3A_2, %multiple_of3A_3 : i32
    %dma_start3A = arith.constant 0 : i32
    %dma_start3A_5 = arith.constant 0 : i32
    %dma_start3A_6 = arith.constant 0 : i32
    %dma_start3A_7 = tpu.memref_slice %arg8[%dma_start3A, %dma_start3A_5, %dma_start3A_6] : memref<2x112x128xf32, #tpu.memory_space<vmem>> -> memref<1x112x128xf32, #tpu.memory_space<vmem>>
    %dma_start3A_8 = tpu.memref_squeeze %dma_start3A_7 : memref<1x112x128xf32, #tpu.memory_space<vmem>> -> memref<112x128xf32, #tpu.memory_space<vmem>>
    %dma_start3A_9 = tpu.memref_slice %arg7[%multiple_of3A_3] : memref<10000xi32, #tpu.memory_space<vmem>> -> memref<112xi32, #tpu.memory_space<vmem>>
    %dma_start3A_10 = arith.constant 0 : i32
    %dma_start3A_11 = arith.constant 0 : i32
    %dma_start3A_12 = tpu.memref_slice %arg2[%dma_start3A_10, %dma_start3A_11] : memref<10000x128xf32, #tpu.memory_space<hbm>> -> memref<10000x128xf32, #tpu.memory_space<hbm>>
    tpu.enqueue_indirect_dma source(%dma_start3A_12 : memref<10000x128xf32, #tpu.memory_space<hbm>>) target(%dma_start3A_8 : memref<112x128xf32, #tpu.memory_space<vmem>>) offsets(%dma_start3A_9 : memref<112xi32, #tpu.memory_space<vmem>>) semaphore(%arg12 : memref<!tpu.dma_semaphore, #tpu.memory_space<semaphore_mem>>)
    %dma_start3A_13 = arith.constant 0 : i32
    %dma_start3A_14 = arith.constant 0 : i32
    %dma_start3A_15 = arith.constant 0 : i32
    %dma_start3A_16 = tpu.memref_slice %arg9[%dma_start3A_13, %dma_start3A_14, %dma_start3A_15] : memref<2x112x128xf32, #tpu.memory_space<vmem>> -> memref<1x112x128xf32, #tpu.memory_space<vmem>>
    %dma_start3A_17 = tpu.memref_squeeze %dma_start3A_16 : memref<1x112x128xf32, #tpu.memory_space<vmem>> -> memref<112x128xf32, #tpu.memory_space<vmem>>
    %dma_start3A_18 = arith.constant 0 : i32
    %dma_start3A_19 = tpu.memref_slice %arg4[%add3A_4, %dma_start3A_18] : memref<320000x128xf32, #tpu.memory_space<hbm>> -> memref<112x128xf32, #tpu.memory_space<hbm>>
    %dma_start3A_20 = arith.constant 0 : i32
    %dma_start3A_21 = arith.constant 0 : i32
    %dma_start3A_22 = tpu.memref_slice %arg9[%dma_start3A_13, %dma_start3A_20, %dma_start3A_21] : memref<2x112x128xf32, #tpu.memory_space<vmem>> -> memref<1x112x128xf32, #tpu.memory_space<vmem>>
    %dma_start3A_23 = tpu.memref_squeeze %dma_start3A_22 : memref<1x112x128xf32, #tpu.memory_space<vmem>> -> memref<112x128xf32, #tpu.memory_space<vmem>>
    %dma_start3A_24 = arith.constant 0 : i32
    %dma_start3A_25 = tpu.memref_slice %arg4[%add3A_4, %dma_start3A_24] : memref<320000x128xf32, #tpu.memory_space<hbm>> -> memref<112x128xf32, #tpu.memory_space<hbm>>
    tpu.enqueue_dma source(%dma_start3A_25 : memref<112x128xf32, #tpu.memory_space<hbm>>) target(%dma_start3A_23 : memref<112x128xf32, #tpu.memory_space<vmem>>) target_semaphore(%arg14 : memref<!tpu.dma_semaphore, #tpu.memory_space<semaphore_mem>>)
    %dma_start3A_26 = arith.constant 0 : i32
    %dma_start3A_27 = arith.constant 0 : i32
    %dma_start3A_28 = arith.constant 0 : i32
    %dma_start3A_29 = tpu.memref_slice %arg10[%dma_start3A_26, %dma_start3A_27, %dma_start3A_28] : memref<2x112x128xf32, #tpu.memory_space<vmem>> -> memref<1x112x128xf32, #tpu.memory_space<vmem>>
    %dma_start3A_30 = tpu.memref_squeeze %dma_start3A_29 : memref<1x112x128xf32, #tpu.memory_space<vmem>> -> memref<112x128xf32, #tpu.memory_space<vmem>>
    %dma_start3A_31 = arith.constant 0 : i32
    %dma_start3A_32 = tpu.memref_slice %arg5[%add3A_4, %dma_start3A_31] : memref<320000x128xf32, #tpu.memory_space<hbm>> -> memref<112x128xf32, #tpu.memory_space<hbm>>
    %dma_start3A_33 = arith.constant 0 : i32
    %dma_start3A_34 = arith.constant 0 : i32
    %dma_start3A_35 = tpu.memref_slice %arg10[%dma_start3A_26, %dma_start3A_33, %dma_start3A_34] : memref<2x112x128xf32, #tpu.memory_space<vmem>> -> memref<1x112x128xf32, #tpu.memory_space<vmem>>
    %dma_start3A_36 = tpu.memref_squeeze %dma_start3A_35 : memref<1x112x128xf32, #tpu.memory_space<vmem>> -> memref<112x128xf32, #tpu.memory_space<vmem>>
    %dma_start3A_37 = arith.constant 0 : i32
    %dma_start3A_38 = tpu.memref_slice %arg5[%add3A_4, %dma_start3A_37] : memref<320000x128xf32, #tpu.memory_space<hbm>> -> memref<112x128xf32, #tpu.memory_space<hbm>>
    tpu.enqueue_dma source(%dma_start3A_38 : memref<112x128xf32, #tpu.memory_space<hbm>>) target(%dma_start3A_36 : memref<112x128xf32, #tpu.memory_space<vmem>>) target_semaphore(%arg16 : memref<!tpu.dma_semaphore, #tpu.memory_space<semaphore_mem>>)
    %multiple_of3A_39 = arith.constant 112 : i32
    %multiple_of3A_40 = tpu.assume_multiple %multiple_of3A_39, 8 : i32
    %add3A_41 = arith.addi %mul3A_2, %multiple_of3A_40 : i32
    %dma_start3A_42 = arith.constant 1 : i32
    %dma_start3A_43 = arith.constant 0 : i32
    %dma_start3A_44 = arith.constant 0 : i32
    %dma_start3A_45 = tpu.memref_slice %arg8[%dma_start3A_42, %dma_start3A_43, %dma_start3A_44] : memref<2x112x128xf32, #tpu.memory_space<vmem>> -> memref<1x112x128xf32, #tpu.memory_space<vmem>>
    %dma_start3A_46 = tpu.memref_squeeze %dma_start3A_45 : memref<1x112x128xf32, #tpu.memory_space<vmem>> -> memref<112x128xf32, #tpu.memory_space<vmem>>
    %dma_start3A_47 = tpu.memref_slice %arg7[%multiple_of3A_40] : memref<10000xi32, #tpu.memory_space<vmem>> -> memref<112xi32, #tpu.memory_space<vmem>>
    %dma_start3A_48 = arith.constant 0 : i32
    %dma_start3A_49 = arith.constant 0 : i32
    %dma_start3A_50 = tpu.memref_slice %arg2[%dma_start3A_48, %dma_start3A_49] : memref<10000x128xf32, #tpu.memory_space<hbm>> -> memref<10000x128xf32, #tpu.memory_space<hbm>>
    tpu.enqueue_indirect_dma source(%dma_start3A_50 : memref<10000x128xf32, #tpu.memory_space<hbm>>) target(%dma_start3A_46 : memref<112x128xf32, #tpu.memory_space<vmem>>) offsets(%dma_start3A_47 : memref<112xi32, #tpu.memory_space<vmem>>) semaphore(%arg13 : memref<!tpu.dma_semaphore, #tpu.memory_space<semaphore_mem>>)
    %dma_start3A_51 = arith.constant 1 : i32
    %dma_start3A_52 = arith.constant 0 : i32
    %dma_start3A_53 = arith.constant 0 : i32
    %dma_start3A_54 = tpu.memref_slice %arg9[%dma_start3A_51, %dma_start3A_52, %dma_start3A_53] : memref<2x112x128xf32, #tpu.memory_space<vmem>> -> memref<1x112x128xf32, #tpu.memory_space<vmem>>
    %dma_start3A_55 = tpu.memref_squeeze %dma_start3A_54 : memref<1x112x128xf32, #tpu.memory_space<vmem>> -> memref<112x128xf32, #tpu.memory_space<vmem>>
    %dma_start3A_56 = arith.constant 0 : i32
    %dma_start3A_57 = tpu.memref_slice %arg4[%add3A_41, %dma_start3A_56] : memref<320000x128xf32, #tpu.memory_space<hbm>> -> memref<112x128xf32, #tpu.memory_space<hbm>>
    %dma_start3A_58 = arith.constant 0 : i32
    %dma_start3A_59 = arith.constant 0 : i32
    %dma_start3A_60 = tpu.memref_slice %arg9[%dma_start3A_51, %dma_start3A_58, %dma_start3A_59] : memref<2x112x128xf32, #tpu.memory_space<vmem>> -> memref<1x112x128xf32, #tpu.memory_space<vmem>>
    %dma_start3A_61 = tpu.memref_squeeze %dma_start3A_60 : memref<1x112x128xf32, #tpu.memory_space<vmem>> -> memref<112x128xf32, #tpu.memory_space<vmem>>
    %dma_start3A_62 = arith.constant 0 : i32
    %dma_start3A_63 = tpu.memref_slice %arg4[%add3A_41, %dma_start3A_62] : memref<320000x128xf32, #tpu.memory_space<hbm>> -> memref<112x128xf32, #tpu.memory_space<hbm>>
    tpu.enqueue_dma source(%dma_start3A_63 : memref<112x128xf32, #tpu.memory_space<hbm>>) target(%dma_start3A_61 : memref<112x128xf32, #tpu.memory_space<vmem>>) target_semaphore(%arg15 : memref<!tpu.dma_semaphore, #tpu.memory_space<semaphore_mem>>)
    %dma_start3A_64 = arith.constant 1 : i32
    %dma_start3A_65 = arith.constant 0 : i32
    %dma_start3A_66 = arith.constant 0 : i32
    %dma_start3A_67 = tpu.memref_slice %arg10[%dma_start3A_64, %dma_start3A_65, %dma_start3A_66] : memref<2x112x128xf32, #tpu.memory_space<vmem>> -> memref<1x112x128xf32, #tpu.memory_space<vmem>>
    %dma_start3A_68 = tpu.memref_squeeze %dma_start3A_67 : memref<1x112x128xf32, #tpu.memory_space<vmem>> -> memref<112x128xf32, #tpu.memory_space<vmem>>
    %dma_start3A_69 = arith.constant 0 : i32
    %dma_start3A_70 = tpu.memref_slice %arg5[%add3A_41, %dma_start3A_69] : memref<320000x128xf32, #tpu.memory_space<hbm>> -> memref<112x128xf32, #tpu.memory_space<hbm>>
    %dma_start3A_71 = arith.constant 0 : i32
    %dma_start3A_72 = arith.constant 0 : i32
    %dma_start3A_73 = tpu.memref_slice %arg10[%dma_start3A_64, %dma_start3A_71, %dma_start3A_72] : memref<2x112x128xf32, #tpu.memory_space<vmem>> -> memref<1x112x128xf32, #tpu.memory_space<vmem>>
    %dma_start3A_74 = tpu.memref_squeeze %dma_start3A_73 : memref<1x112x128xf32, #tpu.memory_space<vmem>> -> memref<112x128xf32, #tpu.memory_space<vmem>>
    %dma_start3A_75 = arith.constant 0 : i32
    %dma_start3A_76 = tpu.memref_slice %arg5[%add3A_41, %dma_start3A_75] : memref<320000x128xf32, #tpu.memory_space<hbm>> -> memref<112x128xf32, #tpu.memory_space<hbm>>
    tpu.enqueue_dma source(%dma_start3A_76 : memref<112x128xf32, #tpu.memory_space<hbm>>) target(%dma_start3A_74 : memref<112x128xf32, #tpu.memory_space<vmem>>) target_semaphore(%arg17 : memref<!tpu.dma_semaphore, #tpu.memory_space<semaphore_mem>>)
    %scan3A = arith.constant 0 : i32
    %scan3A_77 = arith.constant 0 : i32
    %scan3A_78 = arith.constant 44 : i32
    %scan3A_79 = arith.addi %scan3A_77, %scan3A_78 : i32
    %scan3A_80 = arith.constant 1 : i32
    scf.for %scan3A_265 = %scan3A_77 to %scan3A_79 step %scan3A_80  : i32 {
      %mul3A_266 = arith.constant 2 : i32
      %mul3A_267 = arith.muli %mul3A_266, %scan3A_265 : i32
      %add3A_268 = arith.constant 0 : i32
      %add3A_269 = arith.addi %mul3A_267, %add3A_268 : i32
      %mul3A_270 = arith.constant 112 : i32
      %mul3A_271 = arith.muli %add3A_269, %mul3A_270 : i32
      %multiple_of3A_272 = tpu.assume_multiple %mul3A_271, 8 : i32
      %add3A_273 = arith.addi %mul3A_2, %multiple_of3A_272 : i32
      %dma_wait3A_274 = arith.constant 0 : i32
      %dma_wait3A_275 = arith.constant 0 : i32
      %dma_wait3A_276 = arith.constant 0 : i32
      %dma_wait3A_277 = tpu.memref_slice %arg8[%dma_wait3A_274, %dma_wait3A_275, %dma_wait3A_276] : memref<2x112x128xf32, #tpu.memory_space<vmem>> -> memref<1x112x128xf32, #tpu.memory_space<vmem>>
      %dma_wait3A_278 = tpu.memref_squeeze %dma_wait3A_277 : memref<1x112x128xf32, #tpu.memory_space<vmem>> -> memref<112x128xf32, #tpu.memory_space<vmem>>
      %dma_wait3A_279 = tpu.memref_slice %arg7[%multiple_of3A_272] : memref<10000xi32, #tpu.memory_space<vmem>> -> memref<112xi32, #tpu.memory_space<vmem>>
      %dma_wait3A_280 = arith.constant 0 : i32
      %dma_wait3A_281 = arith.constant 0 : i32
      %dma_wait3A_282 = tpu.memref_slice %arg2[%dma_wait3A_280, %dma_wait3A_281] : memref<10000x128xf32, #tpu.memory_space<hbm>> -> memref<10000x128xf32, #tpu.memory_space<hbm>>
      tpu.wait_indirect_dma semaphore(%arg12 : memref<!tpu.dma_semaphore, #tpu.memory_space<semaphore_mem>>) src(%dma_wait3A_282 : memref<10000x128xf32, #tpu.memory_space<hbm>>) dst(%dma_wait3A_278 : memref<112x128xf32, #tpu.memory_space<vmem>>)
      %dma_wait3A_283 = arith.constant 0 : i32
      %dma_wait3A_284 = arith.constant 0 : i32
      %dma_wait3A_285 = arith.constant 0 : i32
      %dma_wait3A_286 = tpu.memref_slice %arg9[%dma_wait3A_283, %dma_wait3A_284, %dma_wait3A_285] : memref<2x112x128xf32, #tpu.memory_space<vmem>> -> memref<1x112x128xf32, #tpu.memory_space<vmem>>
      %dma_wait3A_287 = tpu.memref_squeeze %dma_wait3A_286 : memref<1x112x128xf32, #tpu.memory_space<vmem>> -> memref<112x128xf32, #tpu.memory_space<vmem>>
      %dma_wait3A_288 = arith.constant 0 : i32
      %dma_wait3A_289 = tpu.memref_slice %arg4[%add3A_273, %dma_wait3A_288] : memref<320000x128xf32, #tpu.memory_space<hbm>> -> memref<112x128xf32, #tpu.memory_space<hbm>>
      %dma_wait3A_290 = arith.constant 0 : i32
      %dma_wait3A_291 = arith.constant 0 : i32
      %dma_wait3A_292 = tpu.memref_slice %arg9[%dma_wait3A_283, %dma_wait3A_290, %dma_wait3A_291] : memref<2x112x128xf32, #tpu.memory_space<vmem>> -> memref<1x112x128xf32, #tpu.memory_space<vmem>>
      %dma_wait3A_293 = tpu.memref_squeeze %dma_wait3A_292 : memref<1x112x128xf32, #tpu.memory_space<vmem>> -> memref<112x128xf32, #tpu.memory_space<vmem>>
      %dma_wait3A_294 = arith.constant 0 : i32
      %dma_wait3A_295 = tpu.memref_slice %arg4[%add3A_273, %dma_wait3A_294] : memref<320000x128xf32, #tpu.memory_space<hbm>> -> memref<112x128xf32, #tpu.memory_space<hbm>>
      tpu.wait_dma2 semaphore(%arg14 : memref<!tpu.dma_semaphore, #tpu.memory_space<semaphore_mem>>) src(%dma_wait3A_295 : memref<112x128xf32, #tpu.memory_space<hbm>>) dst(%dma_wait3A_293 : memref<112x128xf32, #tpu.memory_space<vmem>>)
      %dma_wait3A_296 = arith.constant 0 : i32
      %dma_wait3A_297 = arith.constant 0 : i32
      %dma_wait3A_298 = arith.constant 0 : i32
      %dma_wait3A_299 = tpu.memref_slice %arg10[%dma_wait3A_296, %dma_wait3A_297, %dma_wait3A_298] : memref<2x112x128xf32, #tpu.memory_space<vmem>> -> memref<1x112x128xf32, #tpu.memory_space<vmem>>
      %dma_wait3A_300 = tpu.memref_squeeze %dma_wait3A_299 : memref<1x112x128xf32, #tpu.memory_space<vmem>> -> memref<112x128xf32, #tpu.memory_space<vmem>>
      %dma_wait3A_301 = arith.constant 0 : i32
      %dma_wait3A_302 = tpu.memref_slice %arg5[%add3A_273, %dma_wait3A_301] : memref<320000x128xf32, #tpu.memory_space<hbm>> -> memref<112x128xf32, #tpu.memory_space<hbm>>
      %dma_wait3A_303 = arith.constant 0 : i32
      %dma_wait3A_304 = arith.constant 0 : i32
      %dma_wait3A_305 = tpu.memref_slice %arg10[%dma_wait3A_296, %dma_wait3A_303, %dma_wait3A_304] : memref<2x112x128xf32, #tpu.memory_space<vmem>> -> memref<1x112x128xf32, #tpu.memory_space<vmem>>
      %dma_wait3A_306 = tpu.memref_squeeze %dma_wait3A_305 : memref<1x112x128xf32, #tpu.memory_space<vmem>> -> memref<112x128xf32, #tpu.memory_space<vmem>>
      %dma_wait3A_307 = arith.constant 0 : i32
      %dma_wait3A_308 = tpu.memref_slice %arg5[%add3A_273, %dma_wait3A_307] : memref<320000x128xf32, #tpu.memory_space<hbm>> -> memref<112x128xf32, #tpu.memory_space<hbm>>
      tpu.wait_dma2 semaphore(%arg16 : memref<!tpu.dma_semaphore, #tpu.memory_space<semaphore_mem>>) src(%dma_wait3A_308 : memref<112x128xf32, #tpu.memory_space<hbm>>) dst(%dma_wait3A_306 : memref<112x128xf32, #tpu.memory_space<vmem>>)
      %ge3A = arith.constant 1 : i32
      %ge3A_309 = arith.cmpi sge, %scan3A_265, %ge3A : i32
      %convert_element_type3A = arith.extui %ge3A_309 : i1 to i32
      %cond3A = arith.constant 0 : i32
      %cond3A_310 = arith.cmpi ne, %convert_element_type3A, %cond3A : i32
      scf.if %cond3A_310 {
        %sub3A = arith.constant 2 : i32
        %sub3A_454 = arith.subi %add3A_269, %sub3A : i32
        %mul3A_455 = arith.constant 112 : i32
        %mul3A_456 = arith.muli %sub3A_454, %mul3A_455 : i32
        %multiple_of3A_457 = tpu.assume_multiple %mul3A_456, 8 : i32
        %add3A_458 = arith.addi %mul3A_2, %multiple_of3A_457 : i32
        %dma_wait3A_459 = arith.constant 0 : i32
        %dma_wait3A_460 = arith.constant 0 : i32
        %dma_wait3A_461 = arith.constant 0 : i32
        %dma_wait3A_462 = tpu.memref_slice %arg11[%dma_wait3A_459, %dma_wait3A_460, %dma_wait3A_461] : memref<2x112x128xf32, #tpu.memory_space<vmem>> -> memref<1x112x128xf32, #tpu.memory_space<vmem>>
        %dma_wait3A_463 = tpu.memref_squeeze %dma_wait3A_462 : memref<1x112x128xf32, #tpu.memory_space<vmem>> -> memref<112x128xf32, #tpu.memory_space<vmem>>
        %dma_wait3A_464 = arith.constant 0 : i32
        %dma_wait3A_465 = tpu.memref_slice %arg6[%add3A_458, %dma_wait3A_464] : memref<320000x128xf32, #tpu.memory_space<hbm>> -> memref<112x128xf32, #tpu.memory_space<hbm>>
        %dma_wait3A_466 = arith.constant 0 : i32
        %dma_wait3A_467 = tpu.memref_slice %arg6[%add3A_458, %dma_wait3A_466] : memref<320000x128xf32, #tpu.memory_space<hbm>> -> memref<112x128xf32, #tpu.memory_space<hbm>>
        %dma_wait3A_468 = arith.constant 0 : i32
        %dma_wait3A_469 = arith.constant 0 : i32
        %dma_wait3A_470 = tpu.memref_slice %arg11[%dma_wait3A_459, %dma_wait3A_468, %dma_wait3A_469] : memref<2x112x128xf32, #tpu.memory_space<vmem>> -> memref<1x112x128xf32, #tpu.memory_space<vmem>>
        %dma_wait3A_471 = tpu.memref_squeeze %dma_wait3A_470 : memref<1x112x128xf32, #tpu.memory_space<vmem>> -> memref<112x128xf32, #tpu.memory_space<vmem>>
        tpu.wait_dma2 semaphore(%arg18 : memref<!tpu.dma_semaphore, #tpu.memory_space<semaphore_mem>>) src(%dma_wait3A_471 : memref<112x128xf32, #tpu.memory_space<vmem>>) dst(%dma_wait3A_467 : memref<112x128xf32, #tpu.memory_space<hbm>>)
      } else {
      }
      %scan3A_311 = arith.constant 0 : i32
      %scan3A_312 = arith.constant 0 : i32
      %scan3A_313 = arith.constant 112 : i32
      %scan3A_314 = arith.addi %scan3A_312, %scan3A_313 : i32
      %scan3A_315 = arith.constant 1 : i32
      scf.for %scan3A_454 = %scan3A_312 to %scan3A_314 step %scan3A_315  : i32 {
        %get3A = arith.constant 0 : i32
        %get3A_455 = arith.index_cast %get3A : i32 to index
        %get3A_456 = arith.index_cast %scan3A_454 : i32 to index
        %get3A_457 = arith.constant 0 : index
        %get3A_458 = tpu.vector_load %arg8[%get3A_455, %get3A_456, %get3A_457] {strides = array<i32>} : memref<2x112x128xf32, #tpu.memory_space<vmem>>, vector<1x1x16xf32>,
        %get3A_459 = vector.shape_cast %get3A_458 : vector<1x1x16xf32> to vector<16xf32>
        %get3A_460 = arith.constant 0 : i32
        %get3A_461 = arith.index_cast %get3A_460 : i32 to index
        %get3A_462 = arith.index_cast %scan3A_454 : i32 to index
        %get3A_463 = arith.constant 0 : index
        %get3A_464 = tpu.vector_load %arg9[%get3A_461, %get3A_462, %get3A_463] {strides = array<i32>} : memref<2x112x128xf32, #tpu.memory_space<vmem>>, vector<1x1x16xf32>,
        %get3A_465 = vector.shape_cast %get3A_464 : vector<1x1x16xf32> to vector<16xf32>
        %mul3A_466 = arith.mulf %get3A_459, %get3A_465 : vector<16xf32>
        %get3A_467 = arith.constant 0 : i32
        %get3A_468 = arith.index_cast %get3A_467 : i32 to index
        %get3A_469 = arith.index_cast %scan3A_454 : i32 to index
        %get3A_470 = arith.constant 0 : index
        %get3A_471 = tpu.vector_load %arg10[%get3A_468, %get3A_469, %get3A_470] {strides = array<i32>} : memref<2x112x128xf32, #tpu.memory_space<vmem>>, vector<1x1x16xf32>,
        %get3A_472 = vector.shape_cast %get3A_471 : vector<1x1x16xf32> to vector<16xf32>
        %add3A_473 = arith.addf %mul3A_466, %get3A_472 : vector<16xf32>
        %add3A_474 = arith.addf %add3A_473, %add3A_473 : vector<16xf32>
        %exp3A = math.exp %add3A_474 : vector<16xf32>
        %add3A_475 = arith.constant 1.000000e+00 : f32
        %add3A_476 = vector.broadcast %add3A_475 : f32 to vector<16xf32>
        %add3A_477 = arith.addf %exp3A, %add3A_476 : vector<16xf32>
        %div3A = arith.constant 2.000000e+00 : f32
        %div3A_478 = vector.broadcast %div3A : f32 to vector<16xf32>
        %div3A_479 = arith.divf %div3A_478, %add3A_477 : vector<16xf32>
        %sub3A = arith.constant 1.000000e+00 : f32
        %sub3A_480 = vector.broadcast %sub3A : f32 to vector<16xf32>
        %sub3A_481 = arith.subf %sub3A_480, %div3A_479 : vector<16xf32>
        %swap3A = arith.constant 0 : i32
        %swap3A_482 = arith.index_cast %swap3A : i32 to index
        %swap3A_483 = arith.index_cast %scan3A_454 : i32 to index
        %swap3A_484 = arith.constant 0 : index
        %swap3A_485 = tpu.vector_load %arg11[%swap3A_482, %swap3A_483, %swap3A_484] {strides = array<i32>} : memref<2x112x128xf32, #tpu.memory_space<vmem>>, vector<1x1x16xf32>,
        %swap3A_486 = vector.shape_cast %swap3A_485 : vector<1x1x16xf32> to vector<16xf32>
        %swap3A_487 = vector.shape_cast %sub3A_481 : vector<16xf32> to vector<1x1x16xf32>
        tpu.vector_store %arg11[%swap3A_482, %swap3A_483, %swap3A_484], %swap3A_487 {strides = array<i32>} : memref<2x112x128xf32, #tpu.memory_space<vmem>>, vector<1x1x16xf32>,
        %get3A_488 = arith.constant 0 : i32
        %get3A_489 = arith.index_cast %get3A_488 : i32 to index
        %get3A_490 = arith.index_cast %scan3A_454 : i32 to index
        %get3A_491 = arith.constant 16 : index
        %get3A_492 = tpu.vector_load %arg8[%get3A_489, %get3A_490, %get3A_491] {strides = array<i32>} : memref<2x112x128xf32, #tpu.memory_space<vmem>>, vector<1x1x16xf32>,
        %get3A_493 = vector.shape_cast %get3A_492 : vector<1x1x16xf32> to vector<16xf32>
        %get3A_494 = arith.constant 0 : i32
        %get3A_495 = arith.index_cast %get3A_494 : i32 to index
        %get3A_496 = arith.index_cast %scan3A_454 : i32 to index
        %get3A_497 = arith.constant 16 : index
        %get3A_498 = tpu.vector_load %arg9[%get3A_495, %get3A_496, %get3A_497] {strides = array<i32>} : memref<2x112x128xf32, #tpu.memory_space<vmem>>, vector<1x1x16xf32>,
        %get3A_499 = vector.shape_cast %get3A_498 : vector<1x1x16xf32> to vector<16xf32>
        %mul3A_500 = arith.mulf %get3A_493, %get3A_499 : vector<16xf32>
        %get3A_501 = arith.constant 0 : i32
        %get3A_502 = arith.index_cast %get3A_501 : i32 to index
        %get3A_503 = arith.index_cast %scan3A_454 : i32 to index
        %get3A_504 = arith.constant 16 : index
        %get3A_505 = tpu.vector_load %arg10[%get3A_502, %get3A_503, %get3A_504] {strides = array<i32>} : memref<2x112x128xf32, #tpu.memory_space<vmem>>, vector<1x1x16xf32>,
        %get3A_506 = vector.shape_cast %get3A_505 : vector<1x1x16xf32> to vector<16xf32>
        %add3A_507 = arith.addf %mul3A_500, %get3A_506 : vector<16xf32>
        %add3A_508 = arith.addf %add3A_507, %add3A_507 : vector<16xf32>
        %exp3A_509 = math.exp %add3A_508 : vector<16xf32>
        %add3A_510 = arith.constant 1.000000e+00 : f32
        %add3A_511 = vector.broadcast %add3A_510 : f32 to vector<16xf32>
        %add3A_512 = arith.addf %exp3A_509, %add3A_511 : vector<16xf32>
        %div3A_513 = arith.constant 2.000000e+00 : f32
        %div3A_514 = vector.broadcast %div3A_513 : f32 to vector<16xf32>
        %div3A_515 = arith.divf %div3A_514, %add3A_512 : vector<16xf32>
        %sub3A_516 = arith.constant 1.000000e+00 : f32
        %sub3A_517 = vector.broadcast %sub3A_516 : f32 to vector<16xf32>
        %sub3A_518 = arith.subf %sub3A_517, %div3A_515 : vector<16xf32>
        %swap3A_519 = arith.constant 0 : i32
        %swap3A_520 = arith.index_cast %swap3A_519 : i32 to index
        %swap3A_521 = arith.index_cast %scan3A_454 : i32 to index
        %swap3A_522 = arith.constant 16 : index
        %swap3A_523 = tpu.vector_load %arg11[%swap3A_520, %swap3A_521, %swap3A_522] {strides = array<i32>} : memref<2x112x128xf32, #tpu.memory_space<vmem>>, vector<1x1x16xf32>,
        %swap3A_524 = vector.shape_cast %swap3A_523 : vector<1x1x16xf32> to vector<16xf32>
        %swap3A_525 = vector.shape_cast %sub3A_518 : vector<16xf32> to vector<1x1x16xf32>
        tpu.vector_store %arg11[%swap3A_520, %swap3A_521, %swap3A_522], %swap3A_525 {strides = array<i32>} : memref<2x112x128xf32, #tpu.memory_space<vmem>>, vector<1x1x16xf32>,
        %get3A_526 = arith.constant 0 : i32
        %get3A_527 = arith.index_cast %get3A_526 : i32 to index
        %get3A_528 = arith.index_cast %scan3A_454 : i32 to index
        %get3A_529 = arith.constant 32 : index
        %get3A_530 = tpu.vector_load %arg8[%get3A_527, %get3A_528, %get3A_529] {strides = array<i32>} : memref<2x112x128xf32, #tpu.memory_space<vmem>>, vector<1x1x16xf32>,
        %get3A_531 = vector.shape_cast %get3A_530 : vector<1x1x16xf32> to vector<16xf32>
        %get3A_532 = arith.constant 0 : i32
        %get3A_533 = arith.index_cast %get3A_532 : i32 to index
        %get3A_534 = arith.index_cast %scan3A_454 : i32 to index
        %get3A_535 = arith.constant 32 : index
        %get3A_536 = tpu.vector_load %arg9[%get3A_533, %get3A_534, %get3A_535] {strides = array<i32>} : memref<2x112x128xf32, #tpu.memory_space<vmem>>, vector<1x1x16xf32>,
        %get3A_537 = vector.shape_cast %get3A_536 : vector<1x1x16xf32> to vector<16xf32>
        %mul3A_538 = arith.mulf %get3A_531, %get3A_537 : vector<16xf32>
        %get3A_539 = arith.constant 0 : i32
        %get3A_540 = arith.index_cast %get3A_539 : i32 to index
        %get3A_541 = arith.index_cast %scan3A_454 : i32 to index
        %get3A_542 = arith.constant 32 : index
        %get3A_543 = tpu.vector_load %arg10[%get3A_540, %get3A_541, %get3A_542] {strides = array<i32>} : memref<2x112x128xf32, #tpu.memory_space<vmem>>, vector<1x1x16xf32>,
        %get3A_544 = vector.shape_cast %get3A_543 : vector<1x1x16xf32> to vector<16xf32>
        %add3A_545 = arith.addf %mul3A_538, %get3A_544 : vector<16xf32>
        %add3A_546 = arith.addf %add3A_545, %add3A_545 : vector<16xf32>
        %exp3A_547 = math.exp %add3A_546 : vector<16xf32>
        %add3A_548 = arith.constant 1.000000e+00 : f32
        %add3A_549 = vector.broadcast %add3A_548 : f32 to vector<16xf32>
        %add3A_550 = arith.addf %exp3A_547, %add3A_549 : vector<16xf32>
        %div3A_551 = arith.constant 2.000000e+00 : f32
        %div3A_552 = vector.broadcast %div3A_551 : f32 to vector<16xf32>
        %div3A_553 = arith.divf %div3A_552, %add3A_550 : vector<16xf32>
        %sub3A_554 = arith.constant 1.000000e+00 : f32
        %sub3A_555 = vector.broadcast %sub3A_554 : f32 to vector<16xf32>
        %sub3A_556 = arith.subf %sub3A_555, %div3A_553 : vector<16xf32>
        %swap3A_557 = arith.constant 0 : i32
        %swap3A_558 = arith.index_cast %swap3A_557 : i32 to index
        %swap3A_559 = arith.index_cast %scan3A_454 : i32 to index
        %swap3A_560 = arith.constant 32 : index
        %swap3A_561 = tpu.vector_load %arg11[%swap3A_558, %swap3A_559, %swap3A_560] {strides = array<i32>} : memref<2x112x128xf32, #tpu.memory_space<vmem>>, vector<1x1x16xf32>,
        %swap3A_562 = vector.shape_cast %swap3A_561 : vector<1x1x16xf32> to vector<16xf32>
        %swap3A_563 = vector.shape_cast %sub3A_556 : vector<16xf32> to vector<1x1x16xf32>
        tpu.vector_store %arg11[%swap3A_558, %swap3A_559, %swap3A_560], %swap3A_563 {strides = array<i32>} : memref<2x112x128xf32, #tpu.memory_space<vmem>>, vector<1x1x16xf32>,
        %get3A_564 = arith.constant 0 : i32
        %get3A_565 = arith.index_cast %get3A_564 : i32 to index
        %get3A_566 = arith.index_cast %scan3A_454 : i32 to index
        %get3A_567 = arith.constant 48 : index
        %get3A_568 = tpu.vector_load %arg8[%get3A_565, %get3A_566, %get3A_567] {strides = array<i32>} : memref<2x112x128xf32, #tpu.memory_space<vmem>>, vector<1x1x16xf32>,
        %get3A_569 = vector.shape_cast %get3A_568 : vector<1x1x16xf32> to vector<16xf32>
        %get3A_570 = arith.constant 0 : i32
        %get3A_571 = arith.index_cast %get3A_570 : i32 to index
        %get3A_572 = arith.index_cast %scan3A_454 : i32 to index
        %get3A_573 = arith.constant 48 : index
        %get3A_574 = tpu.vector_load %arg9[%get3A_571, %get3A_572, %get3A_573] {strides = array<i32>} : memref<2x112x128xf32, #tpu.memory_space<vmem>>, vector<1x1x16xf32>,
        %get3A_575 = vector.shape_cast %get3A_574 : vector<1x1x16xf32> to vector<16xf32>
        %mul3A_576 = arith.mulf %get3A_569, %get3A_575 : vector<16xf32>
        %get3A_577 = arith.constant 0 : i32
        %get3A_578 = arith.index_cast %get3A_577 : i32 to index
        %get3A_579 = arith.index_cast %scan3A_454 : i32 to index
        %get3A_580 = arith.constant 48 : index
        %get3A_581 = tpu.vector_load %arg10[%get3A_578, %get3A_579, %get3A_580] {strides = array<i32>} : memref<2x112x128xf32, #tpu.memory_space<vmem>>, vector<1x1x16xf32>,
        %get3A_582 = vector.shape_cast %get3A_581 : vector<1x1x16xf32> to vector<16xf32>
        %add3A_583 = arith.addf %mul3A_576, %get3A_582 : vector<16xf32>
        %add3A_584 = arith.addf %add3A_583, %add3A_583 : vector<16xf32>
        %exp3A_585 = math.exp %add3A_584 : vector<16xf32>
        %add3A_586 = arith.constant 1.000000e+00 : f32
        %add3A_587 = vector.broadcast %add3A_586 : f32 to vector<16xf32>
        %add3A_588 = arith.addf %exp3A_585, %add3A_587 : vector<16xf32>
        %div3A_589 = arith.constant 2.000000e+00 : f32
        %div3A_590 = vector.broadcast %div3A_589 : f32 to vector<16xf32>
        %div3A_591 = arith.divf %div3A_590, %add3A_588 : vector<16xf32>
        %sub3A_592 = arith.constant 1.000000e+00 : f32
        %sub3A_593 = vector.broadcast %sub3A_592 : f32 to vector<16xf32>
        %sub3A_594 = arith.subf %sub3A_593, %div3A_591 : vector<16xf32>
        %swap3A_595 = arith.constant 0 : i32
        %swap3A_596 = arith.index_cast %swap3A_595 : i32 to index
        %swap3A_597 = arith.index_cast %scan3A_454 : i32 to index
        %swap3A_598 = arith.constant 48 : index
        %swap3A_599 = tpu.vector_load %arg11[%swap3A_596, %swap3A_597, %swap3A_598] {strides = array<i32>} : memref<2x112x128xf32, #tpu.memory_space<vmem>>, vector<1x1x16xf32>,
        %swap3A_600 = vector.shape_cast %swap3A_599 : vector<1x1x16xf32> to vector<16xf32>
        %swap3A_601 = vector.shape_cast %sub3A_594 : vector<16xf32> to vector<1x1x16xf32>
        tpu.vector_store %arg11[%swap3A_596, %swap3A_597, %swap3A_598], %swap3A_601 {strides = array<i32>} : memref<2x112x128xf32, #tpu.memory_space<vmem>>, vector<1x1x16xf32>,
        %get3A_602 = arith.constant 0 : i32
        %get3A_603 = arith.index_cast %get3A_602 : i32 to index
        %get3A_604 = arith.index_cast %scan3A_454 : i32 to index
        %get3A_605 = arith.constant 64 : index
        %get3A_606 = tpu.vector_load %arg8[%get3A_603, %get3A_604, %get3A_605] {strides = array<i32>} : memref<2x112x128xf32, #tpu.memory_space<vmem>>, vector<1x1x16xf32>,
        %get3A_607 = vector.shape_cast %get3A_606 : vector<1x1x16xf32> to vector<16xf32>
        %get3A_608 = arith.constant 0 : i32
        %get3A_609 = arith.index_cast %get3A_608 : i32 to index
        %get3A_610 = arith.index_cast %scan3A_454 : i32 to index
        %get3A_611 = arith.constant 64 : index
        %get3A_612 = tpu.vector_load %arg9[%get3A_609, %get3A_610, %get3A_611] {strides = array<i32>} : memref<2x112x128xf32, #tpu.memory_space<vmem>>, vector<1x1x16xf32>,
        %get3A_613 = vector.shape_cast %get3A_612 : vector<1x1x16xf32> to vector<16xf32>
        %mul3A_614 = arith.mulf %get3A_607, %get3A_613 : vector<16xf32>
        %get3A_615 = arith.constant 0 : i32
        %get3A_616 = arith.index_cast %get3A_615 : i32 to index
        %get3A_617 = arith.index_cast %scan3A_454 : i32 to index
        %get3A_618 = arith.constant 64 : index
        %get3A_619 = tpu.vector_load %arg10[%get3A_616, %get3A_617, %get3A_618] {strides = array<i32>} : memref<2x112x128xf32, #tpu.memory_space<vmem>>, vector<1x1x16xf32>,
        %get3A_620 = vector.shape_cast %get3A_619 : vector<1x1x16xf32> to vector<16xf32>
        %add3A_621 = arith.addf %mul3A_614, %get3A_620 : vector<16xf32>
        %add3A_622 = arith.addf %add3A_621, %add3A_621 : vector<16xf32>
        %exp3A_623 = math.exp %add3A_622 : vector<16xf32>
        %add3A_624 = arith.constant 1.000000e+00 : f32
        %add3A_625 = vector.broadcast %add3A_624 : f32 to vector<16xf32>
        %add3A_626 = arith.addf %exp3A_623, %add3A_625 : vector<16xf32>
        %div3A_627 = arith.constant 2.000000e+00 : f32
        %div3A_628 = vector.broadcast %div3A_627 : f32 to vector<16xf32>
        %div3A_629 = arith.divf %div3A_628, %add3A_626 : vector<16xf32>
        %sub3A_630 = arith.constant 1.000000e+00 : f32
        %sub3A_631 = vector.broadcast %sub3A_630 : f32 to vector<16xf32>
        %sub3A_632 = arith.subf %sub3A_631, %div3A_629 : vector<16xf32>
        %swap3A_633 = arith.constant 0 : i32
        %swap3A_634 = arith.index_cast %swap3A_633 : i32 to index
        %swap3A_635 = arith.index_cast %scan3A_454 : i32 to index
        %swap3A_636 = arith.constant 64 : index
        %swap3A_637 = tpu.vector_load %arg11[%swap3A_634, %swap3A_635, %swap3A_636] {strides = array<i32>} : memref<2x112x128xf32, #tpu.memory_space<vmem>>, vector<1x1x16xf32>,
        %swap3A_638 = vector.shape_cast %swap3A_637 : vector<1x1x16xf32> to vector<16xf32>
        %swap3A_639 = vector.shape_cast %sub3A_632 : vector<16xf32> to vector<1x1x16xf32>
        tpu.vector_store %arg11[%swap3A_634, %swap3A_635, %swap3A_636], %swap3A_639 {strides = array<i32>} : memref<2x112x128xf32, #tpu.memory_space<vmem>>, vector<1x1x16xf32>,
        %get3A_640 = arith.constant 0 : i32
        %get3A_641 = arith.index_cast %get3A_640 : i32 to index
        %get3A_642 = arith.index_cast %scan3A_454 : i32 to index
        %get3A_643 = arith.constant 80 : index
        %get3A_644 = tpu.vector_load %arg8[%get3A_641, %get3A_642, %get3A_643] {strides = array<i32>} : memref<2x112x128xf32, #tpu.memory_space<vmem>>, vector<1x1x16xf32>,
        %get3A_645 = vector.shape_cast %get3A_644 : vector<1x1x16xf32> to vector<16xf32>
        %get3A_646 = arith.constant 0 : i32
        %get3A_647 = arith.index_cast %get3A_646 : i32 to index
        %get3A_648 = arith.index_cast %scan3A_454 : i32 to index
        %get3A_649 = arith.constant 80 : index
        %get3A_650 = tpu.vector_load %arg9[%get3A_647, %get3A_648, %get3A_649] {strides = array<i32>} : memref<2x112x128xf32, #tpu.memory_space<vmem>>, vector<1x1x16xf32>,
        %get3A_651 = vector.shape_cast %get3A_650 : vector<1x1x16xf32> to vector<16xf32>
        %mul3A_652 = arith.mulf %get3A_645, %get3A_651 : vector<16xf32>
        %get3A_653 = arith.constant 0 : i32
        %get3A_654 = arith.index_cast %get3A_653 : i32 to index
        %get3A_655 = arith.index_cast %scan3A_454 : i32 to index
        %get3A_656 = arith.constant 80 : index
        %get3A_657 = tpu.vector_load %arg10[%get3A_654, %get3A_655, %get3A_656] {strides = array<i32>} : memref<2x112x128xf32, #tpu.memory_space<vmem>>, vector<1x1x16xf32>,
        %get3A_658 = vector.shape_cast %get3A_657 : vector<1x1x16xf32> to vector<16xf32>
        %add3A_659 = arith.addf %mul3A_652, %get3A_658 : vector<16xf32>
        %add3A_660 = arith.addf %add3A_659, %add3A_659 : vector<16xf32>
        %exp3A_661 = math.exp %add3A_660 : vector<16xf32>
        %add3A_662 = arith.constant 1.000000e+00 : f32
        %add3A_663 = vector.broadcast %add3A_662 : f32 to vector<16xf32>
        %add3A_664 = arith.addf %exp3A_661, %add3A_663 : vector<16xf32>
        %div3A_665 = arith.constant 2.000000e+00 : f32
        %div3A_666 = vector.broadcast %div3A_665 : f32 to vector<16xf32>
        %div3A_667 = arith.divf %div3A_666, %add3A_664 : vector<16xf32>
        %sub3A_668 = arith.constant 1.000000e+00 : f32
        %sub3A_669 = vector.broadcast %sub3A_668 : f32 to vector<16xf32>
        %sub3A_670 = arith.subf %sub3A_669, %div3A_667 : vector<16xf32>
        %swap3A_671 = arith.constant 0 : i32
        %swap3A_672 = arith.index_cast %swap3A_671 : i32 to index
        %swap3A_673 = arith.index_cast %scan3A_454 : i32 to index
        %swap3A_674 = arith.constant 80 : index
        %swap3A_675 = tpu.vector_load %arg11[%swap3A_672, %swap3A_673, %swap3A_674] {strides = array<i32>} : memref<2x112x128xf32, #tpu.memory_space<vmem>>, vector<1x1x16xf32>,
        %swap3A_676 = vector.shape_cast %swap3A_675 : vector<1x1x16xf32> to vector<16xf32>
        %swap3A_677 = vector.shape_cast %sub3A_670 : vector<16xf32> to vector<1x1x16xf32>
        tpu.vector_store %arg11[%swap3A_672, %swap3A_673, %swap3A_674], %swap3A_677 {strides = array<i32>} : memref<2x112x128xf32, #tpu.memory_space<vmem>>, vector<1x1x16xf32>,
        %get3A_678 = arith.constant 0 : i32
        %get3A_679 = arith.index_cast %get3A_678 : i32 to index
        %get3A_680 = arith.index_cast %scan3A_454 : i32 to index
        %get3A_681 = arith.constant 96 : index
        %get3A_682 = tpu.vector_load %arg8[%get3A_679, %get3A_680, %get3A_681] {strides = array<i32>} : memref<2x112x128xf32, #tpu.memory_space<vmem>>, vector<1x1x16xf32>,
        %get3A_683 = vector.shape_cast %get3A_682 : vector<1x1x16xf32> to vector<16xf32>
        %get3A_684 = arith.constant 0 : i32
        %get3A_685 = arith.index_cast %get3A_684 : i32 to index
        %get3A_686 = arith.index_cast %scan3A_454 : i32 to index
        %get3A_687 = arith.constant 96 : index
        %get3A_688 = tpu.vector_load %arg9[%get3A_685, %get3A_686, %get3A_687] {strides = array<i32>} : memref<2x112x128xf32, #tpu.memory_space<vmem>>, vector<1x1x16xf32>,
        %get3A_689 = vector.shape_cast %get3A_688 : vector<1x1x16xf32> to vector<16xf32>
        %mul3A_690 = arith.mulf %get3A_683, %get3A_689 : vector<16xf32>
        %get3A_691 = arith.constant 0 : i32
        %get3A_692 = arith.index_cast %get3A_691 : i32 to index
        %get3A_693 = arith.index_cast %scan3A_454 : i32 to index
        %get3A_694 = arith.constant 96 : index
        %get3A_695 = tpu.vector_load %arg10[%get3A_692, %get3A_693, %get3A_694] {strides = array<i32>} : memref<2x112x128xf32, #tpu.memory_space<vmem>>, vector<1x1x16xf32>,
        %get3A_696 = vector.shape_cast %get3A_695 : vector<1x1x16xf32> to vector<16xf32>
        %add3A_697 = arith.addf %mul3A_690, %get3A_696 : vector<16xf32>
        %add3A_698 = arith.addf %add3A_697, %add3A_697 : vector<16xf32>
        %exp3A_699 = math.exp %add3A_698 : vector<16xf32>
        %add3A_700 = arith.constant 1.000000e+00 : f32
        %add3A_701 = vector.broadcast %add3A_700 : f32 to vector<16xf32>
        %add3A_702 = arith.addf %exp3A_699, %add3A_701 : vector<16xf32>
        %div3A_703 = arith.constant 2.000000e+00 : f32
        %div3A_704 = vector.broadcast %div3A_703 : f32 to vector<16xf32>
        %div3A_705 = arith.divf %div3A_704, %add3A_702 : vector<16xf32>
        %sub3A_706 = arith.constant 1.000000e+00 : f32
        %sub3A_707 = vector.broadcast %sub3A_706 : f32 to vector<16xf32>
        %sub3A_708 = arith.subf %sub3A_707, %div3A_705 : vector<16xf32>
        %swap3A_709 = arith.constant 0 : i32
        %swap3A_710 = arith.index_cast %swap3A_709 : i32 to index
        %swap3A_711 = arith.index_cast %scan3A_454 : i32 to index
        %swap3A_712 = arith.constant 96 : index
        %swap3A_713 = tpu.vector_load %arg11[%swap3A_710, %swap3A_711, %swap3A_712] {strides = array<i32>} : memref<2x112x128xf32, #tpu.memory_space<vmem>>, vector<1x1x16xf32>,
        %swap3A_714 = vector.shape_cast %swap3A_713 : vector<1x1x16xf32> to vector<16xf32>
        %swap3A_715 = vector.shape_cast %sub3A_708 : vector<16xf32> to vector<1x1x16xf32>
        tpu.vector_store %arg11[%swap3A_710, %swap3A_711, %swap3A_712], %swap3A_715 {strides = array<i32>} : memref<2x112x128xf32, #tpu.memory_space<vmem>>, vector<1x1x16xf32>,
        %get3A_716 = arith.constant 0 : i32
        %get3A_717 = arith.index_cast %get3A_716 : i32 to index
        %get3A_718 = arith.index_cast %scan3A_454 : i32 to index
        %get3A_719 = arith.constant 112 : index
        %get3A_720 = tpu.vector_load %arg8[%get3A_717, %get3A_718, %get3A_719] {strides = array<i32>} : memref<2x112x128xf32, #tpu.memory_space<vmem>>, vector<1x1x16xf32>,
        %get3A_721 = vector.shape_cast %get3A_720 : vector<1x1x16xf32> to vector<16xf32>
        %get3A_722 = arith.constant 0 : i32
        %get3A_723 = arith.index_cast %get3A_722 : i32 to index
        %get3A_724 = arith.index_cast %scan3A_454 : i32 to index
        %get3A_725 = arith.constant 112 : index
        %get3A_726 = tpu.vector_load %arg9[%get3A_723, %get3A_724, %get3A_725] {strides = array<i32>} : memref<2x112x128xf32, #tpu.memory_space<vmem>>, vector<1x1x16xf32>,
        %get3A_727 = vector.shape_cast %get3A_726 : vector<1x1x16xf32> to vector<16xf32>
        %mul3A_728 = arith.mulf %get3A_721, %get3A_727 : vector<16xf32>
        %get3A_729 = arith.constant 0 : i32
        %get3A_730 = arith.index_cast %get3A_729 : i32 to index
        %get3A_731 = arith.index_cast %scan3A_454 : i32 to index
        %get3A_732 = arith.constant 112 : index
        %get3A_733 = tpu.vector_load %arg10[%get3A_730, %get3A_731, %get3A_732] {strides = array<i32>} : memref<2x112x128xf32, #tpu.memory_space<vmem>>, vector<1x1x16xf32>,
        %get3A_734 = vector.shape_cast %get3A_733 : vector<1x1x16xf32> to vector<16xf32>
        %add3A_735 = arith.addf %mul3A_728, %get3A_734 : vector<16xf32>
        %add3A_736 = arith.addf %add3A_735, %add3A_735 : vector<16xf32>
        %exp3A_737 = math.exp %add3A_736 : vector<16xf32>
        %add3A_738 = arith.constant 1.000000e+00 : f32
        %add3A_739 = vector.broadcast %add3A_738 : f32 to vector<16xf32>
        %add3A_740 = arith.addf %exp3A_737, %add3A_739 : vector<16xf32>
        %div3A_741 = arith.constant 2.000000e+00 : f32
        %div3A_742 = vector.broadcast %div3A_741 : f32 to vector<16xf32>
        %div3A_743 = arith.divf %div3A_742, %add3A_740 : vector<16xf32>
        %sub3A_744 = arith.constant 1.000000e+00 : f32
        %sub3A_745 = vector.broadcast %sub3A_744 : f32 to vector<16xf32>
        %sub3A_746 = arith.subf %sub3A_745, %div3A_743 : vector<16xf32>
        %swap3A_747 = arith.constant 0 : i32
        %swap3A_748 = arith.index_cast %swap3A_747 : i32 to index
        %swap3A_749 = arith.index_cast %scan3A_454 : i32 to index
        %swap3A_750 = arith.constant 112 : index
        %swap3A_751 = tpu.vector_load %arg11[%swap3A_748, %swap3A_749, %swap3A_750] {strides = array<i32>} : memref<2x112x128xf32, #tpu.memory_space<vmem>>, vector<1x1x16xf32>,
        %swap3A_752 = vector.shape_cast %swap3A_751 : vector<1x1x16xf32> to vector<16xf32>
        %swap3A_753 = vector.shape_cast %sub3A_746 : vector<16xf32> to vector<1x1x16xf32>
        tpu.vector_store %arg11[%swap3A_748, %swap3A_749, %swap3A_750], %swap3A_753 {strides = array<i32>} : memref<2x112x128xf32, #tpu.memory_space<vmem>>, vector<1x1x16xf32>,
      }
      %scan3A_316 = arith.constant 112 : i32
      %mul3A_317 = arith.constant 112 : i32
      %mul3A_318 = arith.muli %add3A_269, %mul3A_317 : i32
      %multiple_of3A_319 = tpu.assume_multiple %mul3A_318, 8 : i32
      %add3A_320 = arith.addi %mul3A_2, %multiple_of3A_319 : i32
      %dma_start3A_321 = arith.constant 0 : i32
      %dma_start3A_322 = arith.constant 0 : i32
      %dma_start3A_323 = arith.constant 0 : i32
      %dma_start3A_324 = tpu.memref_slice %arg11[%dma_start3A_321, %dma_start3A_322, %dma_start3A_323] : memref<2x112x128xf32, #tpu.memory_space<vmem>> -> memref<1x112x128xf32, #tpu.memory_space<vmem>>
      %dma_start3A_325 = tpu.memref_squeeze %dma_start3A_324 : memref<1x112x128xf32, #tpu.memory_space<vmem>> -> memref<112x128xf32, #tpu.memory_space<vmem>>
      %dma_start3A_326 = arith.constant 0 : i32
      %dma_start3A_327 = tpu.memref_slice %arg6[%add3A_320, %dma_start3A_326] : memref<320000x128xf32, #tpu.memory_space<hbm>> -> memref<112x128xf32, #tpu.memory_space<hbm>>
      %dma_start3A_328 = arith.constant 0 : i32
      %dma_start3A_329 = tpu.memref_slice %arg6[%add3A_320, %dma_start3A_328] : memref<320000x128xf32, #tpu.memory_space<hbm>> -> memref<112x128xf32, #tpu.memory_space<hbm>>
      %dma_start3A_330 = arith.constant 0 : i32
      %dma_start3A_331 = arith.constant 0 : i32
      %dma_start3A_332 = tpu.memref_slice %arg11[%dma_start3A_321, %dma_start3A_330, %dma_start3A_331] : memref<2x112x128xf32, #tpu.memory_space<vmem>> -> memref<1x112x128xf32, #tpu.memory_space<vmem>>
      %dma_start3A_333 = tpu.memref_squeeze %dma_start3A_332 : memref<1x112x128xf32, #tpu.memory_space<vmem>> -> memref<112x128xf32, #tpu.memory_space<vmem>>
      tpu.enqueue_dma source(%dma_start3A_333 : memref<112x128xf32, #tpu.memory_space<vmem>>) target(%dma_start3A_329 : memref<112x128xf32, #tpu.memory_space<hbm>>) target_semaphore(%arg18 : memref<!tpu.dma_semaphore, #tpu.memory_space<semaphore_mem>>)
      %add3A_334 = arith.constant 2 : i32
      %add3A_335 = arith.addi %add3A_269, %add3A_334 : i32
      %mul3A_336 = arith.constant 112 : i32
      %mul3A_337 = arith.muli %add3A_335, %mul3A_336 : i32
      %multiple_of3A_338 = tpu.assume_multiple %mul3A_337, 8 : i32
      %add3A_339 = arith.addi %mul3A_2, %multiple_of3A_338 : i32
      %dma_start3A_340 = arith.constant 0 : i32
      %dma_start3A_341 = arith.constant 0 : i32
      %dma_start3A_342 = arith.constant 0 : i32
      %dma_start3A_343 = tpu.memref_slice %arg8[%dma_start3A_340, %dma_start3A_341, %dma_start3A_342] : memref<2x112x128xf32, #tpu.memory_space<vmem>> -> memref<1x112x128xf32, #tpu.memory_space<vmem>>
      %dma_start3A_344 = tpu.memref_squeeze %dma_start3A_343 : memref<1x112x128xf32, #tpu.memory_space<vmem>> -> memref<112x128xf32, #tpu.memory_space<vmem>>
      %dma_start3A_345 = tpu.memref_slice %arg7[%multiple_of3A_338] : memref<10000xi32, #tpu.memory_space<vmem>> -> memref<112xi32, #tpu.memory_space<vmem>>
      %dma_start3A_346 = arith.constant 0 : i32
      %dma_start3A_347 = arith.constant 0 : i32
      %dma_start3A_348 = tpu.memref_slice %arg2[%dma_start3A_346, %dma_start3A_347] : memref<10000x128xf32, #tpu.memory_space<hbm>> -> memref<10000x128xf32, #tpu.memory_space<hbm>>
      tpu.enqueue_indirect_dma source(%dma_start3A_348 : memref<10000x128xf32, #tpu.memory_space<hbm>>) target(%dma_start3A_344 : memref<112x128xf32, #tpu.memory_space<vmem>>) offsets(%dma_start3A_345 : memref<112xi32, #tpu.memory_space<vmem>>) semaphore(%arg12 : memref<!tpu.dma_semaphore, #tpu.memory_space<semaphore_mem>>)
      %dma_start3A_349 = arith.constant 0 : i32
      %dma_start3A_350 = arith.constant 0 : i32
      %dma_start3A_351 = arith.constant 0 : i32
      %dma_start3A_352 = tpu.memref_slice %arg9[%dma_start3A_349, %dma_start3A_350, %dma_start3A_351] : memref<2x112x128xf32, #tpu.memory_space<vmem>> -> memref<1x112x128xf32, #tpu.memory_space<vmem>>
      %dma_start3A_353 = tpu.memref_squeeze %dma_start3A_352 : memref<1x112x128xf32, #tpu.memory_space<vmem>> -> memref<112x128xf32, #tpu.memory_space<vmem>>
      %dma_start3A_354 = arith.constant 0 : i32
      %dma_start3A_355 = tpu.memref_slice %arg4[%add3A_339, %dma_start3A_354] : memref<320000x128xf32, #tpu.memory_space<hbm>> -> memref<112x128xf32, #tpu.memory_space<hbm>>
      %dma_start3A_356 = arith.constant 0 : i32
      %dma_start3A_357 = arith.constant 0 : i32
      %dma_start3A_358 = tpu.memref_slice %arg9[%dma_start3A_349, %dma_start3A_356, %dma_start3A_357] : memref<2x112x128xf32, #tpu.memory_space<vmem>> -> memref<1x112x128xf32, #tpu.memory_space<vmem>>
      %dma_start3A_359 = tpu.memref_squeeze %dma_start3A_358 : memref<1x112x128xf32, #tpu.memory_space<vmem>> -> memref<112x128xf32, #tpu.memory_space<vmem>>
      %dma_start3A_360 = arith.constant 0 : i32
      %dma_start3A_361 = tpu.memref_slice %arg4[%add3A_339, %dma_start3A_360] : memref<320000x128xf32, #tpu.memory_space<hbm>> -> memref<112x128xf32, #tpu.memory_space<hbm>>
      tpu.enqueue_dma source(%dma_start3A_361 : memref<112x128xf32, #tpu.memory_space<hbm>>) target(%dma_start3A_359 : memref<112x128xf32, #tpu.memory_space<vmem>>) target_semaphore(%arg14 : memref<!tpu.dma_semaphore, #tpu.memory_space<semaphore_mem>>)
      %dma_start3A_362 = arith.constant 0 : i32
      %dma_start3A_363 = arith.constant 0 : i32
      %dma_start3A_364 = arith.constant 0 : i32
      %dma_start3A_365 = tpu.memref_slice %arg10[%dma_start3A_362, %dma_start3A_363, %dma_start3A_364] : memref<2x112x128xf32, #tpu.memory_space<vmem>> -> memref<1x112x128xf32, #tpu.memory_space<vmem>>
      %dma_start3A_366 = tpu.memref_squeeze %dma_start3A_365 : memref<1x112x128xf32, #tpu.memory_space<vmem>> -> memref<112x128xf32, #tpu.memory_space<vmem>>
      %dma_start3A_367 = arith.constant 0 : i32
      %dma_start3A_368 = tpu.memref_slice %arg5[%add3A_339, %dma_start3A_367] : memref<320000x128xf32, #tpu.memory_space<hbm>> -> memref<112x128xf32, #tpu.memory_space<hbm>>
      %dma_start3A_369 = arith.constant 0 : i32
      %dma_start3A_370 = arith.constant 0 : i32
      %dma_start3A_371 = tpu.memref_slice %arg10[%dma_start3A_362, %dma_start3A_369, %dma_start3A_370] : memref<2x112x128xf32, #tpu.memory_space<vmem>> -> memref<1x112x128xf32, #tpu.memory_space<vmem>>
      %dma_start3A_372 = tpu.memref_squeeze %dma_start3A_371 : memref<1x112x128xf32, #tpu.memory_space<vmem>> -> memref<112x128xf32, #tpu.memory_space<vmem>>
      %dma_start3A_373 = arith.constant 0 : i32
      %dma_start3A_374 = tpu.memref_slice %arg5[%add3A_339, %dma_start3A_373] : memref<320000x128xf32, #tpu.memory_space<hbm>> -> memref<112x128xf32, #tpu.memory_space<hbm>>
      tpu.enqueue_dma source(%dma_start3A_374 : memref<112x128xf32, #tpu.memory_space<hbm>>) target(%dma_start3A_372 : memref<112x128xf32, #tpu.memory_space<vmem>>) target_semaphore(%arg16 : memref<!tpu.dma_semaphore, #tpu.memory_space<semaphore_mem>>)
      %mul3A_375 = arith.constant 2 : i32
      %mul3A_376 = arith.muli %mul3A_375, %scan3A_265 : i32
      %add3A_377 = arith.constant 1 : i32
      %add3A_378 = arith.addi %mul3A_376, %add3A_377 : i32
      %mul3A_379 = arith.constant 112 : i32
      %mul3A_380 = arith.muli %add3A_378, %mul3A_379 : i32
      %multiple_of3A_381 = tpu.assume_multiple %mul3A_380, 8 : i32
      %add3A_382 = arith.addi %mul3A_2, %multiple_of3A_381 : i32
      %dma_wait3A_383 = arith.constant 1 : i32
      %dma_wait3A_384 = arith.constant 0 : i32
      %dma_wait3A_385 = arith.constant 0 : i32
      %dma_wait3A_386 = tpu.memref_slice %arg8[%dma_wait3A_383, %dma_wait3A_384, %dma_wait3A_385] : memref<2x112x128xf32, #tpu.memory_space<vmem>> -> memref<1x112x128xf32, #tpu.memory_space<vmem>>
      %dma_wait3A_387 = tpu.memref_squeeze %dma_wait3A_386 : memref<1x112x128xf32, #tpu.memory_space<vmem>> -> memref<112x128xf32, #tpu.memory_space<vmem>>
      %dma_wait3A_388 = tpu.memref_slice %arg7[%multiple_of3A_381] : memref<10000xi32, #tpu.memory_space<vmem>> -> memref<112xi32, #tpu.memory_space<vmem>>
      %dma_wait3A_389 = arith.constant 0 : i32
      %dma_wait3A_390 = arith.constant 0 : i32
      %dma_wait3A_391 = tpu.memref_slice %arg2[%dma_wait3A_389, %dma_wait3A_390] : memref<10000x128xf32, #tpu.memory_space<hbm>> -> memref<10000x128xf32, #tpu.memory_space<hbm>>
      tpu.wait_indirect_dma semaphore(%arg13 : memref<!tpu.dma_semaphore, #tpu.memory_space<semaphore_mem>>) src(%dma_wait3A_391 : memref<10000x128xf32, #tpu.memory_space<hbm>>) dst(%dma_wait3A_387 : memref<112x128xf32, #tpu.memory_space<vmem>>)
      %dma_wait3A_392 = arith.constant 1 : i32
      %dma_wait3A_393 = arith.constant 0 : i32
      %dma_wait3A_394 = arith.constant 0 : i32
      %dma_wait3A_395 = tpu.memref_slice %arg9[%dma_wait3A_392, %dma_wait3A_393, %dma_wait3A_394] : memref<2x112x128xf32, #tpu.memory_space<vmem>> -> memref<1x112x128xf32, #tpu.memory_space<vmem>>
      %dma_wait3A_396 = tpu.memref_squeeze %dma_wait3A_395 : memref<1x112x128xf32, #tpu.memory_space<vmem>> -> memref<112x128xf32, #tpu.memory_space<vmem>>
      %dma_wait3A_397 = arith.constant 0 : i32
      %dma_wait3A_398 = tpu.memref_slice %arg4[%add3A_382, %dma_wait3A_397] : memref<320000x128xf32, #tpu.memory_space<hbm>> -> memref<112x128xf32, #tpu.memory_space<hbm>>
      %dma_wait3A_399 = arith.constant 0 : i32
      %dma_wait3A_400 = arith.constant 0 : i32
      %dma_wait3A_401 = tpu.memref_slice %arg9[%dma_wait3A_392, %dma_wait3A_399, %dma_wait3A_400] : memref<2x112x128xf32, #tpu.memory_space<vmem>> -> memref<1x112x128xf32, #tpu.memory_space<vmem>>
      %dma_wait3A_402 = tpu.memref_squeeze %dma_wait3A_401 : memref<1x112x128xf32, #tpu.memory_space<vmem>> -> memref<112x128xf32, #tpu.memory_space<vmem>>
      %dma_wait3A_403 = arith.constant 0 : i32
      %dma_wait3A_404 = tpu.memref_slice %arg4[%add3A_382, %dma_wait3A_403] : memref<320000x128xf32, #tpu.memory_space<hbm>> -> memref<112x128xf32, #tpu.memory_space<hbm>>
      tpu.wait_dma2 semaphore(%arg15 : memref<!tpu.dma_semaphore, #tpu.memory_space<semaphore_mem>>) src(%dma_wait3A_404 : memref<112x128xf32, #tpu.memory_space<hbm>>) dst(%dma_wait3A_402 : memref<112x128xf32, #tpu.memory_space<vmem>>)
      %dma_wait3A_405 = arith.constant 1 : i32
      %dma_wait3A_406 = arith.constant 0 : i32
      %dma_wait3A_407 = arith.constant 0 : i32
      %dma_wait3A_408 = tpu.memref_slice %arg10[%dma_wait3A_405, %dma_wait3A_406, %dma_wait3A_407] : memref<2x112x128xf32, #tpu.memory_space<vmem>> -> memref<1x112x128xf32, #tpu.memory_space<vmem>>
      %dma_wait3A_409 = tpu.memref_squeeze %dma_wait3A_408 : memref<1x112x128xf32, #tpu.memory_space<vmem>> -> memref<112x128xf32, #tpu.memory_space<vmem>>
      %dma_wait3A_410 = arith.constant 0 : i32
      %dma_wait3A_411 = tpu.memref_slice %arg5[%add3A_382, %dma_wait3A_410] : memref<320000x128xf32, #tpu.memory_space<hbm>> -> memref<112x128xf32, #tpu.memory_space<hbm>>
      %dma_wait3A_412 = arith.constant 0 : i32
      %dma_wait3A_413 = arith.constant 0 : i32
      %dma_wait3A_414 = tpu.memref_slice %arg10[%dma_wait3A_405, %dma_wait3A_412, %dma_wait3A_413] : memref<2x112x128xf32, #tpu.memory_space<vmem>> -> memref<1x112x128xf32, #tpu.memory_space<vmem>>
      %dma_wait3A_415 = tpu.memref_squeeze %dma_wait3A_414 : memref<1x112x128xf32, #tpu.memory_space<vmem>> -> memref<112x128xf32, #tpu.memory_space<vmem>>
      %dma_wait3A_416 = arith.constant 0 : i32
      %dma_wait3A_417 = tpu.memref_slice %arg5[%add3A_382, %dma_wait3A_416] : memref<320000x128xf32, #tpu.memory_space<hbm>> -> memref<112x128xf32, #tpu.memory_space<hbm>>
      tpu.wait_dma2 semaphore(%arg17 : memref<!tpu.dma_semaphore, #tpu.memory_space<semaphore_mem>>) src(%dma_wait3A_417 : memref<112x128xf32, #tpu.memory_space<hbm>>) dst(%dma_wait3A_415 : memref<112x128xf32, #tpu.memory_space<vmem>>)
      %ge3A_418 = arith.constant 1 : i32
      %ge3A_419 = arith.cmpi sge, %scan3A_265, %ge3A_418 : i32
      %convert_element_type3A_420 = arith.extui %ge3A_419 : i1 to i32
      %cond3A_421 = arith.constant 0 : i32
      %cond3A_422 = arith.cmpi ne, %convert_element_type3A_420, %cond3A_421 : i32
      scf.if %cond3A_422 {
        %sub3A = arith.constant 2 : i32
        %sub3A_454 = arith.subi %add3A_378, %sub3A : i32
        %mul3A_455 = arith.constant 112 : i32
        %mul3A_456 = arith.muli %sub3A_454, %mul3A_455 : i32
        %multiple_of3A_457 = tpu.assume_multiple %mul3A_456, 8 : i32
        %add3A_458 = arith.addi %mul3A_2, %multiple_of3A_457 : i32
        %dma_wait3A_459 = arith.constant 1 : i32
        %dma_wait3A_460 = arith.constant 0 : i32
        %dma_wait3A_461 = arith.constant 0 : i32
        %dma_wait3A_462 = tpu.memref_slice %arg11[%dma_wait3A_459, %dma_wait3A_460, %dma_wait3A_461] : memref<2x112x128xf32, #tpu.memory_space<vmem>> -> memref<1x112x128xf32, #tpu.memory_space<vmem>>
        %dma_wait3A_463 = tpu.memref_squeeze %dma_wait3A_462 : memref<1x112x128xf32, #tpu.memory_space<vmem>> -> memref<112x128xf32, #tpu.memory_space<vmem>>
        %dma_wait3A_464 = arith.constant 0 : i32
        %dma_wait3A_465 = tpu.memref_slice %arg6[%add3A_458, %dma_wait3A_464] : memref<320000x128xf32, #tpu.memory_space<hbm>> -> memref<112x128xf32, #tpu.memory_space<hbm>>
        %dma_wait3A_466 = arith.constant 0 : i32
        %dma_wait3A_467 = tpu.memref_slice %arg6[%add3A_458, %dma_wait3A_466] : memref<320000x128xf32, #tpu.memory_space<hbm>> -> memref<112x128xf32, #tpu.memory_space<hbm>>
        %dma_wait3A_468 = arith.constant 0 : i32
        %dma_wait3A_469 = arith.constant 0 : i32
        %dma_wait3A_470 = tpu.memref_slice %arg11[%dma_wait3A_459, %dma_wait3A_468, %dma_wait3A_469] : memref<2x112x128xf32, #tpu.memory_space<vmem>> -> memref<1x112x128xf32, #tpu.memory_space<vmem>>
        %dma_wait3A_471 = tpu.memref_squeeze %dma_wait3A_470 : memref<1x112x128xf32, #tpu.memory_space<vmem>> -> memref<112x128xf32, #tpu.memory_space<vmem>>
        tpu.wait_dma2 semaphore(%arg19 : memref<!tpu.dma_semaphore, #tpu.memory_space<semaphore_mem>>) src(%dma_wait3A_471 : memref<112x128xf32, #tpu.memory_space<vmem>>) dst(%dma_wait3A_467 : memref<112x128xf32, #tpu.memory_space<hbm>>)
      } else {
      }
      %scan3A_423 = arith.constant 0 : i32
      %scan3A_424 = arith.constant 0 : i32
      %scan3A_425 = arith.constant 112 : i32
      %scan3A_426 = arith.addi %scan3A_424, %scan3A_425 : i32
      %scan3A_427 = arith.constant 1 : i32
      scf.for %scan3A_454 = %scan3A_424 to %scan3A_426 step %scan3A_427  : i32 {
        %get3A = arith.constant 1 : i32
        %get3A_455 = arith.index_cast %get3A : i32 to index
        %get3A_456 = arith.index_cast %scan3A_454 : i32 to index
        %get3A_457 = arith.constant 0 : index
        %get3A_458 = tpu.vector_load %arg8[%get3A_455, %get3A_456, %get3A_457] {strides = array<i32>} : memref<2x112x128xf32, #tpu.memory_space<vmem>>, vector<1x1x16xf32>,
        %get3A_459 = vector.shape_cast %get3A_458 : vector<1x1x16xf32> to vector<16xf32>
        %get3A_460 = arith.constant 1 : i32
        %get3A_461 = arith.index_cast %get3A_460 : i32 to index
        %get3A_462 = arith.index_cast %scan3A_454 : i32 to index
        %get3A_463 = arith.constant 0 : index
        %get3A_464 = tpu.vector_load %arg9[%get3A_461, %get3A_462, %get3A_463] {strides = array<i32>} : memref<2x112x128xf32, #tpu.memory_space<vmem>>, vector<1x1x16xf32>,
        %get3A_465 = vector.shape_cast %get3A_464 : vector<1x1x16xf32> to vector<16xf32>
        %mul3A_466 = arith.mulf %get3A_459, %get3A_465 : vector<16xf32>
        %get3A_467 = arith.constant 1 : i32
        %get3A_468 = arith.index_cast %get3A_467 : i32 to index
        %get3A_469 = arith.index_cast %scan3A_454 : i32 to index
        %get3A_470 = arith.constant 0 : index
        %get3A_471 = tpu.vector_load %arg10[%get3A_468, %get3A_469, %get3A_470] {strides = array<i32>} : memref<2x112x128xf32, #tpu.memory_space<vmem>>, vector<1x1x16xf32>,
        %get3A_472 = vector.shape_cast %get3A_471 : vector<1x1x16xf32> to vector<16xf32>
        %add3A_473 = arith.addf %mul3A_466, %get3A_472 : vector<16xf32>
        %add3A_474 = arith.addf %add3A_473, %add3A_473 : vector<16xf32>
        %exp3A = math.exp %add3A_474 : vector<16xf32>
        %add3A_475 = arith.constant 1.000000e+00 : f32
        %add3A_476 = vector.broadcast %add3A_475 : f32 to vector<16xf32>
        %add3A_477 = arith.addf %exp3A, %add3A_476 : vector<16xf32>
        %div3A = arith.constant 2.000000e+00 : f32
        %div3A_478 = vector.broadcast %div3A : f32 to vector<16xf32>
        %div3A_479 = arith.divf %div3A_478, %add3A_477 : vector<16xf32>
        %sub3A = arith.constant 1.000000e+00 : f32
        %sub3A_480 = vector.broadcast %sub3A : f32 to vector<16xf32>
        %sub3A_481 = arith.subf %sub3A_480, %div3A_479 : vector<16xf32>
        %swap3A = arith.constant 1 : i32
        %swap3A_482 = arith.index_cast %swap3A : i32 to index
        %swap3A_483 = arith.index_cast %scan3A_454 : i32 to index
        %swap3A_484 = arith.constant 0 : index
        %swap3A_485 = tpu.vector_load %arg11[%swap3A_482, %swap3A_483, %swap3A_484] {strides = array<i32>} : memref<2x112x128xf32, #tpu.memory_space<vmem>>, vector<1x1x16xf32>,
        %swap3A_486 = vector.shape_cast %swap3A_485 : vector<1x1x16xf32> to vector<16xf32>
        %swap3A_487 = vector.shape_cast %sub3A_481 : vector<16xf32> to vector<1x1x16xf32>
        tpu.vector_store %arg11[%swap3A_482, %swap3A_483, %swap3A_484], %swap3A_487 {strides = array<i32>} : memref<2x112x128xf32, #tpu.memory_space<vmem>>, vector<1x1x16xf32>,
        %get3A_488 = arith.constant 1 : i32
        %get3A_489 = arith.index_cast %get3A_488 : i32 to index
        %get3A_490 = arith.index_cast %scan3A_454 : i32 to index
        %get3A_491 = arith.constant 16 : index
        %get3A_492 = tpu.vector_load %arg8[%get3A_489, %get3A_490, %get3A_491] {strides = array<i32>} : memref<2x112x128xf32, #tpu.memory_space<vmem>>, vector<1x1x16xf32>,
        %get3A_493 = vector.shape_cast %get3A_492 : vector<1x1x16xf32> to vector<16xf32>
        %get3A_494 = arith.constant 1 : i32
        %get3A_495 = arith.index_cast %get3A_494 : i32 to index
        %get3A_496 = arith.index_cast %scan3A_454 : i32 to index
        %get3A_497 = arith.constant 16 : index
        %get3A_498 = tpu.vector_load %arg9[%get3A_495, %get3A_496, %get3A_497] {strides = array<i32>} : memref<2x112x128xf32, #tpu.memory_space<vmem>>, vector<1x1x16xf32>,
        %get3A_499 = vector.shape_cast %get3A_498 : vector<1x1x16xf32> to vector<16xf32>
        %mul3A_500 = arith.mulf %get3A_493, %get3A_499 : vector<16xf32>
        %get3A_501 = arith.constant 1 : i32
        %get3A_502 = arith.index_cast %get3A_501 : i32 to index
        %get3A_503 = arith.index_cast %scan3A_454 : i32 to index
        %get3A_504 = arith.constant 16 : index
        %get3A_505 = tpu.vector_load %arg10[%get3A_502, %get3A_503, %get3A_504] {strides = array<i32>} : memref<2x112x128xf32, #tpu.memory_space<vmem>>, vector<1x1x16xf32>,
        %get3A_506 = vector.shape_cast %get3A_505 : vector<1x1x16xf32> to vector<16xf32>
        %add3A_507 = arith.addf %mul3A_500, %get3A_506 : vector<16xf32>
        %add3A_508 = arith.addf %add3A_507, %add3A_507 : vector<16xf32>
        %exp3A_509 = math.exp %add3A_508 : vector<16xf32>
        %add3A_510 = arith.constant 1.000000e+00 : f32
        %add3A_511 = vector.broadcast %add3A_510 : f32 to vector<16xf32>
        %add3A_512 = arith.addf %exp3A_509, %add3A_511 : vector<16xf32>
        %div3A_513 = arith.constant 2.000000e+00 : f32
        %div3A_514 = vector.broadcast %div3A_513 : f32 to vector<16xf32>
        %div3A_515 = arith.divf %div3A_514, %add3A_512 : vector<16xf32>
        %sub3A_516 = arith.constant 1.000000e+00 : f32
        %sub3A_517 = vector.broadcast %sub3A_516 : f32 to vector<16xf32>
        %sub3A_518 = arith.subf %sub3A_517, %div3A_515 : vector<16xf32>
        %swap3A_519 = arith.constant 1 : i32
        %swap3A_520 = arith.index_cast %swap3A_519 : i32 to index
        %swap3A_521 = arith.index_cast %scan3A_454 : i32 to index
        %swap3A_522 = arith.constant 16 : index
        %swap3A_523 = tpu.vector_load %arg11[%swap3A_520, %swap3A_521, %swap3A_522] {strides = array<i32>} : memref<2x112x128xf32, #tpu.memory_space<vmem>>, vector<1x1x16xf32>,
        %swap3A_524 = vector.shape_cast %swap3A_523 : vector<1x1x16xf32> to vector<16xf32>
        %swap3A_525 = vector.shape_cast %sub3A_518 : vector<16xf32> to vector<1x1x16xf32>
        tpu.vector_store %arg11[%swap3A_520, %swap3A_521, %swap3A_522], %swap3A_525 {strides = array<i32>} : memref<2x112x128xf32, #tpu.memory_space<vmem>>, vector<1x1x16xf32>,
        %get3A_526 = arith.constant 1 : i32
        %get3A_527 = arith.index_cast %get3A_526 : i32 to index
        %get3A_528 = arith.index_cast %scan3A_454 : i32 to index
        %get3A_529 = arith.constant 32 : index
        %get3A_530 = tpu.vector_load %arg8[%get3A_527, %get3A_528, %get3A_529] {strides = array<i32>} : memref<2x112x128xf32, #tpu.memory_space<vmem>>, vector<1x1x16xf32>,
        %get3A_531 = vector.shape_cast %get3A_530 : vector<1x1x16xf32> to vector<16xf32>
        %get3A_532 = arith.constant 1 : i32
        %get3A_533 = arith.index_cast %get3A_532 : i32 to index
        %get3A_534 = arith.index_cast %scan3A_454 : i32 to index
        %get3A_535 = arith.constant 32 : index
        %get3A_536 = tpu.vector_load %arg9[%get3A_533, %get3A_534, %get3A_535] {strides = array<i32>} : memref<2x112x128xf32, #tpu.memory_space<vmem>>, vector<1x1x16xf32>,
        %get3A_537 = vector.shape_cast %get3A_536 : vector<1x1x16xf32> to vector<16xf32>
        %mul3A_538 = arith.mulf %get3A_531, %get3A_537 : vector<16xf32>
        %get3A_539 = arith.constant 1 : i32
        %get3A_540 = arith.index_cast %get3A_539 : i32 to index
        %get3A_541 = arith.index_cast %scan3A_454 : i32 to index
        %get3A_542 = arith.constant 32 : index
        %get3A_543 = tpu.vector_load %arg10[%get3A_540, %get3A_541, %get3A_542] {strides = array<i32>} : memref<2x112x128xf32, #tpu.memory_space<vmem>>, vector<1x1x16xf32>,
        %get3A_544 = vector.shape_cast %get3A_543 : vector<1x1x16xf32> to vector<16xf32>
        %add3A_545 = arith.addf %mul3A_538, %get3A_544 : vector<16xf32>
        %add3A_546 = arith.addf %add3A_545, %add3A_545 : vector<16xf32>
        %exp3A_547 = math.exp %add3A_546 : vector<16xf32>
        %add3A_548 = arith.constant 1.000000e+00 : f32
        %add3A_549 = vector.broadcast %add3A_548 : f32 to vector<16xf32>
        %add3A_550 = arith.addf %exp3A_547, %add3A_549 : vector<16xf32>
        %div3A_551 = arith.constant 2.000000e+00 : f32
        %div3A_552 = vector.broadcast %div3A_551 : f32 to vector<16xf32>
        %div3A_553 = arith.divf %div3A_552, %add3A_550 : vector<16xf32>
        %sub3A_554 = arith.constant 1.000000e+00 : f32
        %sub3A_555 = vector.broadcast %sub3A_554 : f32 to vector<16xf32>
        %sub3A_556 = arith.subf %sub3A_555, %div3A_553 : vector<16xf32>
        %swap3A_557 = arith.constant 1 : i32
        %swap3A_558 = arith.index_cast %swap3A_557 : i32 to index
        %swap3A_559 = arith.index_cast %scan3A_454 : i32 to index
        %swap3A_560 = arith.constant 32 : index
        %swap3A_561 = tpu.vector_load %arg11[%swap3A_558, %swap3A_559, %swap3A_560] {strides = array<i32>} : memref<2x112x128xf32, #tpu.memory_space<vmem>>, vector<1x1x16xf32>,
        %swap3A_562 = vector.shape_cast %swap3A_561 : vector<1x1x16xf32> to vector<16xf32>
        %swap3A_563 = vector.shape_cast %sub3A_556 : vector<16xf32> to vector<1x1x16xf32>
        tpu.vector_store %arg11[%swap3A_558, %swap3A_559, %swap3A_560], %swap3A_563 {strides = array<i32>} : memref<2x112x128xf32, #tpu.memory_space<vmem>>, vector<1x1x16xf32>,
        %get3A_564 = arith.constant 1 : i32
        %get3A_565 = arith.index_cast %get3A_564 : i32 to index
        %get3A_566 = arith.index_cast %scan3A_454 : i32 to index
        %get3A_567 = arith.constant 48 : index
        %get3A_568 = tpu.vector_load %arg8[%get3A_565, %get3A_566, %get3A_567] {strides = array<i32>} : memref<2x112x128xf32, #tpu.memory_space<vmem>>, vector<1x1x16xf32>,
        %get3A_569 = vector.shape_cast %get3A_568 : vector<1x1x16xf32> to vector<16xf32>
        %get3A_570 = arith.constant 1 : i32
        %get3A_571 = arith.index_cast %get3A_570 : i32 to index
        %get3A_572 = arith.index_cast %scan3A_454 : i32 to index
        %get3A_573 = arith.constant 48 : index
        %get3A_574 = tpu.vector_load %arg9[%get3A_571, %get3A_572, %get3A_573] {strides = array<i32>} : memref<2x112x128xf32, #tpu.memory_space<vmem>>, vector<1x1x16xf32>,
        %get3A_575 = vector.shape_cast %get3A_574 : vector<1x1x16xf32> to vector<16xf32>
        %mul3A_576 = arith.mulf %get3A_569, %get3A_575 : vector<16xf32>
        %get3A_577 = arith.constant 1 : i32
        %get3A_578 = arith.index_cast %get3A_577 : i32 to index
        %get3A_579 = arith.index_cast %scan3A_454 : i32 to index
        %get3A_580 = arith.constant 48 : index
        %get3A_581 = tpu.vector_load %arg10[%get3A_578, %get3A_579, %get3A_580] {strides = array<i32>} : memref<2x112x128xf32, #tpu.memory_space<vmem>>, vector<1x1x16xf32>,
        %get3A_582 = vector.shape_cast %get3A_581 : vector<1x1x16xf32> to vector<16xf32>
        %add3A_583 = arith.addf %mul3A_576, %get3A_582 : vector<16xf32>
        %add3A_584 = arith.addf %add3A_583, %add3A_583 : vector<16xf32>
        %exp3A_585 = math.exp %add3A_584 : vector<16xf32>
        %add3A_586 = arith.constant 1.000000e+00 : f32
        %add3A_587 = vector.broadcast %add3A_586 : f32 to vector<16xf32>
        %add3A_588 = arith.addf %exp3A_585, %add3A_587 : vector<16xf32>
        %div3A_589 = arith.constant 2.000000e+00 : f32
        %div3A_590 = vector.broadcast %div3A_589 : f32 to vector<16xf32>
        %div3A_591 = arith.divf %div3A_590, %add3A_588 : vector<16xf32>
        %sub3A_592 = arith.constant 1.000000e+00 : f32
        %sub3A_593 = vector.broadcast %sub3A_592 : f32 to vector<16xf32>
        %sub3A_594 = arith.subf %sub3A_593, %div3A_591 : vector<16xf32>
        %swap3A_595 = arith.constant 1 : i32
        %swap3A_596 = arith.index_cast %swap3A_595 : i32 to index
        %swap3A_597 = arith.index_cast %scan3A_454 : i32 to index
        %swap3A_598 = arith.constant 48 : index
        %swap3A_599 = tpu.vector_load %arg11[%swap3A_596, %swap3A_597, %swap3A_598] {strides = array<i32>} : memref<2x112x128xf32, #tpu.memory_space<vmem>>, vector<1x1x16xf32>,
        %swap3A_600 = vector.shape_cast %swap3A_599 : vector<1x1x16xf32> to vector<16xf32>
        %swap3A_601 = vector.shape_cast %sub3A_594 : vector<16xf32> to vector<1x1x16xf32>
        tpu.vector_store %arg11[%swap3A_596, %swap3A_597, %swap3A_598], %swap3A_601 {strides = array<i32>} : memref<2x112x128xf32, #tpu.memory_space<vmem>>, vector<1x1x16xf32>,
        %get3A_602 = arith.constant 1 : i32
        %get3A_603 = arith.index_cast %get3A_602 : i32 to index
        %get3A_604 = arith.index_cast %scan3A_454 : i32 to index
        %get3A_605 = arith.constant 64 : index
        %get3A_606 = tpu.vector_load %arg8[%get3A_603, %get3A_604, %get3A_605] {strides = array<i32>} : memref<2x112x128xf32, #tpu.memory_space<vmem>>, vector<1x1x16xf32>,
        %get3A_607 = vector.shape_cast %get3A_606 : vector<1x1x16xf32> to vector<16xf32>
        %get3A_608 = arith.constant 1 : i32
        %get3A_609 = arith.index_cast %get3A_608 : i32 to index
        %get3A_610 = arith.index_cast %scan3A_454 : i32 to index
        %get3A_611 = arith.constant 64 : index
        %get3A_612 = tpu.vector_load %arg9[%get3A_609, %get3A_610, %get3A_611] {strides = array<i32>} : memref<2x112x128xf32, #tpu.memory_space<vmem>>, vector<1x1x16xf32>,
        %get3A_613 = vector.shape_cast %get3A_612 : vector<1x1x16xf32> to vector<16xf32>
        %mul3A_614 = arith.mulf %get3A_607, %get3A_613 : vector<16xf32>
        %get3A_615 = arith.constant 1 : i32
        %get3A_616 = arith.index_cast %get3A_615 : i32 to index
        %get3A_617 = arith.index_cast %scan3A_454 : i32 to index
        %get3A_618 = arith.constant 64 : index
        %get3A_619 = tpu.vector_load %arg10[%get3A_616, %get3A_617, %get3A_618] {strides = array<i32>} : memref<2x112x128xf32, #tpu.memory_space<vmem>>, vector<1x1x16xf32>,
        %get3A_620 = vector.shape_cast %get3A_619 : vector<1x1x16xf32> to vector<16xf32>
        %add3A_621 = arith.addf %mul3A_614, %get3A_620 : vector<16xf32>
        %add3A_622 = arith.addf %add3A_621, %add3A_621 : vector<16xf32>
        %exp3A_623 = math.exp %add3A_622 : vector<16xf32>
        %add3A_624 = arith.constant 1.000000e+00 : f32
        %add3A_625 = vector.broadcast %add3A_624 : f32 to vector<16xf32>
        %add3A_626 = arith.addf %exp3A_623, %add3A_625 : vector<16xf32>
        %div3A_627 = arith.constant 2.000000e+00 : f32
        %div3A_628 = vector.broadcast %div3A_627 : f32 to vector<16xf32>
        %div3A_629 = arith.divf %div3A_628, %add3A_626 : vector<16xf32>
        %sub3A_630 = arith.constant 1.000000e+00 : f32
        %sub3A_631 = vector.broadcast %sub3A_630 : f32 to vector<16xf32>
        %sub3A_632 = arith.subf %sub3A_631, %div3A_629 : vector<16xf32>
        %swap3A_633 = arith.constant 1 : i32
        %swap3A_634 = arith.index_cast %swap3A_633 : i32 to index
        %swap3A_635 = arith.index_cast %scan3A_454 : i32 to index
        %swap3A_636 = arith.constant 64 : index
        %swap3A_637 = tpu.vector_load %arg11[%swap3A_634, %swap3A_635, %swap3A_636] {strides = array<i32>} : memref<2x112x128xf32, #tpu.memory_space<vmem>>, vector<1x1x16xf32>,
        %swap3A_638 = vector.shape_cast %swap3A_637 : vector<1x1x16xf32> to vector<16xf32>
        %swap3A_639 = vector.shape_cast %sub3A_632 : vector<16xf32> to vector<1x1x16xf32>
        tpu.vector_store %arg11[%swap3A_634, %swap3A_635, %swap3A_636], %swap3A_639 {strides = array<i32>} : memref<2x112x128xf32, #tpu.memory_space<vmem>>, vector<1x1x16xf32>,
        %get3A_640 = arith.constant 1 : i32
        %get3A_641 = arith.index_cast %get3A_640 : i32 to index
        %get3A_642 = arith.index_cast %scan3A_454 : i32 to index
        %get3A_643 = arith.constant 80 : index
        %get3A_644 = tpu.vector_load %arg8[%get3A_641, %get3A_642, %get3A_643] {strides = array<i32>} : memref<2x112x128xf32, #tpu.memory_space<vmem>>, vector<1x1x16xf32>,
        %get3A_645 = vector.shape_cast %get3A_644 : vector<1x1x16xf32> to vector<16xf32>
        %get3A_646 = arith.constant 1 : i32
        %get3A_647 = arith.index_cast %get3A_646 : i32 to index
        %get3A_648 = arith.index_cast %scan3A_454 : i32 to index
        %get3A_649 = arith.constant 80 : index
        %get3A_650 = tpu.vector_load %arg9[%get3A_647, %get3A_648, %get3A_649] {strides = array<i32>} : memref<2x112x128xf32, #tpu.memory_space<vmem>>, vector<1x1x16xf32>,
        %get3A_651 = vector.shape_cast %get3A_650 : vector<1x1x16xf32> to vector<16xf32>
        %mul3A_652 = arith.mulf %get3A_645, %get3A_651 : vector<16xf32>
        %get3A_653 = arith.constant 1 : i32
        %get3A_654 = arith.index_cast %get3A_653 : i32 to index
        %get3A_655 = arith.index_cast %scan3A_454 : i32 to index
        %get3A_656 = arith.constant 80 : index
        %get3A_657 = tpu.vector_load %arg10[%get3A_654, %get3A_655, %get3A_656] {strides = array<i32>} : memref<2x112x128xf32, #tpu.memory_space<vmem>>, vector<1x1x16xf32>,
        %get3A_658 = vector.shape_cast %get3A_657 : vector<1x1x16xf32> to vector<16xf32>
        %add3A_659 = arith.addf %mul3A_652, %get3A_658 : vector<16xf32>
        %add3A_660 = arith.addf %add3A_659, %add3A_659 : vector<16xf32>
        %exp3A_661 = math.exp %add3A_660 : vector<16xf32>
        %add3A_662 = arith.constant 1.000000e+00 : f32
        %add3A_663 = vector.broadcast %add3A_662 : f32 to vector<16xf32>
        %add3A_664 = arith.addf %exp3A_661, %add3A_663 : vector<16xf32>
        %div3A_665 = arith.constant 2.000000e+00 : f32
        %div3A_666 = vector.broadcast %div3A_665 : f32 to vector<16xf32>
        %div3A_667 = arith.divf %div3A_666, %add3A_664 : vector<16xf32>
        %sub3A_668 = arith.constant 1.000000e+00 : f32
        %sub3A_669 = vector.broadcast %sub3A_668 : f32 to vector<16xf32>
        %sub3A_670 = arith.subf %sub3A_669, %div3A_667 : vector<16xf32>
        %swap3A_671 = arith.constant 1 : i32
        %swap3A_672 = arith.index_cast %swap3A_671 : i32 to index
        %swap3A_673 = arith.index_cast %scan3A_454 : i32 to index
        %swap3A_674 = arith.constant 80 : index
        %swap3A_675 = tpu.vector_load %arg11[%swap3A_672, %swap3A_673, %swap3A_674] {strides = array<i32>} : memref<2x112x128xf32, #tpu.memory_space<vmem>>, vector<1x1x16xf32>,
        %swap3A_676 = vector.shape_cast %swap3A_675 : vector<1x1x16xf32> to vector<16xf32>
        %swap3A_677 = vector.shape_cast %sub3A_670 : vector<16xf32> to vector<1x1x16xf32>
        tpu.vector_store %arg11[%swap3A_672, %swap3A_673, %swap3A_674], %swap3A_677 {strides = array<i32>} : memref<2x112x128xf32, #tpu.memory_space<vmem>>, vector<1x1x16xf32>,
        %get3A_678 = arith.constant 1 : i32
        %get3A_679 = arith.index_cast %get3A_678 : i32 to index
        %get3A_680 = arith.index_cast %scan3A_454 : i32 to index
        %get3A_681 = arith.constant 96 : index
        %get3A_682 = tpu.vector_load %arg8[%get3A_679, %get3A_680, %get3A_681] {strides = array<i32>} : memref<2x112x128xf32, #tpu.memory_space<vmem>>, vector<1x1x16xf32>,
        %get3A_683 = vector.shape_cast %get3A_682 : vector<1x1x16xf32> to vector<16xf32>
        %get3A_684 = arith.constant 1 : i32
        %get3A_685 = arith.index_cast %get3A_684 : i32 to index
        %get3A_686 = arith.index_cast %scan3A_454 : i32 to index
        %get3A_687 = arith.constant 96 : index
        %get3A_688 = tpu.vector_load %arg9[%get3A_685, %get3A_686, %get3A_687] {strides = array<i32>} : memref<2x112x128xf32, #tpu.memory_space<vmem>>, vector<1x1x16xf32>,
        %get3A_689 = vector.shape_cast %get3A_688 : vector<1x1x16xf32> to vector<16xf32>
        %mul3A_690 = arith.mulf %get3A_683, %get3A_689 : vector<16xf32>
        %get3A_691 = arith.constant 1 : i32
        %get3A_692 = arith.index_cast %get3A_691 : i32 to index
        %get3A_693 = arith.index_cast %scan3A_454 : i32 to index
        %get3A_694 = arith.constant 96 : index
        %get3A_695 = tpu.vector_load %arg10[%get3A_692, %get3A_693, %get3A_694] {strides = array<i32>} : memref<2x112x128xf32, #tpu.memory_space<vmem>>, vector<1x1x16xf32>,
        %get3A_696 = vector.shape_cast %get3A_695 : vector<1x1x16xf32> to vector<16xf32>
        %add3A_697 = arith.addf %mul3A_690, %get3A_696 : vector<16xf32>
        %add3A_698 = arith.addf %add3A_697, %add3A_697 : vector<16xf32>
        %exp3A_699 = math.exp %add3A_698 : vector<16xf32>
        %add3A_700 = arith.constant 1.000000e+00 : f32
        %add3A_701 = vector.broadcast %add3A_700 : f32 to vector<16xf32>
        %add3A_702 = arith.addf %exp3A_699, %add3A_701 : vector<16xf32>
        %div3A_703 = arith.constant 2.000000e+00 : f32
        %div3A_704 = vector.broadcast %div3A_703 : f32 to vector<16xf32>
        %div3A_705 = arith.divf %div3A_704, %add3A_702 : vector<16xf32>
        %sub3A_706 = arith.constant 1.000000e+00 : f32
        %sub3A_707 = vector.broadcast %sub3A_706 : f32 to vector<16xf32>
        %sub3A_708 = arith.subf %sub3A_707, %div3A_705 : vector<16xf32>
        %swap3A_709 = arith.constant 1 : i32
        %swap3A_710 = arith.index_cast %swap3A_709 : i32 to index
        %swap3A_711 = arith.index_cast %scan3A_454 : i32 to index
        %swap3A_712 = arith.constant 96 : index
        %swap3A_713 = tpu.vector_load %arg11[%swap3A_710, %swap3A_711, %swap3A_712] {strides = array<i32>} : memref<2x112x128xf32, #tpu.memory_space<vmem>>, vector<1x1x16xf32>,
        %swap3A_714 = vector.shape_cast %swap3A_713 : vector<1x1x16xf32> to vector<16xf32>
        %swap3A_715 = vector.shape_cast %sub3A_708 : vector<16xf32> to vector<1x1x16xf32>
        tpu.vector_store %arg11[%swap3A_710, %swap3A_711, %swap3A_712], %swap3A_715 {strides = array<i32>} : memref<2x112x128xf32, #tpu.memory_space<vmem>>, vector<1x1x16xf32>,
        %get3A_716 = arith.constant 1 : i32
        %get3A_717 = arith.index_cast %get3A_716 : i32 to index
        %get3A_718 = arith.index_cast %scan3A_454 : i32 to index
        %get3A_719 = arith.constant 112 : index
        %get3A_720 = tpu.vector_load %arg8[%get3A_717, %get3A_718, %get3A_719] {strides = array<i32>} : memref<2x112x128xf32, #tpu.memory_space<vmem>>, vector<1x1x16xf32>,
        %get3A_721 = vector.shape_cast %get3A_720 : vector<1x1x16xf32> to vector<16xf32>
        %get3A_722 = arith.constant 1 : i32
        %get3A_723 = arith.index_cast %get3A_722 : i32 to index
        %get3A_724 = arith.index_cast %scan3A_454 : i32 to index
        %get3A_725 = arith.constant 112 : index
        %get3A_726 = tpu.vector_load %arg9[%get3A_723, %get3A_724, %get3A_725] {strides = array<i32>} : memref<2x112x128xf32, #tpu.memory_space<vmem>>, vector<1x1x16xf32>,
        %get3A_727 = vector.shape_cast %get3A_726 : vector<1x1x16xf32> to vector<16xf32>
        %mul3A_728 = arith.mulf %get3A_721, %get3A_727 : vector<16xf32>
        %get3A_729 = arith.constant 1 : i32
        %get3A_730 = arith.index_cast %get3A_729 : i32 to index
        %get3A_731 = arith.index_cast %scan3A_454 : i32 to index
        %get3A_732 = arith.constant 112 : index
        %get3A_733 = tpu.vector_load %arg10[%get3A_730, %get3A_731, %get3A_732] {strides = array<i32>} : memref<2x112x128xf32, #tpu.memory_space<vmem>>, vector<1x1x16xf32>,
        %get3A_734 = vector.shape_cast %get3A_733 : vector<1x1x16xf32> to vector<16xf32>
        %add3A_735 = arith.addf %mul3A_728, %get3A_734 : vector<16xf32>
        %add3A_736 = arith.addf %add3A_735, %add3A_735 : vector<16xf32>
        %exp3A_737 = math.exp %add3A_736 : vector<16xf32>
        %add3A_738 = arith.constant 1.000000e+00 : f32
        %add3A_739 = vector.broadcast %add3A_738 : f32 to vector<16xf32>
        %add3A_740 = arith.addf %exp3A_737, %add3A_739 : vector<16xf32>
        %div3A_741 = arith.constant 2.000000e+00 : f32
        %div3A_742 = vector.broadcast %div3A_741 : f32 to vector<16xf32>
        %div3A_743 = arith.divf %div3A_742, %add3A_740 : vector<16xf32>
        %sub3A_744 = arith.constant 1.000000e+00 : f32
        %sub3A_745 = vector.broadcast %sub3A_744 : f32 to vector<16xf32>
        %sub3A_746 = arith.subf %sub3A_745, %div3A_743 : vector<16xf32>
        %swap3A_747 = arith.constant 1 : i32
        %swap3A_748 = arith.index_cast %swap3A_747 : i32 to index
        %swap3A_749 = arith.index_cast %scan3A_454 : i32 to index
        %swap3A_750 = arith.constant 112 : index
        %swap3A_751 = tpu.vector_load %arg11[%swap3A_748, %swap3A_749, %swap3A_750] {strides = array<i32>} : memref<2x112x128xf32, #tpu.memory_space<vmem>>, vector<1x1x16xf32>,
        %swap3A_752 = vector.shape_cast %swap3A_751 : vector<1x1x16xf32> to vector<16xf32>
        %swap3A_753 = vector.shape_cast %sub3A_746 : vector<16xf32> to vector<1x1x16xf32>
        tpu.vector_store %arg11[%swap3A_748, %swap3A_749, %swap3A_750], %swap3A_753 {strides = array<i32>} : memref<2x112x128xf32, #tpu.memory_space<vmem>>, vector<1x1x16xf32>,
      }
      %scan3A_428 = arith.constant 112 : i32
      %mul3A_429 = arith.constant 112 : i32
      %mul3A_430 = arith.muli %add3A_378, %mul3A_429 : i32
      %multiple_of3A_431 = tpu.assume_multiple %mul3A_430, 8 : i32
      %add3A_432 = arith.addi %mul3A_2, %multiple_of3A_431 : i32
      %dma_start3A_433 = arith.constant 1 : i32
      %dma_start3A_434 = arith.constant 0 : i32
      %dma_start3A_435 = arith.constant 0 : i32
      %dma_start3A_436 = tpu.memref_slice %arg11[%dma_start3A_433, %dma_start3A_434, %dma_start3A_435] : memref<2x112x128xf32, #tpu.memory_space<vmem>> -> memref<1x112x128xf32, #tpu.memory_space<vmem>>
      %dma_start3A_437 = tpu.memref_squeeze %dma_start3A_436 : memref<1x112x128xf32, #tpu.memory_space<vmem>> -> memref<112x128xf32, #tpu.memory_space<vmem>>
      %dma_start3A_438 = arith.constant 0 : i32
      %dma_start3A_439 = tpu.memref_slice %arg6[%add3A_432, %dma_start3A_438] : memref<320000x128xf32, #tpu.memory_space<hbm>> -> memref<112x128xf32, #tpu.memory_space<hbm>>
      %dma_start3A_440 = arith.constant 0 : i32
      %dma_start3A_441 = tpu.memref_slice %arg6[%add3A_432, %dma_start3A_440] : memref<320000x128xf32, #tpu.memory_space<hbm>> -> memref<112x128xf32, #tpu.memory_space<hbm>>
      %dma_start3A_442 = arith.constant 0 : i32
      %dma_start3A_443 = arith.constant 0 : i32
      %dma_start3A_444 = tpu.memref_slice %arg11[%dma_start3A_433, %dma_start3A_442, %dma_start3A_443] : memref<2x112x128xf32, #tpu.memory_space<vmem>> -> memref<1x112x128xf32, #tpu.memory_space<vmem>>
      %dma_start3A_445 = tpu.memref_squeeze %dma_start3A_444 : memref<1x112x128xf32, #tpu.memory_space<vmem>> -> memref<112x128xf32, #tpu.memory_space<vmem>>
      tpu.enqueue_dma source(%dma_start3A_445 : memref<112x128xf32, #tpu.memory_space<vmem>>) target(%dma_start3A_441 : memref<112x128xf32, #tpu.memory_space<hbm>>) target_semaphore(%arg19 : memref<!tpu.dma_semaphore, #tpu.memory_space<semaphore_mem>>)
      %lt3A = arith.constant 43 : i32
      %lt3A_446 = arith.cmpi slt, %scan3A_265, %lt3A : i32
      %convert_element_type3A_447 = arith.extui %lt3A_446 : i1 to i32
      %cond3A_448 = arith.constant 0 : i32
      %cond3A_449 = arith.cmpi ne, %convert_element_type3A_447, %cond3A_448 : i32
      scf.if %cond3A_449 {
        %add3A_454 = arith.constant 2 : i32
        %add3A_455 = arith.addi %add3A_378, %add3A_454 : i32
        %mul3A_456 = arith.constant 112 : i32
        %mul3A_457 = arith.muli %add3A_455, %mul3A_456 : i32
        %multiple_of3A_458 = tpu.assume_multiple %mul3A_457, 8 : i32
        %add3A_459 = arith.addi %mul3A_2, %multiple_of3A_458 : i32
        %dma_start3A_460 = arith.constant 1 : i32
        %dma_start3A_461 = arith.constant 0 : i32
        %dma_start3A_462 = arith.constant 0 : i32
        %dma_start3A_463 = tpu.memref_slice %arg8[%dma_start3A_460, %dma_start3A_461, %dma_start3A_462] : memref<2x112x128xf32, #tpu.memory_space<vmem>> -> memref<1x112x128xf32, #tpu.memory_space<vmem>>
        %dma_start3A_464 = tpu.memref_squeeze %dma_start3A_463 : memref<1x112x128xf32, #tpu.memory_space<vmem>> -> memref<112x128xf32, #tpu.memory_space<vmem>>
        %dma_start3A_465 = tpu.memref_slice %arg7[%multiple_of3A_458] : memref<10000xi32, #tpu.memory_space<vmem>> -> memref<112xi32, #tpu.memory_space<vmem>>
        %dma_start3A_466 = arith.constant 0 : i32
        %dma_start3A_467 = arith.constant 0 : i32
        %dma_start3A_468 = tpu.memref_slice %arg2[%dma_start3A_466, %dma_start3A_467] : memref<10000x128xf32, #tpu.memory_space<hbm>> -> memref<10000x128xf32, #tpu.memory_space<hbm>>
        tpu.enqueue_indirect_dma source(%dma_start3A_468 : memref<10000x128xf32, #tpu.memory_space<hbm>>) target(%dma_start3A_464 : memref<112x128xf32, #tpu.memory_space<vmem>>) offsets(%dma_start3A_465 : memref<112xi32, #tpu.memory_space<vmem>>) semaphore(%arg13 : memref<!tpu.dma_semaphore, #tpu.memory_space<semaphore_mem>>)
        %dma_start3A_469 = arith.constant 1 : i32
        %dma_start3A_470 = arith.constant 0 : i32
        %dma_start3A_471 = arith.constant 0 : i32
        %dma_start3A_472 = tpu.memref_slice %arg9[%dma_start3A_469, %dma_start3A_470, %dma_start3A_471] : memref<2x112x128xf32, #tpu.memory_space<vmem>> -> memref<1x112x128xf32, #tpu.memory_space<vmem>>
        %dma_start3A_473 = tpu.memref_squeeze %dma_start3A_472 : memref<1x112x128xf32, #tpu.memory_space<vmem>> -> memref<112x128xf32, #tpu.memory_space<vmem>>
        %dma_start3A_474 = arith.constant 0 : i32
        %dma_start3A_475 = tpu.memref_slice %arg4[%add3A_459, %dma_start3A_474] : memref<320000x128xf32, #tpu.memory_space<hbm>> -> memref<112x128xf32, #tpu.memory_space<hbm>>
        %dma_start3A_476 = arith.constant 0 : i32
        %dma_start3A_477 = arith.constant 0 : i32
        %dma_start3A_478 = tpu.memref_slice %arg9[%dma_start3A_469, %dma_start3A_476, %dma_start3A_477] : memref<2x112x128xf32, #tpu.memory_space<vmem>> -> memref<1x112x128xf32, #tpu.memory_space<vmem>>
        %dma_start3A_479 = tpu.memref_squeeze %dma_start3A_478 : memref<1x112x128xf32, #tpu.memory_space<vmem>> -> memref<112x128xf32, #tpu.memory_space<vmem>>
        %dma_start3A_480 = arith.constant 0 : i32
        %dma_start3A_481 = tpu.memref_slice %arg4[%add3A_459, %dma_start3A_480] : memref<320000x128xf32, #tpu.memory_space<hbm>> -> memref<112x128xf32, #tpu.memory_space<hbm>>
        tpu.enqueue_dma source(%dma_start3A_481 : memref<112x128xf32, #tpu.memory_space<hbm>>) target(%dma_start3A_479 : memref<112x128xf32, #tpu.memory_space<vmem>>) target_semaphore(%arg15 : memref<!tpu.dma_semaphore, #tpu.memory_space<semaphore_mem>>)
        %dma_start3A_482 = arith.constant 1 : i32
        %dma_start3A_483 = arith.constant 0 : i32
        %dma_start3A_484 = arith.constant 0 : i32
        %dma_start3A_485 = tpu.memref_slice %arg10[%dma_start3A_482, %dma_start3A_483, %dma_start3A_484] : memref<2x112x128xf32, #tpu.memory_space<vmem>> -> memref<1x112x128xf32, #tpu.memory_space<vmem>>
        %dma_start3A_486 = tpu.memref_squeeze %dma_start3A_485 : memref<1x112x128xf32, #tpu.memory_space<vmem>> -> memref<112x128xf32, #tpu.memory_space<vmem>>
        %dma_start3A_487 = arith.constant 0 : i32
        %dma_start3A_488 = tpu.memref_slice %arg5[%add3A_459, %dma_start3A_487] : memref<320000x128xf32, #tpu.memory_space<hbm>> -> memref<112x128xf32, #tpu.memory_space<hbm>>
        %dma_start3A_489 = arith.constant 0 : i32
        %dma_start3A_490 = arith.constant 0 : i32
        %dma_start3A_491 = tpu.memref_slice %arg10[%dma_start3A_482, %dma_start3A_489, %dma_start3A_490] : memref<2x112x128xf32, #tpu.memory_space<vmem>> -> memref<1x112x128xf32, #tpu.memory_space<vmem>>
        %dma_start3A_492 = tpu.memref_squeeze %dma_start3A_491 : memref<1x112x128xf32, #tpu.memory_space<vmem>> -> memref<112x128xf32, #tpu.memory_space<vmem>>
        %dma_start3A_493 = arith.constant 0 : i32
        %dma_start3A_494 = tpu.memref_slice %arg5[%add3A_459, %dma_start3A_493] : memref<320000x128xf32, #tpu.memory_space<hbm>> -> memref<112x128xf32, #tpu.memory_space<hbm>>
        tpu.enqueue_dma source(%dma_start3A_494 : memref<112x128xf32, #tpu.memory_space<hbm>>) target(%dma_start3A_492 : memref<112x128xf32, #tpu.memory_space<vmem>>) target_semaphore(%arg17 : memref<!tpu.dma_semaphore, #tpu.memory_space<semaphore_mem>>)
      } else {
      }
      %eq3A = arith.constant 43 : i32
      %eq3A_450 = arith.cmpi eq, %scan3A_265, %eq3A : i32
      %convert_element_type3A_451 = arith.extui %eq3A_450 : i1 to i32
      %cond3A_452 = arith.constant 0 : i32
      %cond3A_453 = arith.cmpi ne, %convert_element_type3A_451, %cond3A_452 : i32
      scf.if %cond3A_453 {
        %multiple_of3A_454 = arith.constant 9968 : i32
        %multiple_of3A_455 = tpu.assume_multiple %multiple_of3A_454, 8 : i32
        %add3A_456 = arith.addi %mul3A_2, %multiple_of3A_455 : i32
        %dma_start3A_457 = arith.constant 1 : i32
        %dma_start3A_458 = arith.constant 0 : i32
        %dma_start3A_459 = arith.constant 0 : i32
        %dma_start3A_460 = tpu.memref_slice %arg8[%dma_start3A_457, %dma_start3A_458, %dma_start3A_459] : memref<2x112x128xf32, #tpu.memory_space<vmem>> -> memref<1x32x128xf32, #tpu.memory_space<vmem>>
        %dma_start3A_461 = tpu.memref_squeeze %dma_start3A_460 : memref<1x32x128xf32, #tpu.memory_space<vmem>> -> memref<32x128xf32, #tpu.memory_space<vmem>>
        %dma_start3A_462 = tpu.memref_slice %arg7[%multiple_of3A_455] : memref<10000xi32, #tpu.memory_space<vmem>> -> memref<32xi32, #tpu.memory_space<vmem>>
        %dma_start3A_463 = arith.constant 0 : i32
        %dma_start3A_464 = arith.constant 0 : i32
        %dma_start3A_465 = tpu.memref_slice %arg2[%dma_start3A_463, %dma_start3A_464] : memref<10000x128xf32, #tpu.memory_space<hbm>> -> memref<10000x128xf32, #tpu.memory_space<hbm>>
        tpu.enqueue_indirect_dma source(%dma_start3A_465 : memref<10000x128xf32, #tpu.memory_space<hbm>>) target(%dma_start3A_461 : memref<32x128xf32, #tpu.memory_space<vmem>>) offsets(%dma_start3A_462 : memref<32xi32, #tpu.memory_space<vmem>>) semaphore(%arg13 : memref<!tpu.dma_semaphore, #tpu.memory_space<semaphore_mem>>)
        %dma_start3A_466 = arith.constant 1 : i32
        %dma_start3A_467 = arith.constant 0 : i32
        %dma_start3A_468 = arith.constant 0 : i32
        %dma_start3A_469 = tpu.memref_slice %arg9[%dma_start3A_466, %dma_start3A_467, %dma_start3A_468] : memref<2x112x128xf32, #tpu.memory_space<vmem>> -> memref<1x32x128xf32, #tpu.memory_space<vmem>>
        %dma_start3A_470 = tpu.memref_squeeze %dma_start3A_469 : memref<1x32x128xf32, #tpu.memory_space<vmem>> -> memref<32x128xf32, #tpu.memory_space<vmem>>
        %dma_start3A_471 = arith.constant 0 : i32
        %dma_start3A_472 = tpu.memref_slice %arg4[%add3A_456, %dma_start3A_471] : memref<320000x128xf32, #tpu.memory_space<hbm>> -> memref<32x128xf32, #tpu.memory_space<hbm>>
        %dma_start3A_473 = arith.constant 0 : i32
        %dma_start3A_474 = arith.constant 0 : i32
        %dma_start3A_475 = tpu.memref_slice %arg9[%dma_start3A_466, %dma_start3A_473, %dma_start3A_474] : memref<2x112x128xf32, #tpu.memory_space<vmem>> -> memref<1x32x128xf32, #tpu.memory_space<vmem>>
        %dma_start3A_476 = tpu.memref_squeeze %dma_start3A_475 : memref<1x32x128xf32, #tpu.memory_space<vmem>> -> memref<32x128xf32, #tpu.memory_space<vmem>>
        %dma_start3A_477 = arith.constant 0 : i32
        %dma_start3A_478 = tpu.memref_slice %arg4[%add3A_456, %dma_start3A_477] : memref<320000x128xf32, #tpu.memory_space<hbm>> -> memref<32x128xf32, #tpu.memory_space<hbm>>
        tpu.enqueue_dma source(%dma_start3A_478 : memref<32x128xf32, #tpu.memory_space<hbm>>) target(%dma_start3A_476 : memref<32x128xf32, #tpu.memory_space<vmem>>) target_semaphore(%arg15 : memref<!tpu.dma_semaphore, #tpu.memory_space<semaphore_mem>>)
        %dma_start3A_479 = arith.constant 1 : i32
        %dma_start3A_480 = arith.constant 0 : i32
        %dma_start3A_481 = arith.constant 0 : i32
        %dma_start3A_482 = tpu.memref_slice %arg10[%dma_start3A_479, %dma_start3A_480, %dma_start3A_481] : memref<2x112x128xf32, #tpu.memory_space<vmem>> -> memref<1x32x128xf32, #tpu.memory_space<vmem>>
        %dma_start3A_483 = tpu.memref_squeeze %dma_start3A_482 : memref<1x32x128xf32, #tpu.memory_space<vmem>> -> memref<32x128xf32, #tpu.memory_space<vmem>>
        %dma_start3A_484 = arith.constant 0 : i32
        %dma_start3A_485 = tpu.memref_slice %arg5[%add3A_456, %dma_start3A_484] : memref<320000x128xf32, #tpu.memory_space<hbm>> -> memref<32x128xf32, #tpu.memory_space<hbm>>
        %dma_start3A_486 = arith.constant 0 : i32
        %dma_start3A_487 = arith.constant 0 : i32
        %dma_start3A_488 = tpu.memref_slice %arg10[%dma_start3A_479, %dma_start3A_486, %dma_start3A_487] : memref<2x112x128xf32, #tpu.memory_space<vmem>> -> memref<1x32x128xf32, #tpu.memory_space<vmem>>
        %dma_start3A_489 = tpu.memref_squeeze %dma_start3A_488 : memref<1x32x128xf32, #tpu.memory_space<vmem>> -> memref<32x128xf32, #tpu.memory_space<vmem>>
        %dma_start3A_490 = arith.constant 0 : i32
        %dma_start3A_491 = tpu.memref_slice %arg5[%add3A_456, %dma_start3A_490] : memref<320000x128xf32, #tpu.memory_space<hbm>> -> memref<32x128xf32, #tpu.memory_space<hbm>>
        tpu.enqueue_dma source(%dma_start3A_491 : memref<32x128xf32, #tpu.memory_space<hbm>>) target(%dma_start3A_489 : memref<32x128xf32, #tpu.memory_space<vmem>>) target_semaphore(%arg17 : memref<!tpu.dma_semaphore, #tpu.memory_space<semaphore_mem>>)
      } else {
      }
    }
    %scan3A_81 = arith.constant 44 : i32
    %multiple_of3A_82 = arith.constant 9856 : i32
    %multiple_of3A_83 = tpu.assume_multiple %multiple_of3A_82, 8 : i32
    %add3A_84 = arith.addi %mul3A_2, %multiple_of3A_83 : i32
    %dma_wait3A = arith.constant 0 : i32
    %dma_wait3A_85 = arith.constant 0 : i32
    %dma_wait3A_86 = arith.constant 0 : i32
    %dma_wait3A_87 = tpu.memref_slice %arg8[%dma_wait3A, %dma_wait3A_85, %dma_wait3A_86] : memref<2x112x128xf32, #tpu.memory_space<vmem>> -> memref<1x112x128xf32, #tpu.memory_space<vmem>>
    %dma_wait3A_88 = tpu.memref_squeeze %dma_wait3A_87 : memref<1x112x128xf32, #tpu.memory_space<vmem>> -> memref<112x128xf32, #tpu.memory_space<vmem>>
    %dma_wait3A_89 = tpu.memref_slice %arg7[%multiple_of3A_83] : memref<10000xi32, #tpu.memory_space<vmem>> -> memref<112xi32, #tpu.memory_space<vmem>>
    %dma_wait3A_90 = arith.constant 0 : i32
    %dma_wait3A_91 = arith.constant 0 : i32
    %dma_wait3A_92 = tpu.memref_slice %arg2[%dma_wait3A_90, %dma_wait3A_91] : memref<10000x128xf32, #tpu.memory_space<hbm>> -> memref<10000x128xf32, #tpu.memory_space<hbm>>
    tpu.wait_indirect_dma semaphore(%arg12 : memref<!tpu.dma_semaphore, #tpu.memory_space<semaphore_mem>>) src(%dma_wait3A_92 : memref<10000x128xf32, #tpu.memory_space<hbm>>) dst(%dma_wait3A_88 : memref<112x128xf32, #tpu.memory_space<vmem>>)
    %dma_wait3A_93 = arith.constant 0 : i32
    %dma_wait3A_94 = arith.constant 0 : i32
    %dma_wait3A_95 = arith.constant 0 : i32
    %dma_wait3A_96 = tpu.memref_slice %arg9[%dma_wait3A_93, %dma_wait3A_94, %dma_wait3A_95] : memref<2x112x128xf32, #tpu.memory_space<vmem>> -> memref<1x112x128xf32, #tpu.memory_space<vmem>>
    %dma_wait3A_97 = tpu.memref_squeeze %dma_wait3A_96 : memref<1x112x128xf32, #tpu.memory_space<vmem>> -> memref<112x128xf32, #tpu.memory_space<vmem>>
    %dma_wait3A_98 = arith.constant 0 : i32
    %dma_wait3A_99 = tpu.memref_slice %arg4[%add3A_84, %dma_wait3A_98] : memref<320000x128xf32, #tpu.memory_space<hbm>> -> memref<112x128xf32, #tpu.memory_space<hbm>>
    %dma_wait3A_100 = arith.constant 0 : i32
    %dma_wait3A_101 = arith.constant 0 : i32
    %dma_wait3A_102 = tpu.memref_slice %arg9[%dma_wait3A_93, %dma_wait3A_100, %dma_wait3A_101] : memref<2x112x128xf32, #tpu.memory_space<vmem>> -> memref<1x112x128xf32, #tpu.memory_space<vmem>>
    %dma_wait3A_103 = tpu.memref_squeeze %dma_wait3A_102 : memref<1x112x128xf32, #tpu.memory_space<vmem>> -> memref<112x128xf32, #tpu.memory_space<vmem>>
    %dma_wait3A_104 = arith.constant 0 : i32
    %dma_wait3A_105 = tpu.memref_slice %arg4[%add3A_84, %dma_wait3A_104] : memref<320000x128xf32, #tpu.memory_space<hbm>> -> memref<112x128xf32, #tpu.memory_space<hbm>>
    tpu.wait_dma2 semaphore(%arg14 : memref<!tpu.dma_semaphore, #tpu.memory_space<semaphore_mem>>) src(%dma_wait3A_105 : memref<112x128xf32, #tpu.memory_space<hbm>>) dst(%dma_wait3A_103 : memref<112x128xf32, #tpu.memory_space<vmem>>)
    %dma_wait3A_106 = arith.constant 0 : i32
    %dma_wait3A_107 = arith.constant 0 : i32
    %dma_wait3A_108 = arith.constant 0 : i32
    %dma_wait3A_109 = tpu.memref_slice %arg10[%dma_wait3A_106, %dma_wait3A_107, %dma_wait3A_108] : memref<2x112x128xf32, #tpu.memory_space<vmem>> -> memref<1x112x128xf32, #tpu.memory_space<vmem>>
    %dma_wait3A_110 = tpu.memref_squeeze %dma_wait3A_109 : memref<1x112x128xf32, #tpu.memory_space<vmem>> -> memref<112x128xf32, #tpu.memory_space<vmem>>
    %dma_wait3A_111 = arith.constant 0 : i32
    %dma_wait3A_112 = tpu.memref_slice %arg5[%add3A_84, %dma_wait3A_111] : memref<320000x128xf32, #tpu.memory_space<hbm>> -> memref<112x128xf32, #tpu.memory_space<hbm>>
    %dma_wait3A_113 = arith.constant 0 : i32
    %dma_wait3A_114 = arith.constant 0 : i32
    %dma_wait3A_115 = tpu.memref_slice %arg10[%dma_wait3A_106, %dma_wait3A_113, %dma_wait3A_114] : memref<2x112x128xf32, #tpu.memory_space<vmem>> -> memref<1x112x128xf32, #tpu.memory_space<vmem>>
    %dma_wait3A_116 = tpu.memref_squeeze %dma_wait3A_115 : memref<1x112x128xf32, #tpu.memory_space<vmem>> -> memref<112x128xf32, #tpu.memory_space<vmem>>
    %dma_wait3A_117 = arith.constant 0 : i32
    %dma_wait3A_118 = tpu.memref_slice %arg5[%add3A_84, %dma_wait3A_117] : memref<320000x128xf32, #tpu.memory_space<hbm>> -> memref<112x128xf32, #tpu.memory_space<hbm>>
    tpu.wait_dma2 semaphore(%arg16 : memref<!tpu.dma_semaphore, #tpu.memory_space<semaphore_mem>>) src(%dma_wait3A_118 : memref<112x128xf32, #tpu.memory_space<hbm>>) dst(%dma_wait3A_116 : memref<112x128xf32, #tpu.memory_space<vmem>>)
    %multiple_of3A_119 = arith.constant 9632 : i32
    %multiple_of3A_120 = tpu.assume_multiple %multiple_of3A_119, 8 : i32
    %add3A_121 = arith.addi %mul3A_2, %multiple_of3A_120 : i32
    %dma_wait3A_122 = arith.constant 0 : i32
    %dma_wait3A_123 = arith.constant 0 : i32
    %dma_wait3A_124 = arith.constant 0 : i32
    %dma_wait3A_125 = tpu.memref_slice %arg11[%dma_wait3A_122, %dma_wait3A_123, %dma_wait3A_124] : memref<2x112x128xf32, #tpu.memory_space<vmem>> -> memref<1x112x128xf32, #tpu.memory_space<vmem>>
    %dma_wait3A_126 = tpu.memref_squeeze %dma_wait3A_125 : memref<1x112x128xf32, #tpu.memory_space<vmem>> -> memref<112x128xf32, #tpu.memory_space<vmem>>
    %dma_wait3A_127 = arith.constant 0 : i32
    %dma_wait3A_128 = tpu.memref_slice %arg6[%add3A_121, %dma_wait3A_127] : memref<320000x128xf32, #tpu.memory_space<hbm>> -> memref<112x128xf32, #tpu.memory_space<hbm>>
    %dma_wait3A_129 = arith.constant 0 : i32
    %dma_wait3A_130 = tpu.memref_slice %arg6[%add3A_121, %dma_wait3A_129] : memref<320000x128xf32, #tpu.memory_space<hbm>> -> memref<112x128xf32, #tpu.memory_space<hbm>>
    %dma_wait3A_131 = arith.constant 0 : i32
    %dma_wait3A_132 = arith.constant 0 : i32
    %dma_wait3A_133 = tpu.memref_slice %arg11[%dma_wait3A_122, %dma_wait3A_131, %dma_wait3A_132] : memref<2x112x128xf32, #tpu.memory_space<vmem>> -> memref<1x112x128xf32, #tpu.memory_space<vmem>>
    %dma_wait3A_134 = tpu.memref_squeeze %dma_wait3A_133 : memref<1x112x128xf32, #tpu.memory_space<vmem>> -> memref<112x128xf32, #tpu.memory_space<vmem>>
    tpu.wait_dma2 semaphore(%arg18 : memref<!tpu.dma_semaphore, #tpu.memory_space<semaphore_mem>>) src(%dma_wait3A_134 : memref<112x128xf32, #tpu.memory_space<vmem>>) dst(%dma_wait3A_130 : memref<112x128xf32, #tpu.memory_space<hbm>>)
    %scan3A_135 = arith.constant 0 : i32
    %scan3A_136 = arith.constant 0 : i32
    %scan3A_137 = arith.constant 112 : i32
    %scan3A_138 = arith.addi %scan3A_136, %scan3A_137 : i32
    %scan3A_139 = arith.constant 1 : i32
    scf.for %scan3A_265 = %scan3A_136 to %scan3A_138 step %scan3A_139  : i32 {
      %get3A = arith.constant 0 : i32
      %get3A_266 = arith.index_cast %get3A : i32 to index
      %get3A_267 = arith.index_cast %scan3A_265 : i32 to index
      %get3A_268 = arith.constant 0 : index
      %get3A_269 = tpu.vector_load %arg8[%get3A_266, %get3A_267, %get3A_268] {strides = array<i32>} : memref<2x112x128xf32, #tpu.memory_space<vmem>>, vector<1x1x16xf32>,
      %get3A_270 = vector.shape_cast %get3A_269 : vector<1x1x16xf32> to vector<16xf32>
      %get3A_271 = arith.constant 0 : i32
      %get3A_272 = arith.index_cast %get3A_271 : i32 to index
      %get3A_273 = arith.index_cast %scan3A_265 : i32 to index
      %get3A_274 = arith.constant 0 : index
      %get3A_275 = tpu.vector_load %arg9[%get3A_272, %get3A_273, %get3A_274] {strides = array<i32>} : memref<2x112x128xf32, #tpu.memory_space<vmem>>, vector<1x1x16xf32>,
      %get3A_276 = vector.shape_cast %get3A_275 : vector<1x1x16xf32> to vector<16xf32>
      %mul3A_277 = arith.mulf %get3A_270, %get3A_276 : vector<16xf32>
      %get3A_278 = arith.constant 0 : i32
      %get3A_279 = arith.index_cast %get3A_278 : i32 to index
      %get3A_280 = arith.index_cast %scan3A_265 : i32 to index
      %get3A_281 = arith.constant 0 : index
      %get3A_282 = tpu.vector_load %arg10[%get3A_279, %get3A_280, %get3A_281] {strides = array<i32>} : memref<2x112x128xf32, #tpu.memory_space<vmem>>, vector<1x1x16xf32>,
      %get3A_283 = vector.shape_cast %get3A_282 : vector<1x1x16xf32> to vector<16xf32>
      %add3A_284 = arith.addf %mul3A_277, %get3A_283 : vector<16xf32>
      %add3A_285 = arith.addf %add3A_284, %add3A_284 : vector<16xf32>
      %exp3A = math.exp %add3A_285 : vector<16xf32>
      %add3A_286 = arith.constant 1.000000e+00 : f32
      %add3A_287 = vector.broadcast %add3A_286 : f32 to vector<16xf32>
      %add3A_288 = arith.addf %exp3A, %add3A_287 : vector<16xf32>
      %div3A = arith.constant 2.000000e+00 : f32
      %div3A_289 = vector.broadcast %div3A : f32 to vector<16xf32>
      %div3A_290 = arith.divf %div3A_289, %add3A_288 : vector<16xf32>
      %sub3A = arith.constant 1.000000e+00 : f32
      %sub3A_291 = vector.broadcast %sub3A : f32 to vector<16xf32>
      %sub3A_292 = arith.subf %sub3A_291, %div3A_290 : vector<16xf32>
      %swap3A = arith.constant 0 : i32
      %swap3A_293 = arith.index_cast %swap3A : i32 to index
      %swap3A_294 = arith.index_cast %scan3A_265 : i32 to index
      %swap3A_295 = arith.constant 0 : index
      %swap3A_296 = tpu.vector_load %arg11[%swap3A_293, %swap3A_294, %swap3A_295] {strides = array<i32>} : memref<2x112x128xf32, #tpu.memory_space<vmem>>, vector<1x1x16xf32>,
      %swap3A_297 = vector.shape_cast %swap3A_296 : vector<1x1x16xf32> to vector<16xf32>
      %swap3A_298 = vector.shape_cast %sub3A_292 : vector<16xf32> to vector<1x1x16xf32>
      tpu.vector_store %arg11[%swap3A_293, %swap3A_294, %swap3A_295], %swap3A_298 {strides = array<i32>} : memref<2x112x128xf32, #tpu.memory_space<vmem>>, vector<1x1x16xf32>,
      %get3A_299 = arith.constant 0 : i32
      %get3A_300 = arith.index_cast %get3A_299 : i32 to index
      %get3A_301 = arith.index_cast %scan3A_265 : i32 to index
      %get3A_302 = arith.constant 16 : index
      %get3A_303 = tpu.vector_load %arg8[%get3A_300, %get3A_301, %get3A_302] {strides = array<i32>} : memref<2x112x128xf32, #tpu.memory_space<vmem>>, vector<1x1x16xf32>,
      %get3A_304 = vector.shape_cast %get3A_303 : vector<1x1x16xf32> to vector<16xf32>
      %get3A_305 = arith.constant 0 : i32
      %get3A_306 = arith.index_cast %get3A_305 : i32 to index
      %get3A_307 = arith.index_cast %scan3A_265 : i32 to index
      %get3A_308 = arith.constant 16 : index
      %get3A_309 = tpu.vector_load %arg9[%get3A_306, %get3A_307, %get3A_308] {strides = array<i32>} : memref<2x112x128xf32, #tpu.memory_space<vmem>>, vector<1x1x16xf32>,
      %get3A_310 = vector.shape_cast %get3A_309 : vector<1x1x16xf32> to vector<16xf32>
      %mul3A_311 = arith.mulf %get3A_304, %get3A_310 : vector<16xf32>
      %get3A_312 = arith.constant 0 : i32
      %get3A_313 = arith.index_cast %get3A_312 : i32 to index
      %get3A_314 = arith.index_cast %scan3A_265 : i32 to index
      %get3A_315 = arith.constant 16 : index
      %get3A_316 = tpu.vector_load %arg10[%get3A_313, %get3A_314, %get3A_315] {strides = array<i32>} : memref<2x112x128xf32, #tpu.memory_space<vmem>>, vector<1x1x16xf32>,
      %get3A_317 = vector.shape_cast %get3A_316 : vector<1x1x16xf32> to vector<16xf32>
      %add3A_318 = arith.addf %mul3A_311, %get3A_317 : vector<16xf32>
      %add3A_319 = arith.addf %add3A_318, %add3A_318 : vector<16xf32>
      %exp3A_320 = math.exp %add3A_319 : vector<16xf32>
      %add3A_321 = arith.constant 1.000000e+00 : f32
      %add3A_322 = vector.broadcast %add3A_321 : f32 to vector<16xf32>
      %add3A_323 = arith.addf %exp3A_320, %add3A_322 : vector<16xf32>
      %div3A_324 = arith.constant 2.000000e+00 : f32
      %div3A_325 = vector.broadcast %div3A_324 : f32 to vector<16xf32>
      %div3A_326 = arith.divf %div3A_325, %add3A_323 : vector<16xf32>
      %sub3A_327 = arith.constant 1.000000e+00 : f32
      %sub3A_328 = vector.broadcast %sub3A_327 : f32 to vector<16xf32>
      %sub3A_329 = arith.subf %sub3A_328, %div3A_326 : vector<16xf32>
      %swap3A_330 = arith.constant 0 : i32
      %swap3A_331 = arith.index_cast %swap3A_330 : i32 to index
      %swap3A_332 = arith.index_cast %scan3A_265 : i32 to index
      %swap3A_333 = arith.constant 16 : index
      %swap3A_334 = tpu.vector_load %arg11[%swap3A_331, %swap3A_332, %swap3A_333] {strides = array<i32>} : memref<2x112x128xf32, #tpu.memory_space<vmem>>, vector<1x1x16xf32>,
      %swap3A_335 = vector.shape_cast %swap3A_334 : vector<1x1x16xf32> to vector<16xf32>
      %swap3A_336 = vector.shape_cast %sub3A_329 : vector<16xf32> to vector<1x1x16xf32>
      tpu.vector_store %arg11[%swap3A_331, %swap3A_332, %swap3A_333], %swap3A_336 {strides = array<i32>} : memref<2x112x128xf32, #tpu.memory_space<vmem>>, vector<1x1x16xf32>,
      %get3A_337 = arith.constant 0 : i32
      %get3A_338 = arith.index_cast %get3A_337 : i32 to index
      %get3A_339 = arith.index_cast %scan3A_265 : i32 to index
      %get3A_340 = arith.constant 32 : index
      %get3A_341 = tpu.vector_load %arg8[%get3A_338, %get3A_339, %get3A_340] {strides = array<i32>} : memref<2x112x128xf32, #tpu.memory_space<vmem>>, vector<1x1x16xf32>,
      %get3A_342 = vector.shape_cast %get3A_341 : vector<1x1x16xf32> to vector<16xf32>
      %get3A_343 = arith.constant 0 : i32
      %get3A_344 = arith.index_cast %get3A_343 : i32 to index
      %get3A_345 = arith.index_cast %scan3A_265 : i32 to index
      %get3A_346 = arith.constant 32 : index
      %get3A_347 = tpu.vector_load %arg9[%get3A_344, %get3A_345, %get3A_346] {strides = array<i32>} : memref<2x112x128xf32, #tpu.memory_space<vmem>>, vector<1x1x16xf32>,
      %get3A_348 = vector.shape_cast %get3A_347 : vector<1x1x16xf32> to vector<16xf32>
      %mul3A_349 = arith.mulf %get3A_342, %get3A_348 : vector<16xf32>
      %get3A_350 = arith.constant 0 : i32
      %get3A_351 = arith.index_cast %get3A_350 : i32 to index
      %get3A_352 = arith.index_cast %scan3A_265 : i32 to index
      %get3A_353 = arith.constant 32 : index
      %get3A_354 = tpu.vector_load %arg10[%get3A_351, %get3A_352, %get3A_353] {strides = array<i32>} : memref<2x112x128xf32, #tpu.memory_space<vmem>>, vector<1x1x16xf32>,
      %get3A_355 = vector.shape_cast %get3A_354 : vector<1x1x16xf32> to vector<16xf32>
      %add3A_356 = arith.addf %mul3A_349, %get3A_355 : vector<16xf32>
      %add3A_357 = arith.addf %add3A_356, %add3A_356 : vector<16xf32>
      %exp3A_358 = math.exp %add3A_357 : vector<16xf32>
      %add3A_359 = arith.constant 1.000000e+00 : f32
      %add3A_360 = vector.broadcast %add3A_359 : f32 to vector<16xf32>
      %add3A_361 = arith.addf %exp3A_358, %add3A_360 : vector<16xf32>
      %div3A_362 = arith.constant 2.000000e+00 : f32
      %div3A_363 = vector.broadcast %div3A_362 : f32 to vector<16xf32>
      %div3A_364 = arith.divf %div3A_363, %add3A_361 : vector<16xf32>
      %sub3A_365 = arith.constant 1.000000e+00 : f32
      %sub3A_366 = vector.broadcast %sub3A_365 : f32 to vector<16xf32>
      %sub3A_367 = arith.subf %sub3A_366, %div3A_364 : vector<16xf32>
      %swap3A_368 = arith.constant 0 : i32
      %swap3A_369 = arith.index_cast %swap3A_368 : i32 to index
      %swap3A_370 = arith.index_cast %scan3A_265 : i32 to index
      %swap3A_371 = arith.constant 32 : index
      %swap3A_372 = tpu.vector_load %arg11[%swap3A_369, %swap3A_370, %swap3A_371] {strides = array<i32>} : memref<2x112x128xf32, #tpu.memory_space<vmem>>, vector<1x1x16xf32>,
      %swap3A_373 = vector.shape_cast %swap3A_372 : vector<1x1x16xf32> to vector<16xf32>
      %swap3A_374 = vector.shape_cast %sub3A_367 : vector<16xf32> to vector<1x1x16xf32>
      tpu.vector_store %arg11[%swap3A_369, %swap3A_370, %swap3A_371], %swap3A_374 {strides = array<i32>} : memref<2x112x128xf32, #tpu.memory_space<vmem>>, vector<1x1x16xf32>,
      %get3A_375 = arith.constant 0 : i32
      %get3A_376 = arith.index_cast %get3A_375 : i32 to index
      %get3A_377 = arith.index_cast %scan3A_265 : i32 to index
      %get3A_378 = arith.constant 48 : index
      %get3A_379 = tpu.vector_load %arg8[%get3A_376, %get3A_377, %get3A_378] {strides = array<i32>} : memref<2x112x128xf32, #tpu.memory_space<vmem>>, vector<1x1x16xf32>,
      %get3A_380 = vector.shape_cast %get3A_379 : vector<1x1x16xf32> to vector<16xf32>
      %get3A_381 = arith.constant 0 : i32
      %get3A_382 = arith.index_cast %get3A_381 : i32 to index
      %get3A_383 = arith.index_cast %scan3A_265 : i32 to index
      %get3A_384 = arith.constant 48 : index
      %get3A_385 = tpu.vector_load %arg9[%get3A_382, %get3A_383, %get3A_384] {strides = array<i32>} : memref<2x112x128xf32, #tpu.memory_space<vmem>>, vector<1x1x16xf32>,
      %get3A_386 = vector.shape_cast %get3A_385 : vector<1x1x16xf32> to vector<16xf32>
      %mul3A_387 = arith.mulf %get3A_380, %get3A_386 : vector<16xf32>
      %get3A_388 = arith.constant 0 : i32
      %get3A_389 = arith.index_cast %get3A_388 : i32 to index
      %get3A_390 = arith.index_cast %scan3A_265 : i32 to index
      %get3A_391 = arith.constant 48 : index
      %get3A_392 = tpu.vector_load %arg10[%get3A_389, %get3A_390, %get3A_391] {strides = array<i32>} : memref<2x112x128xf32, #tpu.memory_space<vmem>>, vector<1x1x16xf32>,
      %get3A_393 = vector.shape_cast %get3A_392 : vector<1x1x16xf32> to vector<16xf32>
      %add3A_394 = arith.addf %mul3A_387, %get3A_393 : vector<16xf32>
      %add3A_395 = arith.addf %add3A_394, %add3A_394 : vector<16xf32>
      %exp3A_396 = math.exp %add3A_395 : vector<16xf32>
      %add3A_397 = arith.constant 1.000000e+00 : f32
      %add3A_398 = vector.broadcast %add3A_397 : f32 to vector<16xf32>
      %add3A_399 = arith.addf %exp3A_396, %add3A_398 : vector<16xf32>
      %div3A_400 = arith.constant 2.000000e+00 : f32
      %div3A_401 = vector.broadcast %div3A_400 : f32 to vector<16xf32>
      %div3A_402 = arith.divf %div3A_401, %add3A_399 : vector<16xf32>
      %sub3A_403 = arith.constant 1.000000e+00 : f32
      %sub3A_404 = vector.broadcast %sub3A_403 : f32 to vector<16xf32>
      %sub3A_405 = arith.subf %sub3A_404, %div3A_402 : vector<16xf32>
      %swap3A_406 = arith.constant 0 : i32
      %swap3A_407 = arith.index_cast %swap3A_406 : i32 to index
      %swap3A_408 = arith.index_cast %scan3A_265 : i32 to index
      %swap3A_409 = arith.constant 48 : index
      %swap3A_410 = tpu.vector_load %arg11[%swap3A_407, %swap3A_408, %swap3A_409] {strides = array<i32>} : memref<2x112x128xf32, #tpu.memory_space<vmem>>, vector<1x1x16xf32>,
      %swap3A_411 = vector.shape_cast %swap3A_410 : vector<1x1x16xf32> to vector<16xf32>
      %swap3A_412 = vector.shape_cast %sub3A_405 : vector<16xf32> to vector<1x1x16xf32>
      tpu.vector_store %arg11[%swap3A_407, %swap3A_408, %swap3A_409], %swap3A_412 {strides = array<i32>} : memref<2x112x128xf32, #tpu.memory_space<vmem>>, vector<1x1x16xf32>,
      %get3A_413 = arith.constant 0 : i32
      %get3A_414 = arith.index_cast %get3A_413 : i32 to index
      %get3A_415 = arith.index_cast %scan3A_265 : i32 to index
      %get3A_416 = arith.constant 64 : index
      %get3A_417 = tpu.vector_load %arg8[%get3A_414, %get3A_415, %get3A_416] {strides = array<i32>} : memref<2x112x128xf32, #tpu.memory_space<vmem>>, vector<1x1x16xf32>,
      %get3A_418 = vector.shape_cast %get3A_417 : vector<1x1x16xf32> to vector<16xf32>
      %get3A_419 = arith.constant 0 : i32
      %get3A_420 = arith.index_cast %get3A_419 : i32 to index
      %get3A_421 = arith.index_cast %scan3A_265 : i32 to index
      %get3A_422 = arith.constant 64 : index
      %get3A_423 = tpu.vector_load %arg9[%get3A_420, %get3A_421, %get3A_422] {strides = array<i32>} : memref<2x112x128xf32, #tpu.memory_space<vmem>>, vector<1x1x16xf32>,
      %get3A_424 = vector.shape_cast %get3A_423 : vector<1x1x16xf32> to vector<16xf32>
      %mul3A_425 = arith.mulf %get3A_418, %get3A_424 : vector<16xf32>
      %get3A_426 = arith.constant 0 : i32
      %get3A_427 = arith.index_cast %get3A_426 : i32 to index
      %get3A_428 = arith.index_cast %scan3A_265 : i32 to index
      %get3A_429 = arith.constant 64 : index
      %get3A_430 = tpu.vector_load %arg10[%get3A_427, %get3A_428, %get3A_429] {strides = array<i32>} : memref<2x112x128xf32, #tpu.memory_space<vmem>>, vector<1x1x16xf32>,
      %get3A_431 = vector.shape_cast %get3A_430 : vector<1x1x16xf32> to vector<16xf32>
      %add3A_432 = arith.addf %mul3A_425, %get3A_431 : vector<16xf32>
      %add3A_433 = arith.addf %add3A_432, %add3A_432 : vector<16xf32>
      %exp3A_434 = math.exp %add3A_433 : vector<16xf32>
      %add3A_435 = arith.constant 1.000000e+00 : f32
      %add3A_436 = vector.broadcast %add3A_435 : f32 to vector<16xf32>
      %add3A_437 = arith.addf %exp3A_434, %add3A_436 : vector<16xf32>
      %div3A_438 = arith.constant 2.000000e+00 : f32
      %div3A_439 = vector.broadcast %div3A_438 : f32 to vector<16xf32>
      %div3A_440 = arith.divf %div3A_439, %add3A_437 : vector<16xf32>
      %sub3A_441 = arith.constant 1.000000e+00 : f32
      %sub3A_442 = vector.broadcast %sub3A_441 : f32 to vector<16xf32>
      %sub3A_443 = arith.subf %sub3A_442, %div3A_440 : vector<16xf32>
      %swap3A_444 = arith.constant 0 : i32
      %swap3A_445 = arith.index_cast %swap3A_444 : i32 to index
      %swap3A_446 = arith.index_cast %scan3A_265 : i32 to index
      %swap3A_447 = arith.constant 64 : index
      %swap3A_448 = tpu.vector_load %arg11[%swap3A_445, %swap3A_446, %swap3A_447] {strides = array<i32>} : memref<2x112x128xf32, #tpu.memory_space<vmem>>, vector<1x1x16xf32>,
      %swap3A_449 = vector.shape_cast %swap3A_448 : vector<1x1x16xf32> to vector<16xf32>
      %swap3A_450 = vector.shape_cast %sub3A_443 : vector<16xf32> to vector<1x1x16xf32>
      tpu.vector_store %arg11[%swap3A_445, %swap3A_446, %swap3A_447], %swap3A_450 {strides = array<i32>} : memref<2x112x128xf32, #tpu.memory_space<vmem>>, vector<1x1x16xf32>,
      %get3A_451 = arith.constant 0 : i32
      %get3A_452 = arith.index_cast %get3A_451 : i32 to index
      %get3A_453 = arith.index_cast %scan3A_265 : i32 to index
      %get3A_454 = arith.constant 80 : index
      %get3A_455 = tpu.vector_load %arg8[%get3A_452, %get3A_453, %get3A_454] {strides = array<i32>} : memref<2x112x128xf32, #tpu.memory_space<vmem>>, vector<1x1x16xf32>,
      %get3A_456 = vector.shape_cast %get3A_455 : vector<1x1x16xf32> to vector<16xf32>
      %get3A_457 = arith.constant 0 : i32
      %get3A_458 = arith.index_cast %get3A_457 : i32 to index
      %get3A_459 = arith.index_cast %scan3A_265 : i32 to index
      %get3A_460 = arith.constant 80 : index
      %get3A_461 = tpu.vector_load %arg9[%get3A_458, %get3A_459, %get3A_460] {strides = array<i32>} : memref<2x112x128xf32, #tpu.memory_space<vmem>>, vector<1x1x16xf32>,
      %get3A_462 = vector.shape_cast %get3A_461 : vector<1x1x16xf32> to vector<16xf32>
      %mul3A_463 = arith.mulf %get3A_456, %get3A_462 : vector<16xf32>
      %get3A_464 = arith.constant 0 : i32
      %get3A_465 = arith.index_cast %get3A_464 : i32 to index
      %get3A_466 = arith.index_cast %scan3A_265 : i32 to index
      %get3A_467 = arith.constant 80 : index
      %get3A_468 = tpu.vector_load %arg10[%get3A_465, %get3A_466, %get3A_467] {strides = array<i32>} : memref<2x112x128xf32, #tpu.memory_space<vmem>>, vector<1x1x16xf32>,
      %get3A_469 = vector.shape_cast %get3A_468 : vector<1x1x16xf32> to vector<16xf32>
      %add3A_470 = arith.addf %mul3A_463, %get3A_469 : vector<16xf32>
      %add3A_471 = arith.addf %add3A_470, %add3A_470 : vector<16xf32>
      %exp3A_472 = math.exp %add3A_471 : vector<16xf32>
      %add3A_473 = arith.constant 1.000000e+00 : f32
      %add3A_474 = vector.broadcast %add3A_473 : f32 to vector<16xf32>
      %add3A_475 = arith.addf %exp3A_472, %add3A_474 : vector<16xf32>
      %div3A_476 = arith.constant 2.000000e+00 : f32
      %div3A_477 = vector.broadcast %div3A_476 : f32 to vector<16xf32>
      %div3A_478 = arith.divf %div3A_477, %add3A_475 : vector<16xf32>
      %sub3A_479 = arith.constant 1.000000e+00 : f32
      %sub3A_480 = vector.broadcast %sub3A_479 : f32 to vector<16xf32>
      %sub3A_481 = arith.subf %sub3A_480, %div3A_478 : vector<16xf32>
      %swap3A_482 = arith.constant 0 : i32
      %swap3A_483 = arith.index_cast %swap3A_482 : i32 to index
      %swap3A_484 = arith.index_cast %scan3A_265 : i32 to index
      %swap3A_485 = arith.constant 80 : index
      %swap3A_486 = tpu.vector_load %arg11[%swap3A_483, %swap3A_484, %swap3A_485] {strides = array<i32>} : memref<2x112x128xf32, #tpu.memory_space<vmem>>, vector<1x1x16xf32>,
      %swap3A_487 = vector.shape_cast %swap3A_486 : vector<1x1x16xf32> to vector<16xf32>
      %swap3A_488 = vector.shape_cast %sub3A_481 : vector<16xf32> to vector<1x1x16xf32>
      tpu.vector_store %arg11[%swap3A_483, %swap3A_484, %swap3A_485], %swap3A_488 {strides = array<i32>} : memref<2x112x128xf32, #tpu.memory_space<vmem>>, vector<1x1x16xf32>,
      %get3A_489 = arith.constant 0 : i32
      %get3A_490 = arith.index_cast %get3A_489 : i32 to index
      %get3A_491 = arith.index_cast %scan3A_265 : i32 to index
      %get3A_492 = arith.constant 96 : index
      %get3A_493 = tpu.vector_load %arg8[%get3A_490, %get3A_491, %get3A_492] {strides = array<i32>} : memref<2x112x128xf32, #tpu.memory_space<vmem>>, vector<1x1x16xf32>,
      %get3A_494 = vector.shape_cast %get3A_493 : vector<1x1x16xf32> to vector<16xf32>
      %get3A_495 = arith.constant 0 : i32
      %get3A_496 = arith.index_cast %get3A_495 : i32 to index
      %get3A_497 = arith.index_cast %scan3A_265 : i32 to index
      %get3A_498 = arith.constant 96 : index
      %get3A_499 = tpu.vector_load %arg9[%get3A_496, %get3A_497, %get3A_498] {strides = array<i32>} : memref<2x112x128xf32, #tpu.memory_space<vmem>>, vector<1x1x16xf32>,
      %get3A_500 = vector.shape_cast %get3A_499 : vector<1x1x16xf32> to vector<16xf32>
      %mul3A_501 = arith.mulf %get3A_494, %get3A_500 : vector<16xf32>
      %get3A_502 = arith.constant 0 : i32
      %get3A_503 = arith.index_cast %get3A_502 : i32 to index
      %get3A_504 = arith.index_cast %scan3A_265 : i32 to index
      %get3A_505 = arith.constant 96 : index
      %get3A_506 = tpu.vector_load %arg10[%get3A_503, %get3A_504, %get3A_505] {strides = array<i32>} : memref<2x112x128xf32, #tpu.memory_space<vmem>>, vector<1x1x16xf32>,
      %get3A_507 = vector.shape_cast %get3A_506 : vector<1x1x16xf32> to vector<16xf32>
      %add3A_508 = arith.addf %mul3A_501, %get3A_507 : vector<16xf32>
      %add3A_509 = arith.addf %add3A_508, %add3A_508 : vector<16xf32>
      %exp3A_510 = math.exp %add3A_509 : vector<16xf32>
      %add3A_511 = arith.constant 1.000000e+00 : f32
      %add3A_512 = vector.broadcast %add3A_511 : f32 to vector<16xf32>
      %add3A_513 = arith.addf %exp3A_510, %add3A_512 : vector<16xf32>
      %div3A_514 = arith.constant 2.000000e+00 : f32
      %div3A_515 = vector.broadcast %div3A_514 : f32 to vector<16xf32>
      %div3A_516 = arith.divf %div3A_515, %add3A_513 : vector<16xf32>
      %sub3A_517 = arith.constant 1.000000e+00 : f32
      %sub3A_518 = vector.broadcast %sub3A_517 : f32 to vector<16xf32>
      %sub3A_519 = arith.subf %sub3A_518, %div3A_516 : vector<16xf32>
      %swap3A_520 = arith.constant 0 : i32
      %swap3A_521 = arith.index_cast %swap3A_520 : i32 to index
      %swap3A_522 = arith.index_cast %scan3A_265 : i32 to index
      %swap3A_523 = arith.constant 96 : index
      %swap3A_524 = tpu.vector_load %arg11[%swap3A_521, %swap3A_522, %swap3A_523] {strides = array<i32>} : memref<2x112x128xf32, #tpu.memory_space<vmem>>, vector<1x1x16xf32>,
      %swap3A_525 = vector.shape_cast %swap3A_524 : vector<1x1x16xf32> to vector<16xf32>
      %swap3A_526 = vector.shape_cast %sub3A_519 : vector<16xf32> to vector<1x1x16xf32>
      tpu.vector_store %arg11[%swap3A_521, %swap3A_522, %swap3A_523], %swap3A_526 {strides = array<i32>} : memref<2x112x128xf32, #tpu.memory_space<vmem>>, vector<1x1x16xf32>,
      %get3A_527 = arith.constant 0 : i32
      %get3A_528 = arith.index_cast %get3A_527 : i32 to index
      %get3A_529 = arith.index_cast %scan3A_265 : i32 to index
      %get3A_530 = arith.constant 112 : index
      %get3A_531 = tpu.vector_load %arg8[%get3A_528, %get3A_529, %get3A_530] {strides = array<i32>} : memref<2x112x128xf32, #tpu.memory_space<vmem>>, vector<1x1x16xf32>,
      %get3A_532 = vector.shape_cast %get3A_531 : vector<1x1x16xf32> to vector<16xf32>
      %get3A_533 = arith.constant 0 : i32
      %get3A_534 = arith.index_cast %get3A_533 : i32 to index
      %get3A_535 = arith.index_cast %scan3A_265 : i32 to index
      %get3A_536 = arith.constant 112 : index
      %get3A_537 = tpu.vector_load %arg9[%get3A_534, %get3A_535, %get3A_536] {strides = array<i32>} : memref<2x112x128xf32, #tpu.memory_space<vmem>>, vector<1x1x16xf32>,
      %get3A_538 = vector.shape_cast %get3A_537 : vector<1x1x16xf32> to vector<16xf32>
      %mul3A_539 = arith.mulf %get3A_532, %get3A_538 : vector<16xf32>
      %get3A_540 = arith.constant 0 : i32
      %get3A_541 = arith.index_cast %get3A_540 : i32 to index
      %get3A_542 = arith.index_cast %scan3A_265 : i32 to index
      %get3A_543 = arith.constant 112 : index
      %get3A_544 = tpu.vector_load %arg10[%get3A_541, %get3A_542, %get3A_543] {strides = array<i32>} : memref<2x112x128xf32, #tpu.memory_space<vmem>>, vector<1x1x16xf32>,
      %get3A_545 = vector.shape_cast %get3A_544 : vector<1x1x16xf32> to vector<16xf32>
      %add3A_546 = arith.addf %mul3A_539, %get3A_545 : vector<16xf32>
      %add3A_547 = arith.addf %add3A_546, %add3A_546 : vector<16xf32>
      %exp3A_548 = math.exp %add3A_547 : vector<16xf32>
      %add3A_549 = arith.constant 1.000000e+00 : f32
      %add3A_550 = vector.broadcast %add3A_549 : f32 to vector<16xf32>
      %add3A_551 = arith.addf %exp3A_548, %add3A_550 : vector<16xf32>
      %div3A_552 = arith.constant 2.000000e+00 : f32
      %div3A_553 = vector.broadcast %div3A_552 : f32 to vector<16xf32>
      %div3A_554 = arith.divf %div3A_553, %add3A_551 : vector<16xf32>
      %sub3A_555 = arith.constant 1.000000e+00 : f32
      %sub3A_556 = vector.broadcast %sub3A_555 : f32 to vector<16xf32>
      %sub3A_557 = arith.subf %sub3A_556, %div3A_554 : vector<16xf32>
      %swap3A_558 = arith.constant 0 : i32
      %swap3A_559 = arith.index_cast %swap3A_558 : i32 to index
      %swap3A_560 = arith.index_cast %scan3A_265 : i32 to index
      %swap3A_561 = arith.constant 112 : index
      %swap3A_562 = tpu.vector_load %arg11[%swap3A_559, %swap3A_560, %swap3A_561] {strides = array<i32>} : memref<2x112x128xf32, #tpu.memory_space<vmem>>, vector<1x1x16xf32>,
      %swap3A_563 = vector.shape_cast %swap3A_562 : vector<1x1x16xf32> to vector<16xf32>
      %swap3A_564 = vector.shape_cast %sub3A_557 : vector<16xf32> to vector<1x1x16xf32>
      tpu.vector_store %arg11[%swap3A_559, %swap3A_560, %swap3A_561], %swap3A_564 {strides = array<i32>} : memref<2x112x128xf32, #tpu.memory_space<vmem>>, vector<1x1x16xf32>,
    }
    %scan3A_140 = arith.constant 112 : i32
    %multiple_of3A_141 = arith.constant 9856 : i32
    %multiple_of3A_142 = tpu.assume_multiple %multiple_of3A_141, 8 : i32
    %add3A_143 = arith.addi %mul3A_2, %multiple_of3A_142 : i32
    %dma_start3A_144 = arith.constant 0 : i32
    %dma_start3A_145 = arith.constant 0 : i32
    %dma_start3A_146 = arith.constant 0 : i32
    %dma_start3A_147 = tpu.memref_slice %arg11[%dma_start3A_144, %dma_start3A_145, %dma_start3A_146] : memref<2x112x128xf32, #tpu.memory_space<vmem>> -> memref<1x112x128xf32, #tpu.memory_space<vmem>>
    %dma_start3A_148 = tpu.memref_squeeze %dma_start3A_147 : memref<1x112x128xf32, #tpu.memory_space<vmem>> -> memref<112x128xf32, #tpu.memory_space<vmem>>
    %dma_start3A_149 = arith.constant 0 : i32
    %dma_start3A_150 = tpu.memref_slice %arg6[%add3A_143, %dma_start3A_149] : memref<320000x128xf32, #tpu.memory_space<hbm>> -> memref<112x128xf32, #tpu.memory_space<hbm>>
    %dma_start3A_151 = arith.constant 0 : i32
    %dma_start3A_152 = tpu.memref_slice %arg6[%add3A_143, %dma_start3A_151] : memref<320000x128xf32, #tpu.memory_space<hbm>> -> memref<112x128xf32, #tpu.memory_space<hbm>>
    %dma_start3A_153 = arith.constant 0 : i32
    %dma_start3A_154 = arith.constant 0 : i32
    %dma_start3A_155 = tpu.memref_slice %arg11[%dma_start3A_144, %dma_start3A_153, %dma_start3A_154] : memref<2x112x128xf32, #tpu.memory_space<vmem>> -> memref<1x112x128xf32, #tpu.memory_space<vmem>>
    %dma_start3A_156 = tpu.memref_squeeze %dma_start3A_155 : memref<1x112x128xf32, #tpu.memory_space<vmem>> -> memref<112x128xf32, #tpu.memory_space<vmem>>
    tpu.enqueue_dma source(%dma_start3A_156 : memref<112x128xf32, #tpu.memory_space<vmem>>) target(%dma_start3A_152 : memref<112x128xf32, #tpu.memory_space<hbm>>) target_semaphore(%arg18 : memref<!tpu.dma_semaphore, #tpu.memory_space<semaphore_mem>>)
    %multiple_of3A_157 = arith.constant 9968 : i32
    %multiple_of3A_158 = tpu.assume_multiple %multiple_of3A_157, 8 : i32
    %add3A_159 = arith.addi %mul3A_2, %multiple_of3A_158 : i32
    %dma_wait3A_160 = arith.constant 1 : i32
    %dma_wait3A_161 = arith.constant 0 : i32
    %dma_wait3A_162 = arith.constant 0 : i32
    %dma_wait3A_163 = tpu.memref_slice %arg8[%dma_wait3A_160, %dma_wait3A_161, %dma_wait3A_162] : memref<2x112x128xf32, #tpu.memory_space<vmem>> -> memref<1x32x128xf32, #tpu.memory_space<vmem>>
    %dma_wait3A_164 = tpu.memref_squeeze %dma_wait3A_163 : memref<1x32x128xf32, #tpu.memory_space<vmem>> -> memref<32x128xf32, #tpu.memory_space<vmem>>
    %dma_wait3A_165 = tpu.memref_slice %arg7[%multiple_of3A_158] : memref<10000xi32, #tpu.memory_space<vmem>> -> memref<32xi32, #tpu.memory_space<vmem>>
    %dma_wait3A_166 = arith.constant 0 : i32
    %dma_wait3A_167 = arith.constant 0 : i32
    %dma_wait3A_168 = tpu.memref_slice %arg2[%dma_wait3A_166, %dma_wait3A_167] : memref<10000x128xf32, #tpu.memory_space<hbm>> -> memref<10000x128xf32, #tpu.memory_space<hbm>>
    tpu.wait_indirect_dma semaphore(%arg13 : memref<!tpu.dma_semaphore, #tpu.memory_space<semaphore_mem>>) src(%dma_wait3A_168 : memref<10000x128xf32, #tpu.memory_space<hbm>>) dst(%dma_wait3A_164 : memref<32x128xf32, #tpu.memory_space<vmem>>)
    %dma_wait3A_169 = arith.constant 1 : i32
    %dma_wait3A_170 = arith.constant 0 : i32
    %dma_wait3A_171 = arith.constant 0 : i32
    %dma_wait3A_172 = tpu.memref_slice %arg9[%dma_wait3A_169, %dma_wait3A_170, %dma_wait3A_171] : memref<2x112x128xf32, #tpu.memory_space<vmem>> -> memref<1x32x128xf32, #tpu.memory_space<vmem>>
    %dma_wait3A_173 = tpu.memref_squeeze %dma_wait3A_172 : memref<1x32x128xf32, #tpu.memory_space<vmem>> -> memref<32x128xf32, #tpu.memory_space<vmem>>
    %dma_wait3A_174 = arith.constant 0 : i32
    %dma_wait3A_175 = tpu.memref_slice %arg4[%add3A_159, %dma_wait3A_174] : memref<320000x128xf32, #tpu.memory_space<hbm>> -> memref<32x128xf32, #tpu.memory_space<hbm>>
    %dma_wait3A_176 = arith.constant 0 : i32
    %dma_wait3A_177 = arith.constant 0 : i32
    %dma_wait3A_178 = tpu.memref_slice %arg9[%dma_wait3A_169, %dma_wait3A_176, %dma_wait3A_177] : memref<2x112x128xf32, #tpu.memory_space<vmem>> -> memref<1x32x128xf32, #tpu.memory_space<vmem>>
    %dma_wait3A_179 = tpu.memref_squeeze %dma_wait3A_178 : memref<1x32x128xf32, #tpu.memory_space<vmem>> -> memref<32x128xf32, #tpu.memory_space<vmem>>
    %dma_wait3A_180 = arith.constant 0 : i32
    %dma_wait3A_181 = tpu.memref_slice %arg4[%add3A_159, %dma_wait3A_180] : memref<320000x128xf32, #tpu.memory_space<hbm>> -> memref<32x128xf32, #tpu.memory_space<hbm>>
    tpu.wait_dma2 semaphore(%arg15 : memref<!tpu.dma_semaphore, #tpu.memory_space<semaphore_mem>>) src(%dma_wait3A_181 : memref<32x128xf32, #tpu.memory_space<hbm>>) dst(%dma_wait3A_179 : memref<32x128xf32, #tpu.memory_space<vmem>>)
    %dma_wait3A_182 = arith.constant 1 : i32
    %dma_wait3A_183 = arith.constant 0 : i32
    %dma_wait3A_184 = arith.constant 0 : i32
    %dma_wait3A_185 = tpu.memref_slice %arg10[%dma_wait3A_182, %dma_wait3A_183, %dma_wait3A_184] : memref<2x112x128xf32, #tpu.memory_space<vmem>> -> memref<1x32x128xf32, #tpu.memory_space<vmem>>
    %dma_wait3A_186 = tpu.memref_squeeze %dma_wait3A_185 : memref<1x32x128xf32, #tpu.memory_space<vmem>> -> memref<32x128xf32, #tpu.memory_space<vmem>>
    %dma_wait3A_187 = arith.constant 0 : i32
    %dma_wait3A_188 = tpu.memref_slice %arg5[%add3A_159, %dma_wait3A_187] : memref<320000x128xf32, #tpu.memory_space<hbm>> -> memref<32x128xf32, #tpu.memory_space<hbm>>
    %dma_wait3A_189 = arith.constant 0 : i32
    %dma_wait3A_190 = arith.constant 0 : i32
    %dma_wait3A_191 = tpu.memref_slice %arg10[%dma_wait3A_182, %dma_wait3A_189, %dma_wait3A_190] : memref<2x112x128xf32, #tpu.memory_space<vmem>> -> memref<1x32x128xf32, #tpu.memory_space<vmem>>
    %dma_wait3A_192 = tpu.memref_squeeze %dma_wait3A_191 : memref<1x32x128xf32, #tpu.memory_space<vmem>> -> memref<32x128xf32, #tpu.memory_space<vmem>>
    %dma_wait3A_193 = arith.constant 0 : i32
    %dma_wait3A_194 = tpu.memref_slice %arg5[%add3A_159, %dma_wait3A_193] : memref<320000x128xf32, #tpu.memory_space<hbm>> -> memref<32x128xf32, #tpu.memory_space<hbm>>
    tpu.wait_dma2 semaphore(%arg17 : memref<!tpu.dma_semaphore, #tpu.memory_space<semaphore_mem>>) src(%dma_wait3A_194 : memref<32x128xf32, #tpu.memory_space<hbm>>) dst(%dma_wait3A_192 : memref<32x128xf32, #tpu.memory_space<vmem>>)
    %multiple_of3A_195 = arith.constant 9744 : i32
    %multiple_of3A_196 = tpu.assume_multiple %multiple_of3A_195, 8 : i32
    %add3A_197 = arith.addi %mul3A_2, %multiple_of3A_196 : i32
    %dma_wait3A_198 = arith.constant 1 : i32
    %dma_wait3A_199 = arith.constant 0 : i32
    %dma_wait3A_200 = arith.constant 0 : i32
    %dma_wait3A_201 = tpu.memref_slice %arg11[%dma_wait3A_198, %dma_wait3A_199, %dma_wait3A_200] : memref<2x112x128xf32, #tpu.memory_space<vmem>> -> memref<1x112x128xf32, #tpu.memory_space<vmem>>
    %dma_wait3A_202 = tpu.memref_squeeze %dma_wait3A_201 : memref<1x112x128xf32, #tpu.memory_space<vmem>> -> memref<112x128xf32, #tpu.memory_space<vmem>>
    %dma_wait3A_203 = arith.constant 0 : i32
    %dma_wait3A_204 = tpu.memref_slice %arg6[%add3A_197, %dma_wait3A_203] : memref<320000x128xf32, #tpu.memory_space<hbm>> -> memref<112x128xf32, #tpu.memory_space<hbm>>
    %dma_wait3A_205 = arith.constant 0 : i32
    %dma_wait3A_206 = tpu.memref_slice %arg6[%add3A_197, %dma_wait3A_205] : memref<320000x128xf32, #tpu.memory_space<hbm>> -> memref<112x128xf32, #tpu.memory_space<hbm>>
    %dma_wait3A_207 = arith.constant 0 : i32
    %dma_wait3A_208 = arith.constant 0 : i32
    %dma_wait3A_209 = tpu.memref_slice %arg11[%dma_wait3A_198, %dma_wait3A_207, %dma_wait3A_208] : memref<2x112x128xf32, #tpu.memory_space<vmem>> -> memref<1x112x128xf32, #tpu.memory_space<vmem>>
    %dma_wait3A_210 = tpu.memref_squeeze %dma_wait3A_209 : memref<1x112x128xf32, #tpu.memory_space<vmem>> -> memref<112x128xf32, #tpu.memory_space<vmem>>
    tpu.wait_dma2 semaphore(%arg19 : memref<!tpu.dma_semaphore, #tpu.memory_space<semaphore_mem>>) src(%dma_wait3A_210 : memref<112x128xf32, #tpu.memory_space<vmem>>) dst(%dma_wait3A_206 : memref<112x128xf32, #tpu.memory_space<hbm>>)
    %scan3A_211 = arith.constant 0 : i32
    %scan3A_212 = arith.constant 0 : i32
    %scan3A_213 = arith.constant 32 : i32
    %scan3A_214 = arith.addi %scan3A_212, %scan3A_213 : i32
    %scan3A_215 = arith.constant 1 : i32
    scf.for %scan3A_265 = %scan3A_212 to %scan3A_214 step %scan3A_215  : i32 {
      %get3A = arith.constant 1 : i32
      %get3A_266 = arith.index_cast %get3A : i32 to index
      %get3A_267 = arith.index_cast %scan3A_265 : i32 to index
      %get3A_268 = arith.constant 0 : index
      %get3A_269 = tpu.vector_load %arg8[%get3A_266, %get3A_267, %get3A_268] {strides = array<i32>} : memref<2x112x128xf32, #tpu.memory_space<vmem>>, vector<1x1x16xf32>,
      %get3A_270 = vector.shape_cast %get3A_269 : vector<1x1x16xf32> to vector<16xf32>
      %get3A_271 = arith.constant 1 : i32
      %get3A_272 = arith.index_cast %get3A_271 : i32 to index
      %get3A_273 = arith.index_cast %scan3A_265 : i32 to index
      %get3A_274 = arith.constant 0 : index
      %get3A_275 = tpu.vector_load %arg9[%get3A_272, %get3A_273, %get3A_274] {strides = array<i32>} : memref<2x112x128xf32, #tpu.memory_space<vmem>>, vector<1x1x16xf32>,
      %get3A_276 = vector.shape_cast %get3A_275 : vector<1x1x16xf32> to vector<16xf32>
      %mul3A_277 = arith.mulf %get3A_270, %get3A_276 : vector<16xf32>
      %get3A_278 = arith.constant 1 : i32
      %get3A_279 = arith.index_cast %get3A_278 : i32 to index
      %get3A_280 = arith.index_cast %scan3A_265 : i32 to index
      %get3A_281 = arith.constant 0 : index
      %get3A_282 = tpu.vector_load %arg10[%get3A_279, %get3A_280, %get3A_281] {strides = array<i32>} : memref<2x112x128xf32, #tpu.memory_space<vmem>>, vector<1x1x16xf32>,
      %get3A_283 = vector.shape_cast %get3A_282 : vector<1x1x16xf32> to vector<16xf32>
      %add3A_284 = arith.addf %mul3A_277, %get3A_283 : vector<16xf32>
      %add3A_285 = arith.addf %add3A_284, %add3A_284 : vector<16xf32>
      %exp3A = math.exp %add3A_285 : vector<16xf32>
      %add3A_286 = arith.constant 1.000000e+00 : f32
      %add3A_287 = vector.broadcast %add3A_286 : f32 to vector<16xf32>
      %add3A_288 = arith.addf %exp3A, %add3A_287 : vector<16xf32>
      %div3A = arith.constant 2.000000e+00 : f32
      %div3A_289 = vector.broadcast %div3A : f32 to vector<16xf32>
      %div3A_290 = arith.divf %div3A_289, %add3A_288 : vector<16xf32>
      %sub3A = arith.constant 1.000000e+00 : f32
      %sub3A_291 = vector.broadcast %sub3A : f32 to vector<16xf32>
      %sub3A_292 = arith.subf %sub3A_291, %div3A_290 : vector<16xf32>
      %swap3A = arith.constant 1 : i32
      %swap3A_293 = arith.index_cast %swap3A : i32 to index
      %swap3A_294 = arith.index_cast %scan3A_265 : i32 to index
      %swap3A_295 = arith.constant 0 : index
      %swap3A_296 = tpu.vector_load %arg11[%swap3A_293, %swap3A_294, %swap3A_295] {strides = array<i32>} : memref<2x112x128xf32, #tpu.memory_space<vmem>>, vector<1x1x16xf32>,
      %swap3A_297 = vector.shape_cast %swap3A_296 : vector<1x1x16xf32> to vector<16xf32>
      %swap3A_298 = vector.shape_cast %sub3A_292 : vector<16xf32> to vector<1x1x16xf32>
      tpu.vector_store %arg11[%swap3A_293, %swap3A_294, %swap3A_295], %swap3A_298 {strides = array<i32>} : memref<2x112x128xf32, #tpu.memory_space<vmem>>, vector<1x1x16xf32>,
      %get3A_299 = arith.constant 1 : i32
      %get3A_300 = arith.index_cast %get3A_299 : i32 to index
      %get3A_301 = arith.index_cast %scan3A_265 : i32 to index
      %get3A_302 = arith.constant 16 : index
      %get3A_303 = tpu.vector_load %arg8[%get3A_300, %get3A_301, %get3A_302] {strides = array<i32>} : memref<2x112x128xf32, #tpu.memory_space<vmem>>, vector<1x1x16xf32>,
      %get3A_304 = vector.shape_cast %get3A_303 : vector<1x1x16xf32> to vector<16xf32>
      %get3A_305 = arith.constant 1 : i32
      %get3A_306 = arith.index_cast %get3A_305 : i32 to index
      %get3A_307 = arith.index_cast %scan3A_265 : i32 to index
      %get3A_308 = arith.constant 16 : index
      %get3A_309 = tpu.vector_load %arg9[%get3A_306, %get3A_307, %get3A_308] {strides = array<i32>} : memref<2x112x128xf32, #tpu.memory_space<vmem>>, vector<1x1x16xf32>,
      %get3A_310 = vector.shape_cast %get3A_309 : vector<1x1x16xf32> to vector<16xf32>
      %mul3A_311 = arith.mulf %get3A_304, %get3A_310 : vector<16xf32>
      %get3A_312 = arith.constant 1 : i32
      %get3A_313 = arith.index_cast %get3A_312 : i32 to index
      %get3A_314 = arith.index_cast %scan3A_265 : i32 to index
      %get3A_315 = arith.constant 16 : index
      %get3A_316 = tpu.vector_load %arg10[%get3A_313, %get3A_314, %get3A_315] {strides = array<i32>} : memref<2x112x128xf32, #tpu.memory_space<vmem>>, vector<1x1x16xf32>,
      %get3A_317 = vector.shape_cast %get3A_316 : vector<1x1x16xf32> to vector<16xf32>
      %add3A_318 = arith.addf %mul3A_311, %get3A_317 : vector<16xf32>
      %add3A_319 = arith.addf %add3A_318, %add3A_318 : vector<16xf32>
      %exp3A_320 = math.exp %add3A_319 : vector<16xf32>
      %add3A_321 = arith.constant 1.000000e+00 : f32
      %add3A_322 = vector.broadcast %add3A_321 : f32 to vector<16xf32>
      %add3A_323 = arith.addf %exp3A_320, %add3A_322 : vector<16xf32>
      %div3A_324 = arith.constant 2.000000e+00 : f32
      %div3A_325 = vector.broadcast %div3A_324 : f32 to vector<16xf32>
      %div3A_326 = arith.divf %div3A_325, %add3A_323 : vector<16xf32>
      %sub3A_327 = arith.constant 1.000000e+00 : f32
      %sub3A_328 = vector.broadcast %sub3A_327 : f32 to vector<16xf32>
      %sub3A_329 = arith.subf %sub3A_328, %div3A_326 : vector<16xf32>
      %swap3A_330 = arith.constant 1 : i32
      %swap3A_331 = arith.index_cast %swap3A_330 : i32 to index
      %swap3A_332 = arith.index_cast %scan3A_265 : i32 to index
      %swap3A_333 = arith.constant 16 : index
      %swap3A_334 = tpu.vector_load %arg11[%swap3A_331, %swap3A_332, %swap3A_333] {strides = array<i32>} : memref<2x112x128xf32, #tpu.memory_space<vmem>>, vector<1x1x16xf32>,
      %swap3A_335 = vector.shape_cast %swap3A_334 : vector<1x1x16xf32> to vector<16xf32>
      %swap3A_336 = vector.shape_cast %sub3A_329 : vector<16xf32> to vector<1x1x16xf32>
      tpu.vector_store %arg11[%swap3A_331, %swap3A_332, %swap3A_333], %swap3A_336 {strides = array<i32>} : memref<2x112x128xf32, #tpu.memory_space<vmem>>, vector<1x1x16xf32>,
      %get3A_337 = arith.constant 1 : i32
      %get3A_338 = arith.index_cast %get3A_337 : i32 to index
      %get3A_339 = arith.index_cast %scan3A_265 : i32 to index
      %get3A_340 = arith.constant 32 : index
      %get3A_341 = tpu.vector_load %arg8[%get3A_338, %get3A_339, %get3A_340] {strides = array<i32>} : memref<2x112x128xf32, #tpu.memory_space<vmem>>, vector<1x1x16xf32>,
      %get3A_342 = vector.shape_cast %get3A_341 : vector<1x1x16xf32> to vector<16xf32>
      %get3A_343 = arith.constant 1 : i32
      %get3A_344 = arith.index_cast %get3A_343 : i32 to index
      %get3A_345 = arith.index_cast %scan3A_265 : i32 to index
      %get3A_346 = arith.constant 32 : index
      %get3A_347 = tpu.vector_load %arg9[%get3A_344, %get3A_345, %get3A_346] {strides = array<i32>} : memref<2x112x128xf32, #tpu.memory_space<vmem>>, vector<1x1x16xf32>,
      %get3A_348 = vector.shape_cast %get3A_347 : vector<1x1x16xf32> to vector<16xf32>
      %mul3A_349 = arith.mulf %get3A_342, %get3A_348 : vector<16xf32>
      %get3A_350 = arith.constant 1 : i32
      %get3A_351 = arith.index_cast %get3A_350 : i32 to index
      %get3A_352 = arith.index_cast %scan3A_265 : i32 to index
      %get3A_353 = arith.constant 32 : index
      %get3A_354 = tpu.vector_load %arg10[%get3A_351, %get3A_352, %get3A_353] {strides = array<i32>} : memref<2x112x128xf32, #tpu.memory_space<vmem>>, vector<1x1x16xf32>,
      %get3A_355 = vector.shape_cast %get3A_354 : vector<1x1x16xf32> to vector<16xf32>
      %add3A_356 = arith.addf %mul3A_349, %get3A_355 : vector<16xf32>
      %add3A_357 = arith.addf %add3A_356, %add3A_356 : vector<16xf32>
      %exp3A_358 = math.exp %add3A_357 : vector<16xf32>
      %add3A_359 = arith.constant 1.000000e+00 : f32
      %add3A_360 = vector.broadcast %add3A_359 : f32 to vector<16xf32>
      %add3A_361 = arith.addf %exp3A_358, %add3A_360 : vector<16xf32>
      %div3A_362 = arith.constant 2.000000e+00 : f32
      %div3A_363 = vector.broadcast %div3A_362 : f32 to vector<16xf32>
      %div3A_364 = arith.divf %div3A_363, %add3A_361 : vector<16xf32>
      %sub3A_365 = arith.constant 1.000000e+00 : f32
      %sub3A_366 = vector.broadcast %sub3A_365 : f32 to vector<16xf32>
      %sub3A_367 = arith.subf %sub3A_366, %div3A_364 : vector<16xf32>
      %swap3A_368 = arith.constant 1 : i32
      %swap3A_369 = arith.index_cast %swap3A_368 : i32 to index
      %swap3A_370 = arith.index_cast %scan3A_265 : i32 to index
      %swap3A_371 = arith.constant 32 : index
      %swap3A_372 = tpu.vector_load %arg11[%swap3A_369, %swap3A_370, %swap3A_371] {strides = array<i32>} : memref<2x112x128xf32, #tpu.memory_space<vmem>>, vector<1x1x16xf32>,
      %swap3A_373 = vector.shape_cast %swap3A_372 : vector<1x1x16xf32> to vector<16xf32>
      %swap3A_374 = vector.shape_cast %sub3A_367 : vector<16xf32> to vector<1x1x16xf32>
      tpu.vector_store %arg11[%swap3A_369, %swap3A_370, %swap3A_371], %swap3A_374 {strides = array<i32>} : memref<2x112x128xf32, #tpu.memory_space<vmem>>, vector<1x1x16xf32>,
      %get3A_375 = arith.constant 1 : i32
      %get3A_376 = arith.index_cast %get3A_375 : i32 to index
      %get3A_377 = arith.index_cast %scan3A_265 : i32 to index
      %get3A_378 = arith.constant 48 : index
      %get3A_379 = tpu.vector_load %arg8[%get3A_376, %get3A_377, %get3A_378] {strides = array<i32>} : memref<2x112x128xf32, #tpu.memory_space<vmem>>, vector<1x1x16xf32>,
      %get3A_380 = vector.shape_cast %get3A_379 : vector<1x1x16xf32> to vector<16xf32>
      %get3A_381 = arith.constant 1 : i32
      %get3A_382 = arith.index_cast %get3A_381 : i32 to index
      %get3A_383 = arith.index_cast %scan3A_265 : i32 to index
      %get3A_384 = arith.constant 48 : index
      %get3A_385 = tpu.vector_load %arg9[%get3A_382, %get3A_383, %get3A_384] {strides = array<i32>} : memref<2x112x128xf32, #tpu.memory_space<vmem>>, vector<1x1x16xf32>,
      %get3A_386 = vector.shape_cast %get3A_385 : vector<1x1x16xf32> to vector<16xf32>
      %mul3A_387 = arith.mulf %get3A_380, %get3A_386 : vector<16xf32>
      %get3A_388 = arith.constant 1 : i32
      %get3A_389 = arith.index_cast %get3A_388 : i32 to index
      %get3A_390 = arith.index_cast %scan3A_265 : i32 to index
      %get3A_391 = arith.constant 48 : index
      %get3A_392 = tpu.vector_load %arg10[%get3A_389, %get3A_390, %get3A_391] {strides = array<i32>} : memref<2x112x128xf32, #tpu.memory_space<vmem>>, vector<1x1x16xf32>,
      %get3A_393 = vector.shape_cast %get3A_392 : vector<1x1x16xf32> to vector<16xf32>
      %add3A_394 = arith.addf %mul3A_387, %get3A_393 : vector<16xf32>
      %add3A_395 = arith.addf %add3A_394, %add3A_394 : vector<16xf32>
      %exp3A_396 = math.exp %add3A_395 : vector<16xf32>
      %add3A_397 = arith.constant 1.000000e+00 : f32
      %add3A_398 = vector.broadcast %add3A_397 : f32 to vector<16xf32>
      %add3A_399 = arith.addf %exp3A_396, %add3A_398 : vector<16xf32>
      %div3A_400 = arith.constant 2.000000e+00 : f32
      %div3A_401 = vector.broadcast %div3A_400 : f32 to vector<16xf32>
      %div3A_402 = arith.divf %div3A_401, %add3A_399 : vector<16xf32>
      %sub3A_403 = arith.constant 1.000000e+00 : f32
      %sub3A_404 = vector.broadcast %sub3A_403 : f32 to vector<16xf32>
      %sub3A_405 = arith.subf %sub3A_404, %div3A_402 : vector<16xf32>
      %swap3A_406 = arith.constant 1 : i32
      %swap3A_407 = arith.index_cast %swap3A_406 : i32 to index
      %swap3A_408 = arith.index_cast %scan3A_265 : i32 to index
      %swap3A_409 = arith.constant 48 : index
      %swap3A_410 = tpu.vector_load %arg11[%swap3A_407, %swap3A_408, %swap3A_409] {strides = array<i32>} : memref<2x112x128xf32, #tpu.memory_space<vmem>>, vector<1x1x16xf32>,
      %swap3A_411 = vector.shape_cast %swap3A_410 : vector<1x1x16xf32> to vector<16xf32>
      %swap3A_412 = vector.shape_cast %sub3A_405 : vector<16xf32> to vector<1x1x16xf32>
      tpu.vector_store %arg11[%swap3A_407, %swap3A_408, %swap3A_409], %swap3A_412 {strides = array<i32>} : memref<2x112x128xf32, #tpu.memory_space<vmem>>, vector<1x1x16xf32>,
      %get3A_413 = arith.constant 1 : i32
      %get3A_414 = arith.index_cast %get3A_413 : i32 to index
      %get3A_415 = arith.index_cast %scan3A_265 : i32 to index
      %get3A_416 = arith.constant 64 : index
      %get3A_417 = tpu.vector_load %arg8[%get3A_414, %get3A_415, %get3A_416] {strides = array<i32>} : memref<2x112x128xf32, #tpu.memory_space<vmem>>, vector<1x1x16xf32>,
      %get3A_418 = vector.shape_cast %get3A_417 : vector<1x1x16xf32> to vector<16xf32>
      %get3A_419 = arith.constant 1 : i32
      %get3A_420 = arith.index_cast %get3A_419 : i32 to index
      %get3A_421 = arith.index_cast %scan3A_265 : i32 to index
      %get3A_422 = arith.constant 64 : index
      %get3A_423 = tpu.vector_load %arg9[%get3A_420, %get3A_421, %get3A_422] {strides = array<i32>} : memref<2x112x128xf32, #tpu.memory_space<vmem>>, vector<1x1x16xf32>,
      %get3A_424 = vector.shape_cast %get3A_423 : vector<1x1x16xf32> to vector<16xf32>
      %mul3A_425 = arith.mulf %get3A_418, %get3A_424 : vector<16xf32>
      %get3A_426 = arith.constant 1 : i32
      %get3A_427 = arith.index_cast %get3A_426 : i32 to index
      %get3A_428 = arith.index_cast %scan3A_265 : i32 to index
      %get3A_429 = arith.constant 64 : index
      %get3A_430 = tpu.vector_load %arg10[%get3A_427, %get3A_428, %get3A_429] {strides = array<i32>} : memref<2x112x128xf32, #tpu.memory_space<vmem>>, vector<1x1x16xf32>,
      %get3A_431 = vector.shape_cast %get3A_430 : vector<1x1x16xf32> to vector<16xf32>
      %add3A_432 = arith.addf %mul3A_425, %get3A_431 : vector<16xf32>
      %add3A_433 = arith.addf %add3A_432, %add3A_432 : vector<16xf32>
      %exp3A_434 = math.exp %add3A_433 : vector<16xf32>
      %add3A_435 = arith.constant 1.000000e+00 : f32
      %add3A_436 = vector.broadcast %add3A_435 : f32 to vector<16xf32>
      %add3A_437 = arith.addf %exp3A_434, %add3A_436 : vector<16xf32>
      %div3A_438 = arith.constant 2.000000e+00 : f32
      %div3A_439 = vector.broadcast %div3A_438 : f32 to vector<16xf32>
      %div3A_440 = arith.divf %div3A_439, %add3A_437 : vector<16xf32>
      %sub3A_441 = arith.constant 1.000000e+00 : f32
      %sub3A_442 = vector.broadcast %sub3A_441 : f32 to vector<16xf32>
      %sub3A_443 = arith.subf %sub3A_442, %div3A_440 : vector<16xf32>
      %swap3A_444 = arith.constant 1 : i32
      %swap3A_445 = arith.index_cast %swap3A_444 : i32 to index
      %swap3A_446 = arith.index_cast %scan3A_265 : i32 to index
      %swap3A_447 = arith.constant 64 : index
      %swap3A_448 = tpu.vector_load %arg11[%swap3A_445, %swap3A_446, %swap3A_447] {strides = array<i32>} : memref<2x112x128xf32, #tpu.memory_space<vmem>>, vector<1x1x16xf32>,
      %swap3A_449 = vector.shape_cast %swap3A_448 : vector<1x1x16xf32> to vector<16xf32>
      %swap3A_450 = vector.shape_cast %sub3A_443 : vector<16xf32> to vector<1x1x16xf32>
      tpu.vector_store %arg11[%swap3A_445, %swap3A_446, %swap3A_447], %swap3A_450 {strides = array<i32>} : memref<2x112x128xf32, #tpu.memory_space<vmem>>, vector<1x1x16xf32>,
      %get3A_451 = arith.constant 1 : i32
      %get3A_452 = arith.index_cast %get3A_451 : i32 to index
      %get3A_453 = arith.index_cast %scan3A_265 : i32 to index
      %get3A_454 = arith.constant 80 : index
      %get3A_455 = tpu.vector_load %arg8[%get3A_452, %get3A_453, %get3A_454] {strides = array<i32>} : memref<2x112x128xf32, #tpu.memory_space<vmem>>, vector<1x1x16xf32>,
      %get3A_456 = vector.shape_cast %get3A_455 : vector<1x1x16xf32> to vector<16xf32>
      %get3A_457 = arith.constant 1 : i32
      %get3A_458 = arith.index_cast %get3A_457 : i32 to index
      %get3A_459 = arith.index_cast %scan3A_265 : i32 to index
      %get3A_460 = arith.constant 80 : index
      %get3A_461 = tpu.vector_load %arg9[%get3A_458, %get3A_459, %get3A_460] {strides = array<i32>} : memref<2x112x128xf32, #tpu.memory_space<vmem>>, vector<1x1x16xf32>,
      %get3A_462 = vector.shape_cast %get3A_461 : vector<1x1x16xf32> to vector<16xf32>
      %mul3A_463 = arith.mulf %get3A_456, %get3A_462 : vector<16xf32>
      %get3A_464 = arith.constant 1 : i32
      %get3A_465 = arith.index_cast %get3A_464 : i32 to index
      %get3A_466 = arith.index_cast %scan3A_265 : i32 to index
      %get3A_467 = arith.constant 80 : index
      %get3A_468 = tpu.vector_load %arg10[%get3A_465, %get3A_466, %get3A_467] {strides = array<i32>} : memref<2x112x128xf32, #tpu.memory_space<vmem>>, vector<1x1x16xf32>,
      %get3A_469 = vector.shape_cast %get3A_468 : vector<1x1x16xf32> to vector<16xf32>
      %add3A_470 = arith.addf %mul3A_463, %get3A_469 : vector<16xf32>
      %add3A_471 = arith.addf %add3A_470, %add3A_470 : vector<16xf32>
      %exp3A_472 = math.exp %add3A_471 : vector<16xf32>
      %add3A_473 = arith.constant 1.000000e+00 : f32
      %add3A_474 = vector.broadcast %add3A_473 : f32 to vector<16xf32>
      %add3A_475 = arith.addf %exp3A_472, %add3A_474 : vector<16xf32>
      %div3A_476 = arith.constant 2.000000e+00 : f32
      %div3A_477 = vector.broadcast %div3A_476 : f32 to vector<16xf32>
      %div3A_478 = arith.divf %div3A_477, %add3A_475 : vector<16xf32>
      %sub3A_479 = arith.constant 1.000000e+00 : f32
      %sub3A_480 = vector.broadcast %sub3A_479 : f32 to vector<16xf32>
      %sub3A_481 = arith.subf %sub3A_480, %div3A_478 : vector<16xf32>
      %swap3A_482 = arith.constant 1 : i32
      %swap3A_483 = arith.index_cast %swap3A_482 : i32 to index
      %swap3A_484 = arith.index_cast %scan3A_265 : i32 to index
      %swap3A_485 = arith.constant 80 : index
      %swap3A_486 = tpu.vector_load %arg11[%swap3A_483, %swap3A_484, %swap3A_485] {strides = array<i32>} : memref<2x112x128xf32, #tpu.memory_space<vmem>>, vector<1x1x16xf32>,
      %swap3A_487 = vector.shape_cast %swap3A_486 : vector<1x1x16xf32> to vector<16xf32>
      %swap3A_488 = vector.shape_cast %sub3A_481 : vector<16xf32> to vector<1x1x16xf32>
      tpu.vector_store %arg11[%swap3A_483, %swap3A_484, %swap3A_485], %swap3A_488 {strides = array<i32>} : memref<2x112x128xf32, #tpu.memory_space<vmem>>, vector<1x1x16xf32>,
      %get3A_489 = arith.constant 1 : i32
      %get3A_490 = arith.index_cast %get3A_489 : i32 to index
      %get3A_491 = arith.index_cast %scan3A_265 : i32 to index
      %get3A_492 = arith.constant 96 : index
      %get3A_493 = tpu.vector_load %arg8[%get3A_490, %get3A_491, %get3A_492] {strides = array<i32>} : memref<2x112x128xf32, #tpu.memory_space<vmem>>, vector<1x1x16xf32>,
      %get3A_494 = vector.shape_cast %get3A_493 : vector<1x1x16xf32> to vector<16xf32>
      %get3A_495 = arith.constant 1 : i32
      %get3A_496 = arith.index_cast %get3A_495 : i32 to index
      %get3A_497 = arith.index_cast %scan3A_265 : i32 to index
      %get3A_498 = arith.constant 96 : index
      %get3A_499 = tpu.vector_load %arg9[%get3A_496, %get3A_497, %get3A_498] {strides = array<i32>} : memref<2x112x128xf32, #tpu.memory_space<vmem>>, vector<1x1x16xf32>,
      %get3A_500 = vector.shape_cast %get3A_499 : vector<1x1x16xf32> to vector<16xf32>
      %mul3A_501 = arith.mulf %get3A_494, %get3A_500 : vector<16xf32>
      %get3A_502 = arith.constant 1 : i32
      %get3A_503 = arith.index_cast %get3A_502 : i32 to index
      %get3A_504 = arith.index_cast %scan3A_265 : i32 to index
      %get3A_505 = arith.constant 96 : index
      %get3A_506 = tpu.vector_load %arg10[%get3A_503, %get3A_504, %get3A_505] {strides = array<i32>} : memref<2x112x128xf32, #tpu.memory_space<vmem>>, vector<1x1x16xf32>,
      %get3A_507 = vector.shape_cast %get3A_506 : vector<1x1x16xf32> to vector<16xf32>
      %add3A_508 = arith.addf %mul3A_501, %get3A_507 : vector<16xf32>
      %add3A_509 = arith.addf %add3A_508, %add3A_508 : vector<16xf32>
      %exp3A_510 = math.exp %add3A_509 : vector<16xf32>
      %add3A_511 = arith.constant 1.000000e+00 : f32
      %add3A_512 = vector.broadcast %add3A_511 : f32 to vector<16xf32>
      %add3A_513 = arith.addf %exp3A_510, %add3A_512 : vector<16xf32>
      %div3A_514 = arith.constant 2.000000e+00 : f32
      %div3A_515 = vector.broadcast %div3A_514 : f32 to vector<16xf32>
      %div3A_516 = arith.divf %div3A_515, %add3A_513 : vector<16xf32>
      %sub3A_517 = arith.constant 1.000000e+00 : f32
      %sub3A_518 = vector.broadcast %sub3A_517 : f32 to vector<16xf32>
      %sub3A_519 = arith.subf %sub3A_518, %div3A_516 : vector<16xf32>
      %swap3A_520 = arith.constant 1 : i32
      %swap3A_521 = arith.index_cast %swap3A_520 : i32 to index
      %swap3A_522 = arith.index_cast %scan3A_265 : i32 to index
      %swap3A_523 = arith.constant 96 : index
      %swap3A_524 = tpu.vector_load %arg11[%swap3A_521, %swap3A_522, %swap3A_523] {strides = array<i32>} : memref<2x112x128xf32, #tpu.memory_space<vmem>>, vector<1x1x16xf32>,
      %swap3A_525 = vector.shape_cast %swap3A_524 : vector<1x1x16xf32> to vector<16xf32>
      %swap3A_526 = vector.shape_cast %sub3A_519 : vector<16xf32> to vector<1x1x16xf32>
      tpu.vector_store %arg11[%swap3A_521, %swap3A_522, %swap3A_523], %swap3A_526 {strides = array<i32>} : memref<2x112x128xf32, #tpu.memory_space<vmem>>, vector<1x1x16xf32>,
      %get3A_527 = arith.constant 1 : i32
      %get3A_528 = arith.index_cast %get3A_527 : i32 to index
      %get3A_529 = arith.index_cast %scan3A_265 : i32 to index
      %get3A_530 = arith.constant 112 : index
      %get3A_531 = tpu.vector_load %arg8[%get3A_528, %get3A_529, %get3A_530] {strides = array<i32>} : memref<2x112x128xf32, #tpu.memory_space<vmem>>, vector<1x1x16xf32>,
      %get3A_532 = vector.shape_cast %get3A_531 : vector<1x1x16xf32> to vector<16xf32>
      %get3A_533 = arith.constant 1 : i32
      %get3A_534 = arith.index_cast %get3A_533 : i32 to index
      %get3A_535 = arith.index_cast %scan3A_265 : i32 to index
      %get3A_536 = arith.constant 112 : index
      %get3A_537 = tpu.vector_load %arg9[%get3A_534, %get3A_535, %get3A_536] {strides = array<i32>} : memref<2x112x128xf32, #tpu.memory_space<vmem>>, vector<1x1x16xf32>,
      %get3A_538 = vector.shape_cast %get3A_537 : vector<1x1x16xf32> to vector<16xf32>
      %mul3A_539 = arith.mulf %get3A_532, %get3A_538 : vector<16xf32>
      %get3A_540 = arith.constant 1 : i32
      %get3A_541 = arith.index_cast %get3A_540 : i32 to index
      %get3A_542 = arith.index_cast %scan3A_265 : i32 to index
      %get3A_543 = arith.constant 112 : index
      %get3A_544 = tpu.vector_load %arg10[%get3A_541, %get3A_542, %get3A_543] {strides = array<i32>} : memref<2x112x128xf32, #tpu.memory_space<vmem>>, vector<1x1x16xf32>,
      %get3A_545 = vector.shape_cast %get3A_544 : vector<1x1x16xf32> to vector<16xf32>
      %add3A_546 = arith.addf %mul3A_539, %get3A_545 : vector<16xf32>
      %add3A_547 = arith.addf %add3A_546, %add3A_546 : vector<16xf32>
      %exp3A_548 = math.exp %add3A_547 : vector<16xf32>
      %add3A_549 = arith.constant 1.000000e+00 : f32
      %add3A_550 = vector.broadcast %add3A_549 : f32 to vector<16xf32>
      %add3A_551 = arith.addf %exp3A_548, %add3A_550 : vector<16xf32>
      %div3A_552 = arith.constant 2.000000e+00 : f32
      %div3A_553 = vector.broadcast %div3A_552 : f32 to vector<16xf32>
      %div3A_554 = arith.divf %div3A_553, %add3A_551 : vector<16xf32>
      %sub3A_555 = arith.constant 1.000000e+00 : f32
      %sub3A_556 = vector.broadcast %sub3A_555 : f32 to vector<16xf32>
      %sub3A_557 = arith.subf %sub3A_556, %div3A_554 : vector<16xf32>
      %swap3A_558 = arith.constant 1 : i32
      %swap3A_559 = arith.index_cast %swap3A_558 : i32 to index
      %swap3A_560 = arith.index_cast %scan3A_265 : i32 to index
      %swap3A_561 = arith.constant 112 : index
      %swap3A_562 = tpu.vector_load %arg11[%swap3A_559, %swap3A_560, %swap3A_561] {strides = array<i32>} : memref<2x112x128xf32, #tpu.memory_space<vmem>>, vector<1x1x16xf32>,
      %swap3A_563 = vector.shape_cast %swap3A_562 : vector<1x1x16xf32> to vector<16xf32>
      %swap3A_564 = vector.shape_cast %sub3A_557 : vector<16xf32> to vector<1x1x16xf32>
      tpu.vector_store %arg11[%swap3A_559, %swap3A_560, %swap3A_561], %swap3A_564 {strides = array<i32>} : memref<2x112x128xf32, #tpu.memory_space<vmem>>, vector<1x1x16xf32>,
    }
    %scan3A_216 = arith.constant 32 : i32
    %multiple_of3A_217 = arith.constant 9968 : i32
    %multiple_of3A_218 = tpu.assume_multiple %multiple_of3A_217, 8 : i32
    %add3A_219 = arith.addi %mul3A_2, %multiple_of3A_218 : i32
    %dma_start3A_220 = arith.constant 1 : i32
    %dma_start3A_221 = arith.constant 0 : i32
    %dma_start3A_222 = arith.constant 0 : i32
    %dma_start3A_223 = tpu.memref_slice %arg11[%dma_start3A_220, %dma_start3A_221, %dma_start3A_222] : memref<2x112x128xf32, #tpu.memory_space<vmem>> -> memref<1x32x128xf32, #tpu.memory_space<vmem>>
    %dma_start3A_224 = tpu.memref_squeeze %dma_start3A_223 : memref<1x32x128xf32, #tpu.memory_space<vmem>> -> memref<32x128xf32, #tpu.memory_space<vmem>>
    %dma_start3A_225 = arith.constant 0 : i32
    %dma_start3A_226 = tpu.memref_slice %arg6[%add3A_219, %dma_start3A_225] : memref<320000x128xf32, #tpu.memory_space<hbm>> -> memref<32x128xf32, #tpu.memory_space<hbm>>
    %dma_start3A_227 = arith.constant 0 : i32
    %dma_start3A_228 = tpu.memref_slice %arg6[%add3A_219, %dma_start3A_227] : memref<320000x128xf32, #tpu.memory_space<hbm>> -> memref<32x128xf32, #tpu.memory_space<hbm>>
    %dma_start3A_229 = arith.constant 0 : i32
    %dma_start3A_230 = arith.constant 0 : i32
    %dma_start3A_231 = tpu.memref_slice %arg11[%dma_start3A_220, %dma_start3A_229, %dma_start3A_230] : memref<2x112x128xf32, #tpu.memory_space<vmem>> -> memref<1x32x128xf32, #tpu.memory_space<vmem>>
    %dma_start3A_232 = tpu.memref_squeeze %dma_start3A_231 : memref<1x32x128xf32, #tpu.memory_space<vmem>> -> memref<32x128xf32, #tpu.memory_space<vmem>>
    tpu.enqueue_dma source(%dma_start3A_232 : memref<32x128xf32, #tpu.memory_space<vmem>>) target(%dma_start3A_228 : memref<32x128xf32, #tpu.memory_space<hbm>>) target_semaphore(%arg19 : memref<!tpu.dma_semaphore, #tpu.memory_space<semaphore_mem>>)
    %multiple_of3A_233 = arith.constant 9856 : i32
    %multiple_of3A_234 = tpu.assume_multiple %multiple_of3A_233, 8 : i32
    %add3A_235 = arith.addi %mul3A_2, %multiple_of3A_234 : i32
    %dma_wait3A_236 = arith.constant 0 : i32
    %dma_wait3A_237 = arith.constant 0 : i32
    %dma_wait3A_238 = arith.constant 0 : i32
    %dma_wait3A_239 = tpu.memref_slice %arg11[%dma_wait3A_236, %dma_wait3A_237, %dma_wait3A_238] : memref<2x112x128xf32, #tpu.memory_space<vmem>> -> memref<1x112x128xf32, #tpu.memory_space<vmem>>
    %dma_wait3A_240 = tpu.memref_squeeze %dma_wait3A_239 : memref<1x112x128xf32, #tpu.memory_space<vmem>> -> memref<112x128xf32, #tpu.memory_space<vmem>>
    %dma_wait3A_241 = arith.constant 0 : i32
    %dma_wait3A_242 = tpu.memref_slice %arg6[%add3A_235, %dma_wait3A_241] : memref<320000x128xf32, #tpu.memory_space<hbm>> -> memref<112x128xf32, #tpu.memory_space<hbm>>
    %dma_wait3A_243 = arith.constant 0 : i32
    %dma_wait3A_244 = tpu.memref_slice %arg6[%add3A_235, %dma_wait3A_243] : memref<320000x128xf32, #tpu.memory_space<hbm>> -> memref<112x128xf32, #tpu.memory_space<hbm>>
    %dma_wait3A_245 = arith.constant 0 : i32
    %dma_wait3A_246 = arith.constant 0 : i32
    %dma_wait3A_247 = tpu.memref_slice %arg11[%dma_wait3A_236, %dma_wait3A_245, %dma_wait3A_246] : memref<2x112x128xf32, #tpu.memory_space<vmem>> -> memref<1x112x128xf32, #tpu.memory_space<vmem>>
    %dma_wait3A_248 = tpu.memref_squeeze %dma_wait3A_247 : memref<1x112x128xf32, #tpu.memory_space<vmem>> -> memref<112x128xf32, #tpu.memory_space<vmem>>
    tpu.wait_dma2 semaphore(%arg18 : memref<!tpu.dma_semaphore, #tpu.memory_space<semaphore_mem>>) src(%dma_wait3A_248 : memref<112x128xf32, #tpu.memory_space<vmem>>) dst(%dma_wait3A_244 : memref<112x128xf32, #tpu.memory_space<hbm>>)
    %multiple_of3A_249 = arith.constant 9968 : i32
    %multiple_of3A_250 = tpu.assume_multiple %multiple_of3A_249, 8 : i32
    %add3A_251 = arith.addi %mul3A_2, %multiple_of3A_250 : i32
    %dma_wait3A_252 = arith.constant 1 : i32
    %dma_wait3A_253 = arith.constant 0 : i32
    %dma_wait3A_254 = arith.constant 0 : i32
    %dma_wait3A_255 = tpu.memref_slice %arg11[%dma_wait3A_252, %dma_wait3A_253, %dma_wait3A_254] : memref<2x112x128xf32, #tpu.memory_space<vmem>> -> memref<1x32x128xf32, #tpu.memory_space<vmem>>
    %dma_wait3A_256 = tpu.memref_squeeze %dma_wait3A_255 : memref<1x32x128xf32, #tpu.memory_space<vmem>> -> memref<32x128xf32, #tpu.memory_space<vmem>>
    %dma_wait3A_257 = arith.constant 0 : i32
    %dma_wait3A_258 = tpu.memref_slice %arg6[%add3A_251, %dma_wait3A_257] : memref<320000x128xf32, #tpu.memory_space<hbm>> -> memref<32x128xf32, #tpu.memory_space<hbm>>
    %dma_wait3A_259 = arith.constant 0 : i32
    %dma_wait3A_260 = tpu.memref_slice %arg6[%add3A_251, %dma_wait3A_259] : memref<320000x128xf32, #tpu.memory_space<hbm>> -> memref<32x128xf32, #tpu.memory_space<hbm>>
    %dma_wait3A_261 = arith.constant 0 : i32
    %dma_wait3A_262 = arith.constant 0 : i32
    %dma_wait3A_263 = tpu.memref_slice %arg11[%dma_wait3A_252, %dma_wait3A_261, %dma_wait3A_262] : memref<2x112x128xf32, #tpu.memory_space<vmem>> -> memref<1x32x128xf32, #tpu.memory_space<vmem>>
    %dma_wait3A_264 = tpu.memref_squeeze %dma_wait3A_263 : memref<1x32x128xf32, #tpu.memory_space<vmem>> -> memref<32x128xf32, #tpu.memory_space<vmem>>
    tpu.wait_dma2 semaphore(%arg19 : memref<!tpu.dma_semaphore, #tpu.memory_space<semaphore_mem>>) src(%dma_wait3A_264 : memref<32x128xf32, #tpu.memory_space<vmem>>) dst(%dma_wait3A_260 : memref<32x128xf32, #tpu.memory_space<hbm>>)
    return
  }
}

</mosaic_0001>

<sc_bundles>
// kernel: kernel.3.cloned.1.call-start
scs
__scs_entry_jumppad:
0x0: {  	(pc) =	sbr.rel $0x88, $3  }
0x1: {  	(tag) =	ssettag $0x0;
	lr =	simm.s32 $0x1  }
0x2: {  	[smem:$0x3F9D] =	sst lr;
	_ =	strace $0xD0000000  }
0x3: {  	_ = 	snop  }
0x4: {  	_ = 	snop  }
0x5: {  	_ = 	snop  }
0x6: {  	_ = 	snop  }
0x7: {  	_ = 	snop  }
__scs_overlays_trampoline_lowered:
0x8: {  	[smem:$0x3FAC] =	sst s0  }
0x9: {  	[smem:$0x3FAD] =	sst s1  }
0xa: {  	[smem:$0x3FAE] =	sst s2  }
0xb: {  	[smem:$0x3FAF] =	sst s3  }
0xc: {  	[smem:$0x3FB0] =	sst s4  }
0xd: {  	[smem:$0x3FB1] =	sst s5  }
0xe: {  	[smem:$0x3FB2] =	sst s6  }
0xf: {  	[smem:$0x3FB3] =	sst s7  }
0x10: {  	[smem:$0x3FB4] =	sst s8  }
0x11: {  	[smem:$0x3FB5] =	sst s9;
	s0 =	simm.s32 @!p0 $0x0  }
0x12: {  	s1 =	sld [smem:$0x3F9B];
	s0 =	simm.s32 @p0 $0x1  }
0x13: {  	[smem:$0x3FB6] =	sst s0;
	s0 =	simm.s32 @!p1 $0x0  }
0x14: {  	s2 =	sld [smem:$0x3F9A];
	s0 =	simm.s32 @p1 $0x1  }
0x15: {  	[smem:$0x3FB7] =	sst s0;
	s0 =	simm.s32 @!p2 $0x0  }
0x16: {  	s3 =	sld [smem:$0x3FDB];
	s0 =	simm.s32 @p2 $0x1  }
0x17: {  	s4 =	simm.s32 $0x1BF5;
	[smem:$0x3FB9] =	sst s0  }
0x18: {  	s0 =	sld [smem:$0x3F9C];
	_ =	swait.ge [sflag:s4], $0x0  }
0x19: {  	s7 =	sld [smem:$0x3F9D]  }
0x1a: {  	s8 =	sadd.s32 $0xFFFFE003, lr  }
0x1b: {  	s9 =	sadd.s32 $0xFFFFFEF7, lr;
	s5 =	simm.s32 $0xFFFFFFFF;
	p2 =	slt.u32 s8, $0xFFFFF086  }
0x1c: {  	p1 =	slt.u32 s9, $0xF7A;
	s5 =	simm.s32 @!p2 $0x0  }
0x1d: {  	s5 =	simm.s32 @p1 $0x1;
	p0 =	seq.s32 s7, s2  }
0x1e: {  	s7 =	smul.u32 @!p0 $0xF7A, s2;
	p2 =	seq.s32 @!p0 s5, $0x0  }
0x1f: {  	s9 =	smul.u32 $0xF7A, s1;
	s8 =	simm.s32 @!p0 $0x1BF5;
	p2 =	por !p2, p0  }
0x20: {  	[sflag:s8] =	ssyncset.s32 @!p0 $0xFFFFF086;
	s6 =	sadd.s32 @!p0 s3, s7;
	s7 =	simm.s32 @!p0 $0x108  }
0x21: {  	s3 =	sadd.s32 s3, s9;
	s6 =	sadd.s32 @!p0 $0x88, s6;
	s7 =	simm.s32 @p2 $0x1082  }
0x22: {  	[simem:s7], [sflag:s8] =	dma.local @!p0 [hbm:s6], $0xF7A  }
0x23: {  	s9 =	sor.u32 $0xD0000000, s2;
	s6 =	simm.s32 $0x108;
	_ =	swait.ge @!p0 [sflag:s8], $0x0  }
0x24: {  	s3 =	sadd.s32 $0x88, s3;
	s6 =	simm.s32 @!p1 $0x1082;
	[sflag:s4] =	ssyncset.s32 $0xFFFFF086  }
0x25: {  	[simem:s6], [sflag:s4] =	dma.local [hbm:s3], $0xF7A  }
0x26: {  	[smem:$0x3F9D] =	sst s1;
	(tag) =	ssettag s2;
	_ =	strace s9  }
0x27: {  	s1 =	sld [smem:$0x3FAD]  }
0x28: {  	s2 =	sld [smem:$0x3FAE]  }
0x29: {  	s4 =	sld [smem:$0x3FB0]  }
0x2a: {  	p0 =	seq.s32 s5, $0x0;
	s5 =	sld [smem:$0x3FB1]  }
0x2b: {  	s6 =	sld [smem:$0x3FB2]  }
0x2c: {  	s7 =	sld [smem:$0x3FB3]  }
0x2d: {  	s3 =	simm.s32 $0x108;
	s8 =	sld [smem:$0x3FB4]  }
0x2e: {  	s3 =	simm.s32 @!p0 $0x1082;
	s9 =	sld [smem:$0x3FB5]  }
0x2f: {  	lr =	sadd.s32 s0, s3;
	s0 =	sld [smem:$0x3FAC]  }
0x30: {  	s3 =	sld [smem:$0x3FAF]  }
0x31: {  	[smem:$0x3FB8] =	sst s10  }
0x32: {  	s10 =	sld [smem:$0x3FB6];
	_ =	sdelay $0x3  }
0x33: {  	p0 =	seq.s32 s10, $0x1;
	s10 =	sld [smem:$0x3FB8];
	_ =	sdelay $0x3  }
0x34: {  	[smem:$0x3FB8] =	sst s10  }
0x35: {  	s10 =	sld [smem:$0x3FB7];
	_ =	sdelay $0x3  }
0x36: {  	p1 =	seq.s32 s10, $0x1;
	s10 =	sld [smem:$0x3FB8];
	_ =	sdelay $0x3  }
0x37: {  	[smem:$0x3FB8] =	sst s10  }
0x38: {  	s10 =	sld [smem:$0x3FB9]  }
0x39: {  	_ = 	snop;
	(pc) =	sbr.ind lr, $3  }
0x3a: {  	_ = 	snop  }
0x3b: {  	_ = 	snop  }
0x3c: {  	p2 =	seq.s32 s10, $0x1;
	s10 =	sld [smem:$0x3FB8]  }
0x3d: {  	_ =	shalt  }
0x3e: {  	_ =	shalt  }
0x3f: {  	_ =	shalt  }
0x40: {  	_ =	shalt  }
0x41: {  	_ =	shalt  }
0x42: {  	_ =	shalt  }
0x43: {  	_ =	shalt  }
0x44: {  	_ =	shalt  }
0x45: {  	_ =	shalt  }
0x46: {  	_ =	shalt  }
0x47: {  	_ =	shalt  }
0x48: {  	_ =	shalt  }
0x49: {  	_ =	shalt  }
0x4a: {  	_ =	shalt  }
0x4b: {  	_ =	shalt  }
0x4c: {  	_ =	shalt  }
0x4d: {  	_ =	shalt  }
0x4e: {  	_ =	shalt  }
0x4f: {  	_ =	shalt  }
0x50: {  	_ =	shalt  }
0x51: {  	_ =	shalt  }
0x52: {  	_ =	shalt  }
0x53: {  	_ =	shalt  }
0x54: {  	_ =	shalt  }
0x55: {  	_ =	shalt  }
0x56: {  	_ =	shalt  }
0x57: {  	_ =	shalt  }
0x58: {  	_ =	shalt  }
0x59: {  	_ =	shalt  }
0x5a: {  	_ =	shalt  }
0x5b: {  	_ =	shalt  }
0x5c: {  	_ =	shalt  }
0x5d: {  	_ =	shalt  }
0x5e: {  	_ =	shalt  }
0x5f: {  	_ =	shalt  }
0x60: {  	_ =	shalt  }
0x61: {  	_ =	shalt  }
0x62: {  	_ =	shalt  }
0x63: {  	_ =	shalt  }
0x64: {  	_ =	shalt  }
0x65: {  	_ =	shalt  }
0x66: {  	_ =	shalt  }
0x67: {  	_ =	shalt  }
0x68: {  	_ =	shalt  }
0x69: {  	_ =	shalt  }
0x6a: {  	_ =	shalt  }
0x6b: {  	_ =	shalt  }
0x6c: {  	_ =	shalt  }
0x6d: {  	_ =	shalt  }
0x6e: {  	_ =	shalt  }
0x6f: {  	_ =	shalt  }
0x70: {  	_ =	shalt  }
0x71: {  	_ =	shalt  }
0x72: {  	_ =	shalt  }
0x73: {  	_ =	shalt  }
0x74: {  	_ =	shalt  }
0x75: {  	_ =	shalt  }
0x76: {  	_ =	shalt  }
0x77: {  	_ =	shalt  }
0x78: {  	_ =	shalt  }
0x79: {  	_ =	shalt  }
0x7a: {  	_ =	shalt  }
0x7b: {  	_ =	shalt  }
0x7c: {  	_ =	shalt  }
0x7d: {  	_ =	shalt  }
0x7e: {  	_ =	shalt  }
0x7f: {  	_ =	shalt  }
0x80: {  	_ =	shalt  }
0x81: {  	_ =	shalt  }
0x82: {  	_ =	shalt  }
0x83: {  	_ =	shalt  }
0x84: {  	_ =	shalt  }
0x85: {  	_ =	shalt  }
0x86: {  	_ =	shalt  }
0x87: {  	_ =	shalt  }
.Lfunc_end0:
.L_simem_size_0:
called_computation_lowered:
.L_overlay_start_0:
0x88: {  	s2 =	sld [smem:$0x3FD9]  }
0x89: {  	s3 =	sld [smem:$0x3FFE];
	_ =	sdelay $0x1  }
0x8a: {  	s1 =	srdreg.scid  }
0x8b: {  	s0 =	sand.u32 $0x1, s1  }
0x8c: {  	s18 =	sshll.u32 s0, $0xA;
	s2 =	sadd.s32 s3, s2  }
0x8d: {  	s2 =	sadd.s32 s2, s18  }
0x8e: {  	[smem:$0x3FC4] =	sst s2  }
0x8f: {  	_ = 	snop  }
0x90: {  	s2 =	sld [smem:$0x3FC9]  }
0x91: {  	s19 =	sld [smem:$0x3FC8]  }
0x92: {  	s4 =	sld [smem:$0x3FC7]  }
0x93: {  	s5 =	sld [smem:$0x3FC6]  }
0x94: {  	s6 =	sld [smem:$0x3FD0];
	(tm) =	ssettm $0x1  }
0x95: {  	s7 =	sld [smem:$0x3FFB];
	_ =	sdelay $0x3  }
0x96: {  	_ =	strace s7  }
0x97: {  	s7 =	sld [smem:$0x3FFC];
	_ =	sdelay $0x3  }
0x98: {  	_ =	strace s7  }
0x99: {  	s7 =	sld [smem:$0x3FFD];
	_ =	sdelay $0x3  }
0x9a: {  	_ =	strace s7  }
0x9b: {  	_ =	strace $0x8FFFFFFF  }
0x9c: {  	s20 =	sld [smem:$0x3FDB];
	_ =	sdelay $0x1  }
0x9d: {  	s8 =	simm.s32 $_scs_section_size  }
0x9e: {  	s9 =	simm.s32 $_size__tile_overlayer_lowered;
	s10 =	simm.s32 $_tile_overlayer_lowered  }
0x9f: {  	s23 =	simm.s32 $0x1BFF;
	s22 =	sshll.u32 s10, $0x1;
	s7 =	sadd.s32 s8, s20  }
0xa0: {  	s11 =	simm.s32 $0x0;
	s21 =	sshll.u32 s9, $0x1;
	s9 =	sadd.s32 s22, s7  }
0xa1: {  	[timem:s11], [sflag:s23] =	dma.local [hbm:s9], s21  }
0xa2: {  	_ =	swait.ge [sflag:s23], s21  }
0xa3: {  	s8 =	ssub.s32 $0x0, s21;
	[sflag:s23] =	ssyncset.done $0x0  }
0xa4: {  	[sflag:s23] =	ssyncadd.s32 s8;
	_ =	sdelay $0x1  }
0xa5: {  	s24 =	simm.s32 $0x1B8B  }
0xa6: {  	_ =	swait.ge [sflag:s24], $0x1  }
0xa7: {  	[sflag:s24] =	ssyncset.done $0x0  }
0xa8: {  	s25 =	simm.s32 $0x1B8E;
	[sflag:s24] =	ssyncadd.s32 $0xFFFFFFFF  }
0xa9: {  	s26 =	simm.s32 $execute0_lowered;
	[smem:$0x3FD2] =	sst s25  }
0xaa: {  	s8 =	sshll.u32 s26, $0x1;
	_ =	strace $0x80000046;
	[dreg:$0x1] =	wrdreg $0xFFFFFFFF  }
0xab: {  	s28 =	simm.s32 $_size_execute0_lowered;
	s7 =	sadd.s32 s7, s8;
	[dreg:$0x0] =	wrdreg $0x0  }
0xac: {  	s8 =	sshll.u32 s28, $0x1;
	[dreg:$0x2] =	wrdreg s7  }
0xad: {  	[dreg:$0x3] =	wrdreg s8  }
0xae: {  	[dreg:$0x4] =	wrdreg $0xC0  }
0xaf: {  	_ =	task [dreg:s11], $0x5FFFF  }
0xb0: {  	[dreg:$0x1] =	wrdreg $0xFFFFFFFF  }
0xb1: {  	[dreg:$0x0] =	wrdreg $0x60  }
0xb2: {  	[dreg:$0x2] =	wrdreg s2  }
0xb3: {  	[dreg:$0x3] =	wrdreg s19  }
0xb4: {  	[dreg:$0x4] =	wrdreg s4  }
0xb5: {  	[dreg:$0x5] =	wrdreg s5  }
0xb6: {  	[dreg:$0x6] =	wrdreg s6  }
0xb7: {  	[dreg:$0x7] =	wrdreg $0x9  }
0xb8: {  	_ =	task.clear_ibuf [dreg:s11], $0x8FFFF;
	_ =	strace $0x90000046  }
0xb9: {  	s29 =	simm.s32 $0x9;
	_ =	strace $0x80000048  }
0xba: {  	_ =	swait.ge [sflag:s29], $0x1  }
0xbb: {  	[sflag:s29] =	ssyncadd.s32 $0xFFFFFFFF  }
0xbc: {  	_ =	strace $0x90000048  }
0xbd: {  	_ =	sfence  }
0xbe: {  	s30 =	sld [smem:$0x0];
	_ =	sdelay $0x2  }
0xbf: {  	s31 =	sshll.u32 s1, $0xD;
	s1 =	sshrl.u32 s1, $0x2  }
0xc0: {  	s3 =	sand.u32 $0x4000, s31;
	s1 =	sadd.s32 s1, s30  }
0xc1: {  	s0 =	sor.u32 s3, s0;
	s1 =	sshll.u32 s1, $0x11  }
0xc2: {  	s0 =	sor.u32 s1, s0  }
0xc3: {  	s0 =	sadd.s32 $0x8F2B, s0  }
0xc4: {  	[sflag:s0] =	ssyncadd.remote.s32 $0x1  }
0xc5: {  	_ =	sfence.sel $0xFFFF  }
0xc6: {  	[dreg:$0x0] =	wrdreg $0xFFFFFFFF;
	(pc) =	sbr.abs _section_cstart, $3  }
0xc7: {  	[dreg:$0x1] =	wrdreg $0xFFFFFFFF  }
0xc8: {  	_ =	task.clear_ibuf [dreg:s11], $0x2FFFF;
	_ =	strace $0x9FFFFFFF  }
0xc9: {  	(tm) =	ssettm $0x7FFFFFFF  }
tec
execute0_lowered:
.L_overlay_start_1:
0x0: {  	(tag) =	ssettag $0x1  }
0x1: {  	s1 =	rddreg [dreg:$0x0]  }
0x2: {  	s0 =	rddreg [dreg:$0x1]  }
0x3: {  	s2 =	rddreg [dreg:$0x2];
	s3 =	srdreg.scid  }
0x4: {  	s5 =	stileid.u32;
	s4 =	rddreg [dreg:$0x3];
	s28 =	simm.s32 $0x1  }
0x5: {  	s29 =	simm.s32 $0x3;
	s3 =	sand.u32 $0x1, s3;
	s6 =	sshll.u32 s5, $0x1  }
0x6: {  	s30 =	simm.s32 $0x5;
	s31 =	simm.s32 $0x17780;
	s8 =	sor.u32 s3, s6  }
0x7: {  	s12 =	simm.s32 $0x0;
	s5 =	rddreg [dreg:$0x4];
	s7 =	smul.u32 $0x2710, s8  }
0x8: {  	s6 =	simm.s32 $0x0;
	s3 =	ssub.s32 $0x2, s3;
	s9 =	smul.u32 $0x138800, s8  }
0x9: {  	[smem:$0x7FF] =	sst s6;
	s10 =	sshrl.u32 s3, $0x1;
	s8 =	smul.u32 $0x27100, s8  }
0xa: {  	_ =	strace $0x80000047;
	s3 =	ssub.s32 s3, s10;
	s11 =	sshrl.u32 s7, $0x3  }
0xb: {  	s9 =	sshrl.u32 s9, $0x3;
	s20 =	sadd.s32 s2, s8;
	s8 =	sadd.s32 s4, s8  }
0xc: {  	s13 =	sadd.s32 $0x70, s7;
	s26 =	smax.u32 s3, $0x1;
	[dreg:$0x7] =	wrdreg s20  }
0xd: {  	s3 =	simm.s32 $0x2;
	s0 =	sadd.s32 s0, s11;
	[dreg:$0x8] =	wrdreg s8  }
0xe: {  	s19 =	sadd.s32 $0x700, s9;
	s22 =	sadd.s32 $0x26F00, s9;
	[dreg:$0xf] =	wrdreg s26  }
0xf: {  	s25 =	sadd.s32 s5, s9;
	[dreg:$0x6] =	wrdreg s0;
	s21 =	sadd.s32 s2, s19  }
0x10: {  	s20 =	simm.s32 $0x70;
	s0 =	sadd.s32 s4, s19;
	[dreg:$0x9] =	wrdreg s21  }
0x11: {  	s26 =	simm.s32 $0x13F80;
	s23 =	sadd.s32 s2, s22;
	[dreg:$0xa] =	wrdreg s0  }
0x12: {  	s9 =	simm.s32 $0x1AF80;
	s24 =	sadd.s32 s4, s22;
	[dreg:$0xb] =	wrdreg s23  }
0x13: {  	s8 =	sadd.s32 $0x26800, s25;
	s25 =	simm.s32 $0xCF80;
	[dreg:$0xc] =	wrdreg s24  }
0x14: {  	[dreg:$0xd] =	wrdreg s8;
	s0 =	sadd.s32 s5, s22;
	s21 =	simm.s32 $0x2780  }
0x15: {  	s22 =	simm.s32 $0x9780;
	s23 =	simm.s32 $0x10780;
	s24 =	simm.s32 $0x5F80  }
0x16: {  	s8 =	simm.s32 $0x6;
	[dreg:$0xe] =	wrdreg s0;
	s0 =	simm.s32 $0x4  }
.LBB2_1:
0x17: {  	s10 =	rddreg [dreg:$0x6];
	s15 =	simm.s32 $0x9  }
0x18: {  	[tilespmem:s6], [sflag:$0x9] =	stream.linear.gather [hbm4b:s10+s6], $0x2710, $0x38;
	[tilespmem:$0x1E780] =	vst v63  }
0x19: {  	_ =	swait.ge [sflag:s15], $0x2710  }
0x1a: {  	[sflag:s15] =	ssyncset.done $0x0  }
0x1b: {  	[sflag:s15] =	ssyncadd.s32 $0xFFFFD8F0  }
0x1c: {  	[tilespmem:s21], [sflag:$0x1] =	stream.indirect.gather [hbm4b:s1+s20], $0x80, s6, s20, $0xb8;
	[tilespmem:$0x1E780] =	vst v63  }
0x1d: {  	s16 =	rddreg [dreg:$0x7]  }
0x1e: {  	[tilespmem:s22], [sflag:$0x3] =	stream.linear.gather [hbm4b:s16+s6], $0x3800, $0x38;
	[tilespmem:$0x1E780] =	vst v63  }
0x1f: {  	s17 =	rddreg [dreg:$0x8]  }
0x20: {  	[tilespmem:s23], [sflag:$0x5] =	stream.linear.gather [hbm4b:s17+s6], $0x3800, $0x38;
	[tilespmem:$0x1E780] =	vst v63  }
0x21: {  	_ = 	snop  }
0x22: {  	[tilespmem:s24], [sflag:$0x2] =	stream.indirect.gather [hbm4b:s1+s20], $0x80, s20, s20, $0xb8;
	[tilespmem:$0x1E780] =	vst v63  }
0x23: {  	s18 =	rddreg [dreg:$0x9]  }
0x24: {  	[tilespmem:s25], [sflag:$0x4] =	stream.linear.gather [hbm4b:s18+s6], $0x3800, $0x38;
	[tilespmem:$0x1E780] =	vst v63  }
0x25: {  	s14 =	simm.s32 $0x0;
	s19 =	rddreg [dreg:$0xa]  }
0x26: {  	[tilespmem:s26], [sflag:$0x6] =	stream.linear.gather [hbm4b:s19+s6], $0x3800, $0x38;
	[tilespmem:$0x1E780] =	vst v63  }
.LBB2_2:
0x27: {  	_ =	swait.ge [sflag:s28], $0x3800  }
0x28: {  	[sflag:s28] =	ssyncset.done $0x0  }
0x29: {  	[sflag:s28] =	ssyncadd.s32 $0xFFFFC800  }
0x2a: {  	_ =	swait.ge [sflag:s29], $0x3800  }
0x2b: {  	[sflag:s29] =	ssyncset.done $0x0  }
0x2c: {  	[sflag:s29] =	ssyncadd.s32 $0xFFFFC800  }
0x2d: {  	_ =	swait.ge [sflag:s30], $0x3800  }
0x2e: {  	p0 =	seq.s32 s14, $0x0;
	[sflag:s30] =	ssyncset.done $0x0  }
0x2f: {  	s10 =	simm.s32 @!p0 $0x7;
	[sflag:s30] =	ssyncadd.s32 $0xFFFFC800  }
0x30: {  	_ =	swait.ge @!p0 [sflag:s10], $0x3800  }
0x31: {  	[sflag:s10] =	ssyncset.done @!p0 $0x0  }
0x32: {  	s17 =	simm.s32 $0x0;
	[sflag:s10] =	ssyncadd.s32 @!p0 $0xFFFFC800  }
0x33: {  	v0 =	vld [tilespmem:s17+$0x107D0]  }
0x34: {  	v1 =	vld [tilespmem:s17+$0x107E0]  }
0x35: {  	v2 =	vld [tilespmem:s17+$0x107F0]  }
0x36: {  	v3 =	vld [tilespmem:s17+$0x107C0]  }
0x37: {  	v4 =	vld [tilespmem:s17+$0x97F0]  }
0x38: {  	v5 =	vld [tilespmem:s17+$0x97E0]  }
0x39: {  	v6 =	vld [tilespmem:s17+$0x97C0]  }
0x3a: {  	v7 =	vld [tilespmem:s17+$0x27E0]  }
0x3b: {  	v8 =	vld [tilespmem:s17+$0x10780]  }
0x3c: {  	v9 =	vld [tilespmem:s17+$0x27C0]  }
0x3d: {  	v10 =	vld [tilespmem:s17+$0x27F0]  }
0x3e: {  	v11 =	vld [tilespmem:s17+$0x27B0]  }
0x3f: {  	v12 =	vld [tilespmem:s17+$0x107A0]  }
0x40: {  	v13 =	vld [tilespmem:s17+$0x2780]  }
0x41: {  	v14 =	vld [tilespmem:s17+$0x97A0]  }
0x42: {  	v15 =	vld [tilespmem:s17+$0x27A0]  }
0x43: {  	v16 =	vld [tilespmem:s17+$0x9780]  }
0x44: {  	v17 =	vld [tilespmem:s17+$0x2790]  }
0x45: {  	v18 =	vld [tilespmem:s17+$0x97B0]  }
0x46: {  	v19 =	vld [tilespmem:s17+$0x9790]  }
0x47: {  	v20 =	vld [tilespmem:s17+$0x10790]  }
0x48: {  	v21 =	vld [tilespmem:s17+$0x27D0]  }
0x49: {  	v22 =	vld [tilespmem:s17+$0x97D0]  }
0x4a: {  	s16 =	simm.s32 $0x80;
	v23 =	vld [tilespmem:s17+$0x107B0]  }
0x4b: {  	v24 =	vld [tilespmem:s16+$0x107D0]  }
0x4c: {  	v25 =	vld [tilespmem:s16+$0x107E0]  }
0x4d: {  	v26 =	vld [tilespmem:s16+$0x107F0]  }
0x4e: {  	v27 =	vld [tilespmem:s16+$0x97F0]  }
0x4f: {  	v5 =	vmul.f32 v5, v7;
	v7 =	vld [tilespmem:s16+$0x107C0]  }
0x50: {  	v4 =	vmul.f32 v4, v10;
	v6 =	vmul.f32 v6, v9;
	v9 =	vld [tilespmem:s16+$0x97C0]  }
0x51: {  	v10 =	vld [tilespmem:s16+$0x27E0];
	v11 =	vmul.f32 v18, v11;
	v1 =	vadd.f32 v1, v5  }
0x52: {  	v17 =	vmul.f32 v19, v17;
	v18 =	vld [tilespmem:s16+$0x9780];
	v2 =	vadd.f32 v2, v4;
	v4 =	vmul.f32 v16, v13  }
0x53: {  	v19 =	vmul.f32 v22, v21;
	v21 =	vld [tilespmem:s16+$0x97D0];
	v3 =	vadd.f32 v3, v6;
	v1 =	vadd.f32 v1, v1  }
0x54: {  	v5 =	vld [tilespmem:s16+$0x97E0];
	v2 =	vadd.f32 v2, v2;
	v4 =	vadd.f32 v8, v4  }
0x55: {  	v6 =	vld [tilespmem:s16+$0x10780];
	v3 =	vadd.f32 v3, v3;
	v1 =	vmul.f32 $1.442695020e+00, v1  }
0x56: {  	v13 =	vld [tilespmem:s16+$0x27F0];
	v2 =	vmul.f32 $1.442695020e+00, v2;
	v4 =	vadd.f32 v4, v4  }
0x57: {  	v16 =	vld [tilespmem:s16+$0x107A0];
	v11 =	vadd.f32 v23, v11;
	v3 =	vmul.f32 $1.442695020e+00, v3;
	(erf) = vpow2.f32 v1  }
0x58: {  	v17 =	vadd.f32 v20, v17;
	v20 =	vld [tilespmem:s16+$0x2790];
	v4 =	vmul.f32 $1.442695020e+00, v4;
	(erf) = vpow2.f32 v2  }
0x59: {  	v0 =	vadd.f32 v0, v19;
	v19 =	vld [tilespmem:s16+$0x9790];
	(erf) = vpow2.f32 v3  }
0x5a: {  	v14 =	vmul.f32 v14, v15;
	v8 =	vld [tilespmem:s16+$0x27C0];
	v11 =	vadd.f32 v11, v11;
	(erf) = vpow2.f32 v4  }
0x5b: {  	v23 =	vld [tilespmem:s16+$0x107B0]  }
0x5c: {  	v12 =	vadd.f32 v12, v14;
	v15 =	vadd.f32 v17, v17;
	v17 =	vld [tilespmem:s16+$0x97B0];
	v11 =	vmul.f32 $1.442695020e+00, v11  }
0x5d: {  	v0 =	vadd.f32 v0, v0;
	v5 =	vmul.f32 v5, v10;
	v1 =	vld [tilespmem:s16+$0x27B0]  }
0x5e: {  	v12 =	vadd.f32 v12, v12;
	v14 =	vmul.f32 $1.442695020e+00, v15;
	v2 =	vld [tilespmem:s16+$0x2780]  }
0x5f: {  	v22 =	vmul.f32 $1.442695020e+00, v0;
	v8 =	vmul.f32 v9, v8;
	v5 =	vadd.f32 v25, v5;
	v3 =	vld [tilespmem:s16+$0x97A0]  }
0x60: {  	v12 =	vmul.f32 $1.442695020e+00, v12;
	v4 =	vld [tilespmem:s16+$0x27A0];
	(erf) = vpow2.f32 v11;
	v11 =	vpop (erf)  }
0x61: {  	s18 =	simm.s32 $0x100;
	v15 =	vld [tilespmem:s16+$0x27D0];
	v13 =	vmul.f32 v27, v13;
	v7 =	vadd.f32 v7, v8;
	v5 =	vadd.f32 v5, v5;
	v9 =	vpop (erf)  }
0x62: {  	v0 =	vld [tilespmem:s18+$0x107D0];
	v1 =	vmul.f32 v17, v1;
	(erf) = vpow2.f32 v14;
	v14 =	vpop (erf)  }
0x63: {  	v10 =	vld [tilespmem:s16+$0x10790];
	v13 =	vadd.f32 v26, v13;
	v7 =	vadd.f32 v7, v7;
	v5 =	vmul.f32 $1.442695020e+00, v5;
	v8 =	vpop (erf)  }
0x64: {  	v17 =	vld [tilespmem:s18+$0x97C0];
	v2 =	vmul.f32 v18, v2;
	v1 =	vadd.f32 v23, v1;
	v8 =	vadd.f32 $1.000000000e+00, v8  }
0x65: {  	v18 =	vld [tilespmem:s18+$0x107F0];
	v3 =	vmul.f32 v3, v4;
	v4 =	vadd.f32 v13, v13;
	(erf) = vpow2.f32 v22  }
0x66: {  	v23 =	vld [tilespmem:s18+$0x2780];
	v2 =	vadd.f32 v6, v2;
	v6 =	vmul.f32 v19, v20;
	(erf) = vrcp.f32 v8  }
0x67: {  	v7 =	vmul.f32 $1.442695020e+00, v7;
	v3 =	vadd.f32 v16, v3;
	v16 =	vld [tilespmem:s18+$0x97E0];
	(erf) = vpow2.f32 v12  }
0x68: {  	v4 =	vmul.f32 $1.442695020e+00, v4;
	v2 =	vadd.f32 v2, v2;
	v6 =	vadd.f32 v10, v6;
	v10 =	vld [tilespmem:s18+$0x27E0]  }
0x69: {  	v13 =	vld [tilespmem:s18+$0x107E0];
	v1 =	vadd.f32 v1, v1;
	(erf) = vpow2.f32 v5;
	v5 =	vmul.f32 v21, v15  }
0x6a: {  	v14 =	vadd.f32 $1.000000000e+00, v14;
	v8 =	vld [tilespmem:s18+$0x107C0];
	v15 =	vmul.f32 $1.442695020e+00, v2;
	(erf) = vpow2.f32 v4  }
0x6b: {  	v1 =	vmul.f32 $1.442695020e+00, v1;
	v3 =	vadd.f32 v3, v3;
	v19 =	vpop (erf);
	(erf) = vpow2.f32 v7;
	v7 =	vld [tilespmem:s18+$0x27C0]  }
0x6c: {  	v6 =	vadd.f32 v6, v6;
	v19 =	vadd.f32 $1.000000000e+00, v19;
	v12 =	vld [tilespmem:s18+$0x97F0];
	(erf) = vrcp.f32 v14  }
0x6d: {  	v10 =	vmul.f32 v16, v10;
	v5 =	vadd.f32 v24, v5;
	v20 =	vpop (erf);
	v14 =	vld [tilespmem:s18+$0x27F0];
	(erf) = vpow2.f32 v15  }
0x6e: {  	v11 =	vadd.f32 $1.000000000e+00, v11;
	v6 =	vmul.f32 $1.442695020e+00, v6;
	v2 =	vmul.f32 $1.442695020e+00, v3;
	v3 =	vld [tilespmem:s18+$0x27B0];
	v15 =	vpop (erf)  }
0x6f: {  	v13 =	vadd.f32 v13, v10;
	v10 =	vld [tilespmem:s18+$0x2790];
	v21 =	vadd.f32 v5, v5;
	v22 =	vpop (erf);
	(erf) = vrcp.f32 v19  }
0x70: {  	v9 =	vadd.f32 $1.000000000e+00, v9;
	v4 =	vld [tilespmem:s18+$0x10780];
	v7 =	vmul.f32 v17, v7;
	v19 =	vpop (erf);
	(erf) = vpow2.f32 v1  }
0x71: {  	v61 =	vmul.f32 $1.442695020e+00, v21;
	v21 =	vld [tilespmem:s18+$0x27A0];
	v16 =	vadd.f32 v22, v22;
	(erf) = vpow2.f32 v6  }
0x72: {  	v22 =	vld [tilespmem:s18+$0x97A0];
	v19 =	vadd.f32 $1.000000000e+00, v19;
	v1 =	vpop (erf);
	v6 =	vmul.f32 v12, v14;
	v7 =	vadd.f32 v8, v7  }
0x73: {  	v15 =	vadd.f32 $1.000000000e+00, v15;
	v17 =	vadd.f32 $1.000000000e+00, v20;
	v12 =	vld [tilespmem:s18+$0x9780];
	v62 =	vpop (erf);
	(erf) = vrcp.f32 v9  }
0x74: {  	v5 =	vld [tilespmem:s18+$0x107A0];
	v9 =	vsub.f32 $1.000000000e+00, v16;
	v63 =	vpop (erf);
	v6 =	vadd.f32 v18, v6;
	(erf) = vrcp.f32 v19  }
0x75: {  	v8 =	vld [tilespmem:s18+$0x97B0];
	v14 =	vadd.f32 v13, v13;
	v18 =	vadd.f32 v7, v7;
	v16 =	vpop (erf);
	(erf) = vrcp.f32 v15  }
0x76: {  	v19 =	vld [tilespmem:s18+$0x9790];
	[tilespmem:s17+$0x17780] =	vst v9;
	v7 =	vpop (erf);
	v6 =	vadd.f32 v6, v6;
	v13 =	vadd.f32 v16, v16;
	(erf) = vrcp.f32 v17  }
0x77: {  	s15 =	smul.u32 $0xE0, s14;
	v17 =	vld [tilespmem:s18+$0x10790];
	v20 =	vmul.f32 v22, v21;
	v21 =	vadd.f32 $1.000000000e+00, v7;
	(erf) = vrcp.f32 v11  }
0x78: {  	v15 =	vld [tilespmem:s18+$0x97D0];
	v22 =	vmul.f32 v12, v23;
	(erf) = vpow2.f32 v61;
	v7 =	vsub.f32 $1.000000000e+00, v13;
	v9 =	vpop (erf)  }
0x79: {  	s19 =	sadd.s32 s7, s15;
	s10 =	simm.s32 $0x600;
	v11 =	vld [tilespmem:s18+$0x27D0];
	v16 =	vmul.f32 $1.442695020e+00, v6;
	v13 =	vadd.f32 $1.000000000e+00, v63;
	v6 =	vadd.f32 $1.000000000e+00, v62;
	v12 =	vpop (erf)  }
.LBB2_3:
0x7a: {  	s11 =	sshra.s32 s10, $0x2;
	p1 =	sne.s32 s10, $0xDE00;
	s10 =	sadd.s32 $0x200, s10;
	v5 =	vadd.f32 v5, v20;
	v20 =	vld [tilespmem:s18+$0x107B0];
	(erf) = vrcp.f32 v21;
	v21 =	vpop (erf);
	v9 =	vadd.f32 v9, v9  }
0x7b: {  	v18 =	vmul.f32 $1.442695020e+00, v18;
	v23 =	vld [tilespmem:s11+$0x107D0];
	v4 =	vadd.f32 v4, v22;
	(erf) = vpow2.f32 v2  }
0x7c: {  	v2 =	vmul.f32 v19, v10;
	v22 =	vld [tilespmem:s11+$0x107E0];
	v26 =	vadd.f32 v5, v5;
	v9 =	vsub.f32 $1.000000000e+00, v9;
	v10 =	vpop (erf)  }
0x7d: {  	v14 =	vmul.f32 $1.442695020e+00, v14;
	v19 =	vld [tilespmem:s11+$0x107F0];
	v4 =	vadd.f32 v4, v4;
	v27 =	vadd.f32 v10, v10;
	v24 =	vpop (erf)  }
0x7e: {  	v17 =	vadd.f32 v17, v2;
	v25 =	vld [tilespmem:s11+$0x107C0];
	v2 =	vmul.f32 $1.442695020e+00, v26;
	v24 =	vadd.f32 v24, v24;
	[tilespmem:s17+$0x177B0] =	vst v9;
	v5 =	vpop (erf)  }
0x7f: {  	v9 =	vld [tilespmem:s11+$0x97F0];
	v26 =	vmul.f32 $1.442695020e+00, v4;
	(erf) = vpow2.f32 v14;
	v4 =	vsub.f32 $1.000000000e+00, v27;
	v10 =	vpop (erf)  }
0x80: {  	v3 =	vmul.f32 v8, v3;
	v17 =	vadd.f32 v17, v17;
	v8 =	vadd.f32 v5, v5;
	v14 =	vld [tilespmem:s11+$0x97E0];
	v5 =	vpop (erf)  }
0x81: {  	v28 =	vmul.f32 v15, v11;
	v27 =	vld [tilespmem:s11+$0x97C0];
	(erf) = vpow2.f32 v16;
	v15 =	vpop (erf);
	[tilespmem:s17+$0x177C0] =	vst v7;
	v7 =	vadd.f32 v5, v5  }
0x82: {  	v3 =	vadd.f32 v20, v3;
	v17 =	vmul.f32 $1.442695020e+00, v17;
	v16 =	vld [tilespmem:s11+$0x27E0];
	(erf) = vpow2.f32 v18;
	[tilespmem:s17+$0x177F0] =	vst v4  }
0x83: {  	v28 =	vadd.f32 v0, v28;
	v5 =	vadd.f32 $1.000000000e+00, v12;
	v4 =	vld [tilespmem:s11+$0x10780];
	v11 =	vpop (erf);
	(erf) = vrcp.f32 v13  }
0x84: {  	v10 =	vadd.f32 v10, v10;
	v13 =	vadd.f32 v3, v3;
	v12 =	vld [tilespmem:s11+$0x27C0];
	(erf) = vpow2.f32 v26;
	v18 =	vpop (erf)  }
0x85: {  	v0 =	vmovc v23;
	v15 =	vadd.f32 $1.000000000e+00, v15;
	v26 =	vadd.f32 v28, v28;
	v20 =	vld [tilespmem:s11+$0x27F0];
	(erf) = vrcp.f32 v5  }
0x86: {  	v23 =	vadd.f32 $1.000000000e+00, v1;
	v10 =	vsub.f32 $1.000000000e+00, v10;
	v13 =	vmul.f32 $1.442695020e+00, v13;
	v3 =	vld [tilespmem:s11+$0x27B0]  }
0x87: {  	v11 =	vadd.f32 v11, v11;
	v5 =	vld [tilespmem:s11+$0x107A0];
	v14 =	vmul.f32 v14, v16;
	v16 =	vadd.f32 $1.000000000e+00, v18  }
0x88: {  	v8 =	vsub.f32 $1.000000000e+00, v8;
	v26 =	vmul.f32 $1.442695020e+00, v26;
	v28 =	vld [tilespmem:s11+$0x2780];
	(erf) = vpow2.f32 v13;
	v1 =	vpop (erf);
	[tilespmem:s17+$0x17790] =	vst v10  }
0x89: {  	v13 =	vld [tilespmem:s11+$0x97A0];
	v10 =	vmul.f32 v27, v12;
	v12 =	vadd.f32 v22, v14;
	(erf) = vpow2.f32 v17  }
0x8a: {  	v17 =	vadd.f32 $1.000000000e+00, v21;
	v14 =	vsub.f32 $1.000000000e+00, v24;
	v22 =	vld [tilespmem:s11+$0x27A0];
	v9 =	vmul.f32 v9, v20;
	v27 =	vpop (erf);
	[tilespmem:s17+$0x177D0] =	vst v8  }
0x8b: {  	v24 =	vld [tilespmem:s11+$0x9780];
	v18 =	vadd.f32 v25, v10;
	v25 =	vpop (erf);
	(erf) = vrcp.f32 v6;
	v6 =	vsub.f32 $1.000000000e+00, v7  }
0x8c: {  	v20 =	vsub.f32 $1.000000000e+00, v11;
	v10 =	vld [tilespmem:s11+$0x2790];
	v7 =	vadd.f32 v19, v9;
	(erf) = vrcp.f32 v16;
	v11 =	vpop (erf);
	[tilespmem:s17+$0x177A0] =	vst v14  }
.Ltmp0:
0x8d: {  	v14 =	vadd.f32 v12, v12;
	v8 =	vld [tilespmem:s11+$0x97B0];
	v18 =	vadd.f32 v18, v18;
	v12 =	vpop (erf);
	(erf) = vrcp.f32 v15;
	[tilespmem:s17+$0x177E0] =	vst v6;
	s17 =	smov.u32 s16;
	s16 =	smov.u32 s18;
	(pc) =	sbr.rel @p1 .LBB2_3-.Ltmp0, $4  }
0x8e: {  	s18 =	smov.u32 s11;
	v19 =	vld [tilespmem:s11+$0x9790];
	v6 =	vadd.f32 v7, v7;
	[tilespmem:s17+$0x17780] =	vst v20;
	v7 =	vadd.f32 v11, v11;
	(erf) = vrcp.f32 v17;
	v9 =	vpop (erf)  }
0x8f: {  	v21 =	vadd.f32 $1.000000000e+00, v12;
	v17 =	vld [tilespmem:s18+$0x10790];
	v20 =	vmul.f32 v13, v22;
	(erf) = vrcp.f32 v23  }
0x90: {  	v11 =	vld [tilespmem:s18+$0x27D0];
	v16 =	vmul.f32 $1.442695020e+00, v6;
	(erf) = vpow2.f32 v26;
	v7 =	vsub.f32 $1.000000000e+00, v7  }
0x91: {  	v13 =	vadd.f32 $1.000000000e+00, v25;
	v22 =	vmul.f32 v24, v28;
	v6 =	vadd.f32 $1.000000000e+00, v27;
	v15 =	vld [tilespmem:s18+$0x97D0];
	v12 =	vpop (erf)  }
0x92: {  	(erf) = vrcp.f32 v21  }
0x93: {  	v23 =	vld [tilespmem:s18+$0x107B0];
	v14 =	vmul.f32 $1.442695020e+00, v14;
	v3 =	vmul.f32 v8, v3  }
0x94: {  	v4 =	vadd.f32 v4, v22;
	(erf) = vpow2.f32 v2;
	v8 =	vmul.f32 v19, v10  }
0x95: {  	v18 =	vmul.f32 $1.442695020e+00, v18;
	v2 =	vpop (erf)  }
0x96: {  	(erf) = vpow2.f32 v14;
	v10 =	vpop (erf);
	v4 =	vadd.f32 v4, v4;
	v8 =	vadd.f32 v17, v8  }
0x97: {  	(erf) = vpow2.f32 v16;
	v14 =	vpop (erf)  }
0x98: {  	(erf) = vpow2.f32 v18;
	v4 =	vmul.f32 $1.442695020e+00, v4;
	v3 =	vadd.f32 v23, v3;
	v16 =	vpop (erf)  }
0x99: {  	v12 =	vadd.f32 $1.000000000e+00, v12;
	(erf) = vrcp.f32 v13;
	v13 =	vpop (erf)  }
0x9a: {  	v3 =	vadd.f32 v3, v3;
	(erf) = vpow2.f32 v4;
	v4 =	vadd.f32 v8, v8;
	v8 =	vpop (erf)  }
0x9b: {  	v11 =	vmul.f32 v15, v11;
	v15 =	vpop (erf)  }
0x9c: {  	v3 =	vmul.f32 $1.442695020e+00, v3;
	v17 =	vpop (erf)  }
0x9d: {  	(erf) = vrcp.f32 v12;
	v4 =	vmul.f32 $1.442695020e+00, v4;
	v12 =	vpop (erf)  }
0x9e: {  	v0 =	vadd.f32 v0, v11;
	(erf) = vpow2.f32 v3;
	v3 =	vadd.f32 $1.000000000e+00, v12  }
0x9f: {  	v11 =	vpop (erf);
	(erf) = vpow2.f32 v4;
	v4 =	vadd.f32 v5, v20;
	v5 =	vadd.f32 $1.000000000e+00, v15  }
0xa0: {  	v12 =	vpop (erf)  }
0xa1: {  	v0 =	vadd.f32 v0, v0;
	(erf) = vrcp.f32 v6;
	v6 =	vpop (erf)  }
0xa2: {  	v1 =	vadd.f32 $1.000000000e+00, v1;
	v2 =	vadd.f32 $1.000000000e+00, v2;
	(erf) = vrcp.f32 v3;
	v3 =	vpop (erf)  }
0xa3: {  	v0 =	vmul.f32 $1.442695020e+00, v0;
	v4 =	vadd.f32 v4, v4;
	(erf) = vrcp.f32 v5;
	v5 =	vpop (erf)  }
0xa4: {  	(erf) = vrcp.f32 v2;
	v2 =	vadd.f32 $1.000000000e+00, v5  }
0xa5: {  	(erf) = vrcp.f32 v1;
	v1 =	vmul.f32 $1.442695020e+00, v4  }
0xa6: {  	(erf) = vpow2.f32 v0  }
0xa7: {  	v0 =	vpop (erf);
	(erf) = vrcp.f32 v2  }
0xa8: {  	v2 =	vpop (erf);
	(erf) = vpow2.f32 v1  }
0xa9: {  	v1 =	vpop (erf)  }
0xaa: {  	v14 =	vadd.f32 v14, v14;
	v5 =	vpop (erf)  }
0xab: {  	v4 =	vadd.f32 v9, v9;
	v9 =	vadd.f32 v10, v10;
	v10 =	vpop (erf)  }
0xac: {  	v16 =	vadd.f32 v16, v16;
	v13 =	vadd.f32 v13, v13;
	v15 =	vpop (erf)  }
0xad: {  	v8 =	vadd.f32 v8, v8;
	v6 =	vadd.f32 $1.000000000e+00, v6;
	v18 =	vpop (erf)  }
0xae: {  	[tilespmem:s17+$0x177C0] =	vst v7;
	v7 =	vsub.f32 $1.000000000e+00, v16;
	v13 =	vsub.f32 $1.000000000e+00, v13;
	v19 =	vpop (erf)  }
0xaf: {  	v12 =	vadd.f32 $1.000000000e+00, v12;
	v3 =	vadd.f32 v3, v3;
	v20 =	vpop (erf)  }
0xb0: {  	v4 =	vsub.f32 $1.000000000e+00, v4;
	v2 =	vadd.f32 $1.000000000e+00, v2;
	v21 =	vpop (erf)  }
0xb1: {  	[tilespmem:s17+$0x177D0] =	vst v7;
	v9 =	vsub.f32 $1.000000000e+00, v9;
	v0 =	vadd.f32 v0, v0;
	(erf) = vrcp.f32 v6;
	v6 =	vpop (erf)  }
0xb2: {  	[tilespmem:s17+$0x177B0] =	vst v4;
	v4 =	vadd.f32 v17, v17;
	(erf) = vrcp.f32 v2;
	v2 =	vadd.f32 $1.000000000e+00, v6  }
0xb3: {  	[tilespmem:s17+$0x177F0] =	vst v9;
	(erf) = vrcp.f32 v12;
	v9 =	vadd.f32 $1.000000000e+00, v20;
	v6 =	vsub.f32 $1.000000000e+00, v14  }
0xb4: {  	[tilespmem:s17+$0x17790] =	vst v13;
	v1 =	vadd.f32 $1.000000000e+00, v1;
	(erf) = vrcp.f32 v2;
	v2 =	vsub.f32 $1.000000000e+00, v8  }
0xb5: {  	v3 =	vsub.f32 $1.000000000e+00, v3;
	v4 =	vsub.f32 $1.000000000e+00, v4;
	[tilespmem:s17+$0x177A0] =	vst v6;
	(erf) = vrcp.f32 v9  }
0xb6: {  	v0 =	vsub.f32 $1.000000000e+00, v0;
	(erf) = vrcp.f32 v1;
	[tilespmem:s17+$0x177E0] =	vst v2;
	v1 =	vadd.f32 v5, v5  }
0xb7: {  	v2 =	vadd.f32 $1.000000000e+00, v11;
	[tilespmem:s16+$0x17780] =	vst v4;
	v4 =	vadd.f32 v18, v18  }
0xb8: {  	[tilespmem:s16+$0x177B0] =	vst v0;
	v0 =	vsub.f32 $1.000000000e+00, v1;
	v1 =	vadd.f32 v15, v15  }
0xb9: {  	[tilespmem:s16+$0x177C0] =	vst v3;
	v3 =	vsub.f32 $1.000000000e+00, v4  }
0xba: {  	v5 =	vadd.f32 v19, v19;
	(erf) = vrcp.f32 v2  }
0xbb: {  	v2 =	vadd.f32 v10, v10;
	v4 =	vpop (erf)  }
0xbc: {  	[tilespmem:s16+$0x177F0] =	vst v0;
	v0 =	vsub.f32 $1.000000000e+00, v1;
	v1 =	vpop (erf)  }
0xbd: {  	v6 =	vadd.f32 v21, v21;
	v2 =	vsub.f32 $1.000000000e+00, v2;
	[tilespmem:s16+$0x17790] =	vst v3;
	v3 =	vpop (erf)  }
0xbe: {  	[tilespmem:s16+$0x177D0] =	vst v0;
	v0 =	vsub.f32 $1.000000000e+00, v5;
	v1 =	vadd.f32 v1, v1;
	v5 =	vpop (erf)  }
0xbf: {  	v6 =	vsub.f32 $1.000000000e+00, v6;
	[tilespmem:s16+$0x177A0] =	vst v2;
	v2 =	vadd.f32 v4, v4;
	v4 =	vpop (erf)  }
0xc0: {  	[tilespmem:s16+$0x177E0] =	vst v0;
	v0 =	vsub.f32 $1.000000000e+00, v1;
	v1 =	vadd.f32 v3, v3;
	v3 =	vpop (erf)  }
0xc1: {  	v2 =	vsub.f32 $1.000000000e+00, v2;
	[tilespmem:s18+$0x17780] =	vst v6;
	v3 =	vadd.f32 v3, v3  }
0xc2: {  	[tilespmem:s18+$0x177B0] =	vst v0;
	v0 =	vsub.f32 $1.000000000e+00, v1;
	v1 =	vadd.f32 v4, v4  }
0xc3: {  	[tilespmem:s18+$0x177C0] =	vst v2;
	v4 =	vadd.f32 v5, v5;
	v5 =	vpop (erf);
	v2 =	vsub.f32 $1.000000000e+00, v3  }
0xc4: {  	v3 =	vadd.f32 v5, v5;
	[tilespmem:s18+$0x177F0] =	vst v0;
	v0 =	vsub.f32 $1.000000000e+00, v1  }
0xc5: {  	v1 =	vsub.f32 $1.000000000e+00, v4;
	[tilespmem:s18+$0x17790] =	vst v2  }
0xc6: {  	[tilespmem:s18+$0x177D0] =	vst v0;
	v0 =	vsub.f32 $1.000000000e+00, v3  }
0xc7: {  	s10 =	sshll.u32 s19, $0x4;
	[tilespmem:s18+$0x177A0] =	vst v1  }
0xc8: {  	s19 =	sadd.s32 $0xE0, s15;
	s10 =	sadd.s32 s5, s10;
	[tilespmem:s18+$0x177E0] =	vst v0  }
0xc9: {  	[hbm4b:s10+s6] =	stream.linear.scatter [tilespmem:s31], [sflag:$0x7], $0x3800, $0x38;
	[tilespmem:$0x1E780] =	vst v63  }
0xca: {  	s10 =	sadd.s32 s7, s19  }
0xcb: {  	s10 =	sshll.u32 s10, $0x4  }
0xcc: {  	[tilespmem:s21], [sflag:$0x1] =	stream.indirect.gather [hbm4b:s1+s20], $0x80, s19, s20, $0xb8;
	[tilespmem:$0x1E780] =	vst v63  }
0xcd: {  	s11 =	sadd.s32 s2, s10  }
0xce: {  	[tilespmem:s22], [sflag:$0x3] =	stream.linear.gather [hbm4b:s11+s6], $0x3800, $0x38;
	[tilespmem:$0x1E780] =	vst v63  }
0xcf: {  	s10 =	sadd.s32 s4, s10  }
0xd0: {  	[tilespmem:s23], [sflag:$0x5] =	stream.linear.gather [hbm4b:s10+s6], $0x3800, $0x38;
	[tilespmem:$0x1E780] =	vst v63  }
0xd1: {  	_ =	swait.ge [sflag:s3], $0x3800  }
0xd2: {  	[sflag:s3] =	ssyncset.done $0x0  }
0xd3: {  	[sflag:s3] =	ssyncadd.s32 $0xFFFFC800  }
0xd4: {  	_ =	swait.ge [sflag:s0], $0x3800  }
0xd5: {  	[sflag:s0] =	ssyncset.done $0x0  }
0xd6: {  	[sflag:s0] =	ssyncadd.s32 $0xFFFFC800  }
0xd7: {  	_ =	swait.ge [sflag:s8], $0x3800  }
0xd8: {  	[sflag:s8] =	ssyncset.done $0x0  }
0xd9: {  	s10 =	simm.s32 @!p0 $0x8;
	[sflag:s8] =	ssyncadd.s32 $0xFFFFC800  }
0xda: {  	_ =	swait.ge @!p0 [sflag:s10], $0x3800  }
0xdb: {  	[sflag:s10] =	ssyncset.done @!p0 $0x0  }
0xdc: {  	s17 =	simm.s32 $0x0;
	[sflag:s10] =	ssyncadd.s32 @!p0 $0xFFFFC800  }
0xdd: {  	v0 =	vld [tilespmem:s17+$0x13FD0]  }
0xde: {  	v1 =	vld [tilespmem:s17+$0x13FE0]  }
0xdf: {  	v2 =	vld [tilespmem:s17+$0x13FF0]  }
0xe0: {  	v3 =	vld [tilespmem:s17+$0x13FC0]  }
0xe1: {  	v4 =	vld [tilespmem:s17+$0xCFF0]  }
0xe2: {  	v5 =	vld [tilespmem:s17+$0xCFE0]  }
0xe3: {  	v6 =	vld [tilespmem:s17+$0xCFC0]  }
0xe4: {  	v7 =	vld [tilespmem:s17+$0x5FE0]  }
0xe5: {  	v8 =	vld [tilespmem:s17+$0x13F80]  }
0xe6: {  	v9 =	vld [tilespmem:s17+$0x5FC0]  }
0xe7: {  	v10 =	vld [tilespmem:s17+$0x5FF0]  }
0xe8: {  	v11 =	vld [tilespmem:s17+$0x5FB0]  }
0xe9: {  	v12 =	vld [tilespmem:s17+$0x13FA0]  }
0xea: {  	v13 =	vld [tilespmem:s17+$0x5F80]  }
0xeb: {  	v14 =	vld [tilespmem:s17+$0xCFA0]  }
0xec: {  	v15 =	vld [tilespmem:s17+$0x5FA0]  }
0xed: {  	v16 =	vld [tilespmem:s17+$0xCF80]  }
0xee: {  	v17 =	vld [tilespmem:s17+$0x5F90]  }
0xef: {  	v18 =	vld [tilespmem:s17+$0xCFB0]  }
0xf0: {  	v19 =	vld [tilespmem:s17+$0xCF90]  }
0xf1: {  	v20 =	vld [tilespmem:s17+$0x13F90]  }
0xf2: {  	v21 =	vld [tilespmem:s17+$0x5FD0]  }
0xf3: {  	v22 =	vld [tilespmem:s17+$0xCFD0]  }
0xf4: {  	s16 =	simm.s32 $0x80;
	v23 =	vld [tilespmem:s17+$0x13FB0]  }
0xf5: {  	v24 =	vld [tilespmem:s16+$0x13FD0]  }
0xf6: {  	v25 =	vld [tilespmem:s16+$0x13FE0]  }
0xf7: {  	v26 =	vld [tilespmem:s16+$0x13FF0]  }
0xf8: {  	s18 =	simm.s32 $0x100;
	v27 =	vld [tilespmem:s16+$0xCFF0]  }
0xf9: {  	v61 =	vld [tilespmem:s18+$0x5F80];
	v5 =	vmul.f32 v5, v7  }
0xfa: {  	v7 =	vld [tilespmem:s16+$0x13FC0];
	v4 =	vmul.f32 v4, v10  }
0xfb: {  	v6 =	vmul.f32 v6, v9;
	v9 =	vld [tilespmem:s16+$0xCFC0];
	v1 =	vadd.f32 v1, v5  }
0xfc: {  	v10 =	vld [tilespmem:s16+$0x5FE0];
	v11 =	vmul.f32 v18, v11;
	v2 =	vadd.f32 v2, v4;
	v4 =	vmul.f32 v16, v13  }
0xfd: {  	v17 =	vmul.f32 v19, v17;
	v18 =	vld [tilespmem:s16+$0xCF80];
	v3 =	vadd.f32 v3, v6;
	v1 =	vadd.f32 v1, v1  }
0xfe: {  	v19 =	vmul.f32 v22, v21;
	v21 =	vld [tilespmem:s16+$0xCFD0];
	v2 =	vadd.f32 v2, v2;
	v4 =	vadd.f32 v8, v4  }
0xff: {  	v5 =	vld [tilespmem:s16+$0xCFE0];
	v3 =	vadd.f32 v3, v3;
	v1 =	vmul.f32 $1.442695020e+00, v1  }
0x100: {  	v6 =	vld [tilespmem:s16+$0x13F80];
	v2 =	vmul.f32 $1.442695020e+00, v2;
	v4 =	vadd.f32 v4, v4  }
0x101: {  	v13 =	vld [tilespmem:s16+$0x5FF0];
	v3 =	vmul.f32 $1.442695020e+00, v3;
	(erf) = vpow2.f32 v1  }
0x102: {  	v16 =	vld [tilespmem:s16+$0x13FA0];
	v11 =	vadd.f32 v23, v11;
	v4 =	vmul.f32 $1.442695020e+00, v4;
	(erf) = vpow2.f32 v2  }
0x103: {  	v17 =	vadd.f32 v20, v17;
	v20 =	vld [tilespmem:s16+$0x5F90];
	(erf) = vpow2.f32 v3  }
0x104: {  	v8 =	vld [tilespmem:s16+$0x5FC0];
	v11 =	vadd.f32 v11, v11;
	(erf) = vpow2.f32 v4  }
0x105: {  	v0 =	vadd.f32 v0, v19;
	v19 =	vld [tilespmem:s16+$0xCF90]  }
0x106: {  	v14 =	vmul.f32 v14, v15;
	v15 =	vadd.f32 v17, v17;
	v17 =	vld [tilespmem:s16+$0xCFB0];
	v11 =	vmul.f32 $1.442695020e+00, v11  }
0x107: {  	v5 =	vmul.f32 v5, v10;
	v1 =	vld [tilespmem:s16+$0x5FB0]  }
0x108: {  	v12 =	vadd.f32 v12, v14;
	v14 =	vmul.f32 $1.442695020e+00, v15;
	v2 =	vld [tilespmem:s16+$0x5F80]  }
0x109: {  	v0 =	vadd.f32 v0, v0;
	v8 =	vmul.f32 v9, v8;
	v5 =	vadd.f32 v25, v5;
	v3 =	vld [tilespmem:s16+$0xCFA0]  }
0x10a: {  	v12 =	vadd.f32 v12, v12;
	v13 =	vmul.f32 v27, v13;
	v4 =	vld [tilespmem:s16+$0x5FA0];
	(erf) = vpow2.f32 v11;
	v11 =	vpop (erf)  }
0x10b: {  	v23 =	vld [tilespmem:s16+$0x13FB0];
	v22 =	vmul.f32 $1.442695020e+00, v0;
	v7 =	vadd.f32 v7, v8;
	v5 =	vadd.f32 v5, v5;
	v9 =	vpop (erf)  }
0x10c: {  	v15 =	vld [tilespmem:s16+$0x5FD0];
	v12 =	vmul.f32 $1.442695020e+00, v12;
	v13 =	vadd.f32 v26, v13;
	(erf) = vpow2.f32 v14;
	v14 =	vpop (erf)  }
0x10d: {  	v10 =	vld [tilespmem:s16+$0x13F90];
	v7 =	vadd.f32 v7, v7;
	v5 =	vmul.f32 $1.442695020e+00, v5;
	v1 =	vmul.f32 v17, v1;
	v8 =	vpop (erf)  }
0x10e: {  	v0 =	vld [tilespmem:s18+$0x13FD0];
	(erf) = vpow2.f32 v22;
	v2 =	vmul.f32 v18, v2;
	v8 =	vadd.f32 $1.000000000e+00, v8  }
0x10f: {  	v17 =	vld [tilespmem:s18+$0xCFC0];
	v7 =	vmul.f32 $1.442695020e+00, v7;
	v3 =	vmul.f32 v3, v4;
	v4 =	vadd.f32 v13, v13  }
0x110: {  	v18 =	vld [tilespmem:s18+$0x13FF0];
	v2 =	vadd.f32 v6, v2;
	v6 =	vmul.f32 v19, v20;
	(erf) = vrcp.f32 v8  }
0x111: {  	v1 =	vadd.f32 v23, v1;
	v3 =	vadd.f32 v16, v3;
	v16 =	vld [tilespmem:s18+$0xCFE0];
	(erf) = vpow2.f32 v12  }
0x112: {  	v4 =	vmul.f32 $1.442695020e+00, v4;
	v2 =	vadd.f32 v2, v2;
	v6 =	vadd.f32 v10, v6;
	v10 =	vld [tilespmem:s18+$0x5FE0]  }
0x113: {  	v13 =	vld [tilespmem:s18+$0x13FE0];
	v1 =	vadd.f32 v1, v1;
	(erf) = vpow2.f32 v5;
	v5 =	vmul.f32 v21, v15  }
0x114: {  	v14 =	vadd.f32 $1.000000000e+00, v14;
	v8 =	vld [tilespmem:s18+$0x13FC0];
	v15 =	vmul.f32 $1.442695020e+00, v2;
	(erf) = vpow2.f32 v4  }
0x115: {  	v1 =	vmul.f32 $1.442695020e+00, v1;
	v3 =	vadd.f32 v3, v3;
	v19 =	vpop (erf);
	(erf) = vpow2.f32 v7;
	v7 =	vld [tilespmem:s18+$0x5FC0]  }
0x116: {  	v6 =	vadd.f32 v6, v6;
	v19 =	vadd.f32 $1.000000000e+00, v19;
	v12 =	vld [tilespmem:s18+$0xCFF0];
	(erf) = vrcp.f32 v14  }
0x117: {  	v20 =	vpop (erf);
	v10 =	vmul.f32 v16, v10;
	v5 =	vadd.f32 v24, v5;
	v14 =	vld [tilespmem:s18+$0x5FF0];
	(erf) = vpow2.f32 v15  }
0x118: {  	v9 =	vadd.f32 $1.000000000e+00, v9;
	v6 =	vmul.f32 $1.442695020e+00, v6;
	v2 =	vmul.f32 $1.442695020e+00, v3;
	v3 =	vld [tilespmem:s18+$0x5FB0];
	v15 =	vpop (erf)  }
0x119: {  	v13 =	vadd.f32 v13, v10;
	v10 =	vld [tilespmem:s18+$0x5F90];
	v21 =	vadd.f32 v5, v5;
	v22 =	vpop (erf);
	(erf) = vrcp.f32 v19  }
0x11a: {  	v4 =	vld [tilespmem:s18+$0x13F80];
	v23 =	vadd.f32 $1.000000000e+00, v15;
	v7 =	vmul.f32 v17, v7;
	v15 =	vpop (erf);
	(erf) = vpow2.f32 v1  }
0x11b: {  	v19 =	vld [tilespmem:s18+$0xCFA0];
	v16 =	vadd.f32 v22, v22;
	v22 =	vmul.f32 $1.442695020e+00, v21;
	(erf) = vpow2.f32 v6  }
0x11c: {  	v21 =	vld [tilespmem:s18+$0x5FA0];
	v15 =	vadd.f32 $1.000000000e+00, v15;
	v1 =	vpop (erf);
	v6 =	vmul.f32 v12, v14;
	v7 =	vadd.f32 v8, v7  }
0x11d: {  	v11 =	vadd.f32 $1.000000000e+00, v11;
	v5 =	vld [tilespmem:s18+$0x13FA0];
	v14 =	vadd.f32 $1.000000000e+00, v20;
	v62 =	vpop (erf);
	(erf) = vrcp.f32 v9  }
0x11e: {  	v12 =	vld [tilespmem:s18+$0xCF80];
	v9 =	vsub.f32 $1.000000000e+00, v16;
	v63 =	vpop (erf);
	v6 =	vadd.f32 v18, v6;
	(erf) = vrcp.f32 v15  }
0x11f: {  	v8 =	vld [tilespmem:s18+$0xCFB0];
	v18 =	vadd.f32 v7, v7;
	v15 =	vadd.f32 v13, v13;
	v16 =	vpop (erf);
	(erf) = vrcp.f32 v23  }
0x120: {  	v20 =	vld [tilespmem:s18+$0xCF90];
	[tilespmem:s17+$0x1AF80] =	vst v9;
	v7 =	vpop (erf);
	v6 =	vadd.f32 v6, v6;
	v13 =	vadd.f32 v16, v16;
	(erf) = vrcp.f32 v14  }
0x121: {  	v17 =	vld [tilespmem:s18+$0x13F90];
	v19 =	vmul.f32 v19, v21;
	v21 =	vadd.f32 $1.000000000e+00, v7;
	(erf) = vrcp.f32 v11  }
0x122: {  	v14 =	vld [tilespmem:s18+$0xCFD0];
	v16 =	vmul.f32 $1.442695020e+00, v6;
	(erf) = vpow2.f32 v22;
	v7 =	vsub.f32 $1.000000000e+00, v13;
	v9 =	vpop (erf)  }
0x123: {  	s19 =	sadd.s32 s15, s13;
	s10 =	simm.s32 $0x600;
	v11 =	vld [tilespmem:s18+$0x5FD0];
	v22 =	vmul.f32 v12, v61;
	v13 =	vadd.f32 $1.000000000e+00, v63;
	v6 =	vadd.f32 $1.000000000e+00, v62;
	v12 =	vpop (erf)  }
.LBB2_5:
0x124: {  	s11 =	sshra.s32 s10, $0x2;
	p0 =	sne.s32 s10, $0xDE00;
	s10 =	sadd.s32 $0x200, s10;
	v5 =	vadd.f32 v5, v19;
	v19 =	vld [tilespmem:s18+$0x13FB0];
	(erf) = vrcp.f32 v21;
	v21 =	vpop (erf);
	v9 =	vadd.f32 v9, v9  }
0x125: {  	v18 =	vmul.f32 $1.442695020e+00, v18;
	v23 =	vld [tilespmem:s11+$0x13FD0];
	v4 =	vadd.f32 v4, v22;
	(erf) = vpow2.f32 v2  }
0x126: {  	v2 =	vmul.f32 v20, v10;
	v22 =	vld [tilespmem:s11+$0x13FE0];
	v26 =	vadd.f32 v5, v5;
	v9 =	vsub.f32 $1.000000000e+00, v9;
	v10 =	vpop (erf)  }
0x127: {  	v15 =	vmul.f32 $1.442695020e+00, v15;
	v20 =	vld [tilespmem:s11+$0x13FF0];
	v4 =	vadd.f32 v4, v4;
	v27 =	vadd.f32 v10, v10;
	v24 =	vpop (erf)  }
0x128: {  	v17 =	vadd.f32 v17, v2;
	v25 =	vld [tilespmem:s11+$0x13FC0];
	v2 =	vmul.f32 $1.442695020e+00, v26;
	v24 =	vadd.f32 v24, v24;
	[tilespmem:s17+$0x1AFB0] =	vst v9;
	v5 =	vpop (erf)  }
0x129: {  	v9 =	vld [tilespmem:s11+$0xCFF0];
	v26 =	vmul.f32 $1.442695020e+00, v4;
	(erf) = vpow2.f32 v15;
	v4 =	vsub.f32 $1.000000000e+00, v27;
	v10 =	vpop (erf)  }
0x12a: {  	v3 =	vmul.f32 v8, v3;
	v17 =	vadd.f32 v17, v17;
	v8 =	vadd.f32 v5, v5;
	v15 =	vld [tilespmem:s11+$0xCFE0];
	v5 =	vpop (erf)  }
0x12b: {  	v28 =	vmul.f32 v14, v11;
	v27 =	vld [tilespmem:s11+$0xCFC0];
	(erf) = vpow2.f32 v16;
	v14 =	vpop (erf);
	[tilespmem:s17+$0x1AFC0] =	vst v7;
	v7 =	vadd.f32 v5, v5  }
0x12c: {  	v3 =	vadd.f32 v19, v3;
	v17 =	vmul.f32 $1.442695020e+00, v17;
	v16 =	vld [tilespmem:s11+$0x5FE0];
	(erf) = vpow2.f32 v18;
	[tilespmem:s17+$0x1AFF0] =	vst v4  }
0x12d: {  	v28 =	vadd.f32 v0, v28;
	v5 =	vadd.f32 $1.000000000e+00, v12;
	v4 =	vld [tilespmem:s11+$0x13F80];
	v11 =	vpop (erf);
	(erf) = vrcp.f32 v13  }
0x12e: {  	v10 =	vadd.f32 v10, v10;
	v13 =	vadd.f32 v3, v3;
	v12 =	vld [tilespmem:s11+$0x5FC0];
	(erf) = vpow2.f32 v26;
	v18 =	vpop (erf)  }
0x12f: {  	v0 =	vmovc v23;
	v14 =	vadd.f32 $1.000000000e+00, v14;
	v26 =	vadd.f32 v28, v28;
	v19 =	vld [tilespmem:s11+$0x5FF0];
	(erf) = vrcp.f32 v5  }
0x130: {  	v23 =	vadd.f32 $1.000000000e+00, v1;
	v10 =	vsub.f32 $1.000000000e+00, v10;
	v13 =	vmul.f32 $1.442695020e+00, v13;
	v3 =	vld [tilespmem:s11+$0x5FB0]  }
0x131: {  	v11 =	vadd.f32 v11, v11;
	v5 =	vld [tilespmem:s11+$0x13FA0];
	v15 =	vmul.f32 v15, v16;
	v16 =	vadd.f32 $1.000000000e+00, v18  }
0x132: {  	v8 =	vsub.f32 $1.000000000e+00, v8;
	v26 =	vmul.f32 $1.442695020e+00, v26;
	v28 =	vld [tilespmem:s11+$0x5F80];
	(erf) = vpow2.f32 v13;
	v1 =	vpop (erf);
	[tilespmem:s17+$0x1AF90] =	vst v10  }
0x133: {  	v13 =	vld [tilespmem:s11+$0xCFA0];
	v10 =	vmul.f32 v27, v12;
	v12 =	vadd.f32 v22, v15;
	(erf) = vpow2.f32 v17  }
0x134: {  	v17 =	vadd.f32 $1.000000000e+00, v21;
	v15 =	vsub.f32 $1.000000000e+00, v24;
	v22 =	vld [tilespmem:s11+$0x5FA0];
	v9 =	vmul.f32 v9, v19;
	v27 =	vpop (erf);
	[tilespmem:s17+$0x1AFD0] =	vst v8  }
0x135: {  	v24 =	vld [tilespmem:s11+$0xCF80];
	v18 =	vadd.f32 v25, v10;
	v25 =	vpop (erf);
	(erf) = vrcp.f32 v6;
	v6 =	vsub.f32 $1.000000000e+00, v7  }
0x136: {  	v19 =	vsub.f32 $1.000000000e+00, v11;
	v10 =	vld [tilespmem:s11+$0x5F90];
	v7 =	vadd.f32 v20, v9;
	(erf) = vrcp.f32 v16;
	v11 =	vpop (erf);
	[tilespmem:s17+$0x1AFA0] =	vst v15  }
.Ltmp1:
0x137: {  	v15 =	vadd.f32 v12, v12;
	v8 =	vld [tilespmem:s11+$0xCFB0];
	v18 =	vadd.f32 v18, v18;
	v12 =	vpop (erf);
	(erf) = vrcp.f32 v14;
	[tilespmem:s17+$0x1AFE0] =	vst v6;
	s17 =	smov.u32 s16;
	s16 =	smov.u32 s18;
	(pc) =	sbr.rel @p0 .LBB2_5-.Ltmp1, $4  }
0x138: {  	s18 =	smov.u32 s11;
	v20 =	vld [tilespmem:s11+$0xCF90];
	v6 =	vadd.f32 v7, v7;
	[tilespmem:s17+$0x1AF80] =	vst v19;
	v7 =	vadd.f32 v11, v11;
	(erf) = vrcp.f32 v17;
	v9 =	vpop (erf)  }
0x139: {  	v21 =	vadd.f32 $1.000000000e+00, v12;
	v17 =	vld [tilespmem:s18+$0x13F90];
	v19 =	vmul.f32 v13, v22;
	(erf) = vrcp.f32 v23  }
0x13a: {  	v11 =	vld [tilespmem:s18+$0x5FD0];
	v16 =	vmul.f32 $1.442695020e+00, v6;
	(erf) = vpow2.f32 v26;
	v7 =	vsub.f32 $1.000000000e+00, v7  }
0x13b: {  	v13 =	vadd.f32 $1.000000000e+00, v25;
	v22 =	vmul.f32 v24, v28;
	v6 =	vadd.f32 $1.000000000e+00, v27;
	v14 =	vld [tilespmem:s18+$0xCFD0];
	v12 =	vpop (erf)  }
0x13c: {  	v23 =	vld [tilespmem:s18+$0x13FB0]  }
0x13d: {  	(erf) = vrcp.f32 v21;
	v15 =	vmul.f32 $1.442695020e+00, v15;
	v4 =	vadd.f32 v4, v22  }
0x13e: {  	v18 =	vmul.f32 $1.442695020e+00, v18;
	(erf) = vpow2.f32 v2  }
0x13f: {  	v35 =	vpop (erf);
	v3 =	vmul.f32 v8, v3;
	(erf) = vpow2.f32 v15;
	v4 =	vadd.f32 v4, v4  }
0x140: {  	v36 =	vmul.f32 v20, v10;
	v37 =	vpop (erf);
	(erf) = vpow2.f32 v16  }
0x141: {  	v38 =	vpop (erf);
	(erf) = vpow2.f32 v18;
	v4 =	vmul.f32 $1.442695020e+00, v4;
	v3 =	vadd.f32 v23, v3  }
0x142: {  	v8 =	vadd.f32 v17, v36;
	v39 =	vpop (erf);
	(erf) = vrcp.f32 v13  }
0x143: {  	v40 =	vpop (erf);
	v3 =	vadd.f32 v3, v3;
	(erf) = vpow2.f32 v4  }
0x144: {  	v12 =	vadd.f32 $1.000000000e+00, v12;
	v41 =	vadd.f32 v8, v8;
	v42 =	vpop (erf)  }
0x145: {  	v11 =	vmul.f32 v14, v11;
	v43 =	vpop (erf);
	v3 =	vmul.f32 $1.442695020e+00, v3  }
0x146: {  	v4 =	vmul.f32 $1.442695020e+00, v41;
	(erf) = vrcp.f32 v12;
	v44 =	vpop (erf)  }
0x147: {  	v45 =	vpop (erf);
	(erf) = vpow2.f32 v3  }
0x148: {  	v0 =	vadd.f32 v0, v11;
	v46 =	vadd.f32 $1.000000000e+00, v45;
	v47 =	vpop (erf);
	(erf) = vpow2.f32 v4  }
0x149: {  	v48 =	vadd.f32 v5, v19;
	v49 =	vadd.f32 $1.000000000e+00, v43;
	v50 =	vpop (erf);
	(erf) = vrcp.f32 v6  }
0x14a: {  	v2 =	vadd.f32 $1.000000000e+00, v35;
	v0 =	vadd.f32 v0, v0;
	v51 =	vpop (erf);
	(erf) = vrcp.f32 v46  }
0x14b: {  	v1 =	vadd.f32 $1.000000000e+00, v1;
	v52 =	vpop (erf);
	(erf) = vrcp.f32 v49  }
0x14c: {  	v0 =	vmul.f32 $1.442695020e+00, v0;
	v4 =	vadd.f32 v48, v48;
	v53 =	vpop (erf);
	(erf) = vrcp.f32 v2  }
0x14d: {  	v54 =	vadd.f32 $1.000000000e+00, v53;
	(erf) = vrcp.f32 v1  }
0x14e: {  	v55 =	vmul.f32 $1.442695020e+00, v4;
	(erf) = vpow2.f32 v0  }
0x14f: {  	v56 =	vpop (erf);
	(erf) = vrcp.f32 v54  }
0x150: {  	v57 =	vpop (erf);
	(erf) = vpow2.f32 v55  }
0x151: {  	v61 =	vadd.f32 v37, v37;
	v58 =	vpop (erf)  }
0x152: {  	v59 =	vadd.f32 v9, v9;
	v15 =	vadd.f32 v38, v38;
	v60 =	vpop (erf)  }
0x153: {  	v9 =	vsub.f32 $1.000000000e+00, v61;
	v16 =	vadd.f32 v39, v39;
	v62 =	vpop (erf)  }
0x154: {  	v13 =	vadd.f32 v40, v40;
	v8 =	vadd.f32 v42, v42;
	v63 =	vpop (erf)  }
0x155: {  	v32 =	vsub.f32 $1.000000000e+00, v15;
	v30 =	vsub.f32 $1.000000000e+00, v16;
	v24 =	vpop (erf)  }
0x156: {  	v13 =	vsub.f32 $1.000000000e+00, v13;
	v34 =	vsub.f32 $1.000000000e+00, v8;
	v25 =	vpop (erf)  }
0x157: {  	[tilespmem:s17+$0x1AFC0] =	vst v7;
	v28 =	vadd.f32 v44, v44;
	v6 =	vadd.f32 $1.000000000e+00, v51;
	v26 =	vpop (erf)  }
0x158: {  	[tilespmem:s17+$0x1AFF0] =	vst v9;
	v36 =	vadd.f32 $1.000000000e+00, v47;
	v2 =	vadd.f32 $1.000000000e+00, v57;
	v27 =	vpop (erf)  }
0x159: {  	[tilespmem:s17+$0x1AFA0] =	vst v32;
	v12 =	vadd.f32 $1.000000000e+00, v50;
	v4 =	vsub.f32 $1.000000000e+00, v59;
	(erf) = vrcp.f32 v6;
	v29 =	vpop (erf)  }
0x15a: {  	[tilespmem:s17+$0x1AFD0] =	vst v30;
	v3 =	vadd.f32 v52, v52;
	(erf) = vrcp.f32 v2;
	v31 =	vadd.f32 $1.000000000e+00, v29  }
0x15b: {  	[tilespmem:s17+$0x1AFB0] =	vst v4;
	v4 =	vsub.f32 $1.000000000e+00, v28;
	(erf) = vrcp.f32 v12;
	v33 =	vadd.f32 $1.000000000e+00, v26  }
0x15c: {  	[tilespmem:s17+$0x1AF90] =	vst v13;
	v0 =	vadd.f32 v56, v56;
	v1 =	vadd.f32 $1.000000000e+00, v58;
	(erf) = vrcp.f32 v31  }
0x15d: {  	[tilespmem:s17+$0x1AFE0] =	vst v34;
	v3 =	vsub.f32 $1.000000000e+00, v3;
	v35 =	vadd.f32 v60, v60;
	(erf) = vrcp.f32 v33  }
0x15e: {  	[tilespmem:s16+$0x1AF80] =	vst v4;
	v0 =	vsub.f32 $1.000000000e+00, v0;
	v40 =	vadd.f32 v62, v62;
	(erf) = vrcp.f32 v1  }
0x15f: {  	[tilespmem:s16+$0x1AFC0] =	vst v3;
	v38 =	vsub.f32 $1.000000000e+00, v35;
	v39 =	vadd.f32 v63, v63;
	(erf) = vrcp.f32 v36  }
0x160: {  	[tilespmem:s16+$0x1AFB0] =	vst v0;
	v37 =	vadd.f32 v24, v24;
	v2 =	vsub.f32 $1.000000000e+00, v40  }
0x161: {  	v43 =	vadd.f32 v25, v25;
	[tilespmem:s16+$0x1AFF0] =	vst v38;
	v44 =	vsub.f32 $1.000000000e+00, v39  }
0x162: {  	v41 =	vsub.f32 $1.000000000e+00, v37;
	[tilespmem:s16+$0x1AFA0] =	vst v2;
	v46 =	vadd.f32 v27, v27;
	v42 =	vpop (erf)  }
0x163: {  	[tilespmem:s16+$0x1AFD0] =	vst v44;
	v48 =	vsub.f32 $1.000000000e+00, v43;
	v50 =	vadd.f32 v42, v42;
	v45 =	vpop (erf)  }
0x164: {  	[tilespmem:s16+$0x1AF90] =	vst v41;
	v6 =	vsub.f32 $1.000000000e+00, v46;
	v47 =	vpop (erf);
	v1 =	vadd.f32 v45, v45  }
0x165: {  	[tilespmem:s16+$0x1AFE0] =	vst v48;
	v2 =	vsub.f32 $1.000000000e+00, v50;
	v53 =	vadd.f32 v47, v47;
	v49 =	vpop (erf)  }
0x166: {  	[tilespmem:s18+$0x1AF80] =	vst v6;
	v52 =	vsub.f32 $1.000000000e+00, v1;
	v51 =	vpop (erf);
	v57 =	vadd.f32 v49, v49  }
0x167: {  	[tilespmem:s18+$0x1AFC0] =	vst v2;
	v55 =	vsub.f32 $1.000000000e+00, v53;
	v54 =	vpop (erf);
	v56 =	vadd.f32 v51, v51  }
0x168: {  	[tilespmem:s18+$0x1AFB0] =	vst v52;
	v3 =	vadd.f32 v54, v54;
	v58 =	vpop (erf);
	v62 =	vsub.f32 $1.000000000e+00, v57  }
0x169: {  	p0 =	seq.s32 s14, $0x2B;
	[tilespmem:s18+$0x1AFF0] =	vst v55;
	v60 =	vadd.f32 v58, v58;
	v61 =	vsub.f32 $1.000000000e+00, v56  }
.Ltmp2:
0x16a: {  	v59 =	vsub.f32 $1.000000000e+00, v3;
	[tilespmem:s18+$0x1AFA0] =	vst v62;
	(pc) =	sbr.rel @p0 .LBB2_8-.Ltmp2, $4  }
0x16b: {  	[tilespmem:s18+$0x1AFD0] =	vst v61;
	v63 =	vsub.f32 $1.000000000e+00, v60  }
0x16c: {  	s10 =	sshll.u32 s19, $0x4;
	[tilespmem:s18+$0x1AF90] =	vst v59  }
0x16d: {  	s10 =	sadd.s32 s5, s10;
	[tilespmem:s18+$0x1AFE0] =	vst v63  }
0x16e: {  	[hbm4b:s10+s6] =	stream.linear.scatter [tilespmem:s9], [sflag:$0x8], $0x3800, $0x38;
	[tilespmem:$0x1E780] =	vst v63  }
0x16f: {  	s10 =	sadd.s32 $0x150, s15  }
0x170: {  	[tilespmem:s24], [sflag:$0x2] =	stream.indirect.gather [hbm4b:s1+s20], $0x80, s10, s20, $0xb8;
	[tilespmem:$0x1E780] =	vst v63  }
0x171: {  	s10 =	sadd.s32 s7, s10  }
.Ltmp3:
0x172: {  	s10 =	sshll.u32 s10, $0x4;
	(pc) =	sbr.rel .LBB2_2-.Ltmp3, $4  }
0x173: {  	s11 =	sadd.s32 s2, s10  }
0x174: {  	[tilespmem:s25], [sflag:$0x4] =	stream.linear.gather [hbm4b:s11+s6], $0x3800, $0x38;
	[tilespmem:$0x1E780] =	vst v63  }
0x175: {  	s14 =	sadd.s32 $0x1, s14;
	s10 =	sadd.s32 s4, s10  }
0x176: {  	[tilespmem:s26], [sflag:$0x6] =	stream.linear.gather [hbm4b:s10+s6], $0x3800, $0x38;
	[tilespmem:$0x1E780] =	vst v63  }
.LBB2_8:
0x177: {  	s10 =	simm.s32 $0x20;
	s11 =	simm.s32 $0x26F0  }
0x178: {  	[tilespmem:s24], [sflag:$0x2] =	stream.indirect.gather [hbm4b:s1+s10], $0x80, s11, s10, $0xb8;
	[tilespmem:$0x1E780] =	vst v63  }
0x179: {  	s17 =	simm.s32 $0x0;
	s18 =	rddreg [dreg:$0xb]  }
0x17a: {  	[tilespmem:s25], [sflag:$0x4] =	stream.linear.gather [hbm4b:s18+s17], $0x1000, $0x38;
	[tilespmem:$0x1E780] =	vst v63  }
0x17b: {  	s19 =	rddreg [dreg:$0xc]  }
0x17c: {  	[tilespmem:s26], [sflag:$0x6] =	stream.linear.gather [hbm4b:s19+s17], $0x1000, $0x38;
	[tilespmem:$0x1E780] =	vst v63  }
0x17d: {  	_ =	swait.ge [sflag:s28], $0x3800  }
0x17e: {  	[sflag:s28] =	ssyncset.done $0x0  }
0x17f: {  	[sflag:s28] =	ssyncadd.s32 $0xFFFFC800  }
0x180: {  	_ =	swait.ge [sflag:s29], $0x3800  }
0x181: {  	[sflag:s29] =	ssyncset.done $0x0  }
0x182: {  	[sflag:s29] =	ssyncadd.s32 $0xFFFFC800  }
0x183: {  	_ =	swait.ge [sflag:s30], $0x3800  }
0x184: {  	[sflag:s30] =	ssyncset.done $0x0  }
0x185: {  	s17 =	simm.s32 $0x7;
	[sflag:s30] =	ssyncadd.s32 $0xFFFFC800  }
0x186: {  	_ =	swait.ge [sflag:s17], $0x3800  }
0x187: {  	[sflag:s17] =	ssyncset.done $0x0  }
0x188: {  	s15 =	simm.s32 $0x0;
	[sflag:s17] =	ssyncadd.s32 $0xFFFFC800  }
0x189: {  	v0 =	vld [tilespmem:s15+$0x107D0]  }
0x18a: {  	v1 =	vld [tilespmem:s15+$0x107E0]  }
0x18b: {  	v2 =	vld [tilespmem:s15+$0x107F0]  }
0x18c: {  	v3 =	vld [tilespmem:s15+$0x107C0]  }
0x18d: {  	v4 =	vld [tilespmem:s15+$0x97F0]  }
0x18e: {  	v5 =	vld [tilespmem:s15+$0x97E0]  }
0x18f: {  	v6 =	vld [tilespmem:s15+$0x97C0]  }
0x190: {  	v7 =	vld [tilespmem:s15+$0x27E0]  }
0x191: {  	v8 =	vld [tilespmem:s15+$0x10780]  }
0x192: {  	v9 =	vld [tilespmem:s15+$0x27C0]  }
0x193: {  	v10 =	vld [tilespmem:s15+$0x27F0]  }
0x194: {  	v11 =	vld [tilespmem:s15+$0x27B0]  }
0x195: {  	v12 =	vld [tilespmem:s15+$0x107A0]  }
0x196: {  	v13 =	vld [tilespmem:s15+$0x2780]  }
0x197: {  	v14 =	vld [tilespmem:s15+$0x97A0]  }
0x198: {  	v15 =	vld [tilespmem:s15+$0x27A0]  }
0x199: {  	v16 =	vld [tilespmem:s15+$0x9780]  }
0x19a: {  	v17 =	vld [tilespmem:s15+$0x2790]  }
0x19b: {  	v18 =	vld [tilespmem:s15+$0x97B0]  }
0x19c: {  	v19 =	vld [tilespmem:s15+$0x9790]  }
0x19d: {  	v20 =	vld [tilespmem:s15+$0x10790]  }
0x19e: {  	v21 =	vld [tilespmem:s15+$0x27D0]  }
0x19f: {  	v22 =	vld [tilespmem:s15+$0x97D0]  }
0x1a0: {  	s14 =	simm.s32 $0x80;
	v23 =	vld [tilespmem:s15+$0x107B0]  }
0x1a1: {  	v24 =	vld [tilespmem:s14+$0x107D0]  }
0x1a2: {  	v25 =	vld [tilespmem:s14+$0x107E0]  }
0x1a3: {  	v26 =	vld [tilespmem:s14+$0x107F0]  }
0x1a4: {  	s16 =	simm.s32 $0x100;
	v27 =	vld [tilespmem:s14+$0x97F0]  }
0x1a5: {  	v61 =	vld [tilespmem:s16+$0x2780];
	v5 =	vmul.f32 v5, v7  }
0x1a6: {  	v7 =	vld [tilespmem:s14+$0x107C0];
	v4 =	vmul.f32 v4, v10  }
0x1a7: {  	v6 =	vmul.f32 v6, v9;
	v9 =	vld [tilespmem:s14+$0x97C0];
	v1 =	vadd.f32 v1, v5  }
0x1a8: {  	v10 =	vld [tilespmem:s14+$0x27E0];
	v11 =	vmul.f32 v18, v11;
	v2 =	vadd.f32 v2, v4;
	v4 =	vmul.f32 v16, v13  }
0x1a9: {  	v17 =	vmul.f32 v19, v17;
	v18 =	vld [tilespmem:s14+$0x9780];
	v3 =	vadd.f32 v3, v6;
	v1 =	vadd.f32 v1, v1  }
0x1aa: {  	v19 =	vmul.f32 v22, v21;
	v21 =	vld [tilespmem:s14+$0x97D0];
	v2 =	vadd.f32 v2, v2;
	v4 =	vadd.f32 v8, v4  }
0x1ab: {  	v5 =	vld [tilespmem:s14+$0x97E0];
	v3 =	vadd.f32 v3, v3;
	v1 =	vmul.f32 $1.442695020e+00, v1  }
0x1ac: {  	v6 =	vld [tilespmem:s14+$0x10780];
	v2 =	vmul.f32 $1.442695020e+00, v2;
	v4 =	vadd.f32 v4, v4  }
0x1ad: {  	v13 =	vld [tilespmem:s14+$0x27F0];
	v3 =	vmul.f32 $1.442695020e+00, v3;
	(erf) = vpow2.f32 v1  }
0x1ae: {  	v16 =	vld [tilespmem:s14+$0x107A0];
	v11 =	vadd.f32 v23, v11;
	v4 =	vmul.f32 $1.442695020e+00, v4;
	(erf) = vpow2.f32 v2  }
0x1af: {  	v8 =	vld [tilespmem:s14+$0x27C0];
	(erf) = vpow2.f32 v3  }
0x1b0: {  	v17 =	vadd.f32 v20, v17;
	v20 =	vld [tilespmem:s14+$0x2790];
	v11 =	vadd.f32 v11, v11;
	(erf) = vpow2.f32 v4  }
0x1b1: {  	v0 =	vadd.f32 v0, v19;
	v19 =	vld [tilespmem:s14+$0x9790]  }
0x1b2: {  	v14 =	vmul.f32 v14, v15;
	v15 =	vadd.f32 v17, v17;
	v17 =	vld [tilespmem:s14+$0x97B0];
	v11 =	vmul.f32 $1.442695020e+00, v11  }
0x1b3: {  	v5 =	vmul.f32 v5, v10;
	v1 =	vld [tilespmem:s14+$0x27B0]  }
0x1b4: {  	v12 =	vadd.f32 v12, v14;
	v14 =	vmul.f32 $1.442695020e+00, v15;
	v2 =	vld [tilespmem:s14+$0x2780];
	v8 =	vmul.f32 v9, v8  }
0x1b5: {  	v0 =	vadd.f32 v0, v0;
	v5 =	vadd.f32 v25, v5;
	v3 =	vld [tilespmem:s14+$0x97A0]  }
0x1b6: {  	v12 =	vadd.f32 v12, v12;
	v4 =	vld [tilespmem:s14+$0x27A0];
	v7 =	vadd.f32 v7, v8;
	(erf) = vpow2.f32 v11;
	v11 =	vpop (erf)  }
0x1b7: {  	v23 =	vld [tilespmem:s14+$0x107B0];
	v22 =	vmul.f32 $1.442695020e+00, v0;
	v13 =	vmul.f32 v27, v13;
	v5 =	vadd.f32 v5, v5;
	v9 =	vpop (erf)  }
0x1b8: {  	v15 =	vld [tilespmem:s14+$0x27D0];
	v12 =	vmul.f32 $1.442695020e+00, v12;
	v7 =	vadd.f32 v7, v7;
	(erf) = vpow2.f32 v14;
	v14 =	vpop (erf)  }
0x1b9: {  	v10 =	vld [tilespmem:s14+$0x10790];
	v13 =	vadd.f32 v26, v13;
	v5 =	vmul.f32 $1.442695020e+00, v5;
	v1 =	vmul.f32 v17, v1;
	v8 =	vpop (erf)  }
0x1ba: {  	v0 =	vld [tilespmem:s16+$0x107D0];
	v2 =	vmul.f32 v18, v2;
	v7 =	vmul.f32 $1.442695020e+00, v7;
	v8 =	vadd.f32 $1.000000000e+00, v8  }
0x1bb: {  	v17 =	vld [tilespmem:s16+$0x97C0];
	v3 =	vmul.f32 v3, v4;
	v4 =	vadd.f32 v13, v13;
	(erf) = vpow2.f32 v22  }
0x1bc: {  	v18 =	vld [tilespmem:s16+$0x107F0];
	v2 =	vadd.f32 v6, v2;
	v6 =	vmul.f32 v19, v20;
	(erf) = vrcp.f32 v8  }
0x1bd: {  	v1 =	vadd.f32 v23, v1;
	v3 =	vadd.f32 v16, v3;
	v16 =	vld [tilespmem:s16+$0x97E0];
	(erf) = vpow2.f32 v12  }
0x1be: {  	v4 =	vmul.f32 $1.442695020e+00, v4;
	v2 =	vadd.f32 v2, v2;
	v6 =	vadd.f32 v10, v6;
	v10 =	vld [tilespmem:s16+$0x27E0]  }
0x1bf: {  	v13 =	vld [tilespmem:s16+$0x107E0];
	v1 =	vadd.f32 v1, v1;
	(erf) = vpow2.f32 v5;
	v5 =	vmul.f32 v21, v15  }
0x1c0: {  	v14 =	vadd.f32 $1.000000000e+00, v14;
	v8 =	vld [tilespmem:s16+$0x107C0];
	v15 =	vmul.f32 $1.442695020e+00, v2;
	(erf) = vpow2.f32 v4  }
0x1c1: {  	v1 =	vmul.f32 $1.442695020e+00, v1;
	v3 =	vadd.f32 v3, v3;
	v19 =	vpop (erf);
	(erf) = vpow2.f32 v7;
	v7 =	vld [tilespmem:s16+$0x27C0]  }
0x1c2: {  	v6 =	vadd.f32 v6, v6;
	v19 =	vadd.f32 $1.000000000e+00, v19;
	v12 =	vld [tilespmem:s16+$0x97F0];
	(erf) = vrcp.f32 v14  }
0x1c3: {  	v10 =	vmul.f32 v16, v10;
	v5 =	vadd.f32 v24, v5;
	v20 =	vpop (erf);
	v14 =	vld [tilespmem:s16+$0x27F0];
	(erf) = vpow2.f32 v15  }
0x1c4: {  	v9 =	vadd.f32 $1.000000000e+00, v9;
	v6 =	vmul.f32 $1.442695020e+00, v6;
	v2 =	vmul.f32 $1.442695020e+00, v3;
	v3 =	vld [tilespmem:s16+$0x27B0];
	v15 =	vpop (erf)  }
0x1c5: {  	v13 =	vadd.f32 v13, v10;
	v10 =	vld [tilespmem:s16+$0x2790];
	v21 =	vadd.f32 v5, v5;
	v22 =	vpop (erf);
	(erf) = vrcp.f32 v19  }
0x1c6: {  	v4 =	vld [tilespmem:s16+$0x10780];
	v23 =	vadd.f32 $1.000000000e+00, v15;
	v7 =	vmul.f32 v17, v7;
	v15 =	vpop (erf);
	(erf) = vpow2.f32 v1  }
0x1c7: {  	v19 =	vld [tilespmem:s16+$0x97A0];
	v16 =	vadd.f32 v22, v22;
	v22 =	vmul.f32 $1.442695020e+00, v21;
	(erf) = vpow2.f32 v6  }
0x1c8: {  	v21 =	vld [tilespmem:s16+$0x27A0];
	v15 =	vadd.f32 $1.000000000e+00, v15;
	v1 =	vpop (erf);
	v6 =	vmul.f32 v12, v14;
	v7 =	vadd.f32 v8, v7  }
0x1c9: {  	v11 =	vadd.f32 $1.000000000e+00, v11;
	v5 =	vld [tilespmem:s16+$0x107A0];
	v14 =	vadd.f32 $1.000000000e+00, v20;
	v62 =	vpop (erf);
	(erf) = vrcp.f32 v9  }
0x1ca: {  	v12 =	vld [tilespmem:s16+$0x9780];
	v9 =	vsub.f32 $1.000000000e+00, v16;
	v63 =	vpop (erf);
	v6 =	vadd.f32 v18, v6;
	(erf) = vrcp.f32 v15  }
0x1cb: {  	v8 =	vld [tilespmem:s16+$0x97B0];
	v18 =	vadd.f32 v7, v7;
	v15 =	vadd.f32 v13, v13;
	v16 =	vpop (erf);
	(erf) = vrcp.f32 v23  }
0x1cc: {  	v20 =	vld [tilespmem:s16+$0x9790];
	[tilespmem:s15+$0x17780] =	vst v9;
	v7 =	vpop (erf);
	v6 =	vadd.f32 v6, v6;
	v13 =	vadd.f32 v16, v16;
	(erf) = vrcp.f32 v14  }
0x1cd: {  	v17 =	vld [tilespmem:s16+$0x10790];
	v19 =	vmul.f32 v19, v21;
	v21 =	vadd.f32 $1.000000000e+00, v7;
	(erf) = vrcp.f32 v11  }
0x1ce: {  	v14 =	vld [tilespmem:s16+$0x97D0];
	v16 =	vmul.f32 $1.442695020e+00, v6;
	(erf) = vpow2.f32 v22;
	v7 =	vsub.f32 $1.000000000e+00, v13;
	v9 =	vpop (erf)  }
0x1cf: {  	s10 =	simm.s32 $0x600;
	v11 =	vld [tilespmem:s16+$0x27D0];
	v22 =	vmul.f32 v12, v61;
	v13 =	vadd.f32 $1.000000000e+00, v63;
	v6 =	vadd.f32 $1.000000000e+00, v62;
	v12 =	vpop (erf)  }
.LBB2_9:
0x1d0: {  	s11 =	sshra.s32 s10, $0x2;
	p0 =	sne.s32 s10, $0xDE00;
	s10 =	sadd.s32 $0x200, s10;
	v5 =	vadd.f32 v5, v19;
	v19 =	vld [tilespmem:s16+$0x107B0];
	(erf) = vrcp.f32 v21;
	v21 =	vpop (erf);
	v9 =	vadd.f32 v9, v9  }
0x1d1: {  	v18 =	vmul.f32 $1.442695020e+00, v18;
	v23 =	vld [tilespmem:s11+$0x107D0];
	v4 =	vadd.f32 v4, v22;
	(erf) = vpow2.f32 v2  }
0x1d2: {  	v2 =	vmul.f32 v20, v10;
	v22 =	vld [tilespmem:s11+$0x107E0];
	v26 =	vadd.f32 v5, v5;
	v9 =	vsub.f32 $1.000000000e+00, v9;
	v10 =	vpop (erf)  }
0x1d3: {  	v15 =	vmul.f32 $1.442695020e+00, v15;
	v20 =	vld [tilespmem:s11+$0x107F0];
	v4 =	vadd.f32 v4, v4;
	v27 =	vadd.f32 v10, v10;
	v24 =	vpop (erf)  }
0x1d4: {  	v17 =	vadd.f32 v17, v2;
	v25 =	vld [tilespmem:s11+$0x107C0];
	v2 =	vmul.f32 $1.442695020e+00, v26;
	v24 =	vadd.f32 v24, v24;
	[tilespmem:s15+$0x177B0] =	vst v9;
	v5 =	vpop (erf)  }
0x1d5: {  	v9 =	vld [tilespmem:s11+$0x97F0];
	v26 =	vmul.f32 $1.442695020e+00, v4;
	(erf) = vpow2.f32 v15;
	v4 =	vsub.f32 $1.000000000e+00, v27;
	v10 =	vpop (erf)  }
0x1d6: {  	v3 =	vmul.f32 v8, v3;
	v17 =	vadd.f32 v17, v17;
	v8 =	vadd.f32 v5, v5;
	v15 =	vld [tilespmem:s11+$0x97E0];
	v5 =	vpop (erf)  }
0x1d7: {  	v28 =	vmul.f32 v14, v11;
	v27 =	vld [tilespmem:s11+$0x97C0];
	(erf) = vpow2.f32 v16;
	v14 =	vpop (erf);
	[tilespmem:s15+$0x177C0] =	vst v7;
	v7 =	vadd.f32 v5, v5  }
0x1d8: {  	v3 =	vadd.f32 v19, v3;
	v17 =	vmul.f32 $1.442695020e+00, v17;
	v16 =	vld [tilespmem:s11+$0x27E0];
	(erf) = vpow2.f32 v18;
	[tilespmem:s15+$0x177F0] =	vst v4  }
0x1d9: {  	v28 =	vadd.f32 v0, v28;
	v5 =	vadd.f32 $1.000000000e+00, v12;
	v4 =	vld [tilespmem:s11+$0x10780];
	v11 =	vpop (erf);
	(erf) = vrcp.f32 v13  }
0x1da: {  	v10 =	vadd.f32 v10, v10;
	v13 =	vadd.f32 v3, v3;
	v12 =	vld [tilespmem:s11+$0x27C0];
	(erf) = vpow2.f32 v26;
	v18 =	vpop (erf)  }
0x1db: {  	v0 =	vmovc v23;
	v14 =	vadd.f32 $1.000000000e+00, v14;
	v26 =	vadd.f32 v28, v28;
	v19 =	vld [tilespmem:s11+$0x27F0];
	(erf) = vrcp.f32 v5  }
0x1dc: {  	v23 =	vadd.f32 $1.000000000e+00, v1;
	v10 =	vsub.f32 $1.000000000e+00, v10;
	v13 =	vmul.f32 $1.442695020e+00, v13;
	v3 =	vld [tilespmem:s11+$0x27B0]  }
0x1dd: {  	v11 =	vadd.f32 v11, v11;
	v5 =	vld [tilespmem:s11+$0x107A0];
	v15 =	vmul.f32 v15, v16;
	v16 =	vadd.f32 $1.000000000e+00, v18  }
0x1de: {  	v8 =	vsub.f32 $1.000000000e+00, v8;
	v26 =	vmul.f32 $1.442695020e+00, v26;
	v28 =	vld [tilespmem:s11+$0x2780];
	(erf) = vpow2.f32 v13;
	v1 =	vpop (erf);
	[tilespmem:s15+$0x17790] =	vst v10  }
0x1df: {  	v13 =	vld [tilespmem:s11+$0x97A0];
	v10 =	vmul.f32 v27, v12;
	v12 =	vadd.f32 v22, v15;
	(erf) = vpow2.f32 v17  }
0x1e0: {  	v17 =	vadd.f32 $1.000000000e+00, v21;
	v15 =	vsub.f32 $1.000000000e+00, v24;
	v22 =	vld [tilespmem:s11+$0x27A0];
	v9 =	vmul.f32 v9, v19;
	v27 =	vpop (erf);
	[tilespmem:s15+$0x177D0] =	vst v8  }
0x1e1: {  	v24 =	vld [tilespmem:s11+$0x9780];
	v18 =	vadd.f32 v25, v10;
	v25 =	vpop (erf);
	(erf) = vrcp.f32 v6;
	v6 =	vsub.f32 $1.000000000e+00, v7  }
0x1e2: {  	v19 =	vsub.f32 $1.000000000e+00, v11;
	v10 =	vld [tilespmem:s11+$0x2790];
	v7 =	vadd.f32 v20, v9;
	(erf) = vrcp.f32 v16;
	v11 =	vpop (erf);
	[tilespmem:s15+$0x177A0] =	vst v15  }
.Ltmp4:
0x1e3: {  	v15 =	vadd.f32 v12, v12;
	v8 =	vld [tilespmem:s11+$0x97B0];
	v18 =	vadd.f32 v18, v18;
	v12 =	vpop (erf);
	(erf) = vrcp.f32 v14;
	[tilespmem:s15+$0x177E0] =	vst v6;
	s15 =	smov.u32 s14;
	s14 =	smov.u32 s16;
	(pc) =	sbr.rel @p0 .LBB2_9-.Ltmp4, $4  }
0x1e4: {  	s16 =	smov.u32 s11;
	v20 =	vld [tilespmem:s11+$0x9790];
	v6 =	vadd.f32 v7, v7;
	[tilespmem:s15+$0x17780] =	vst v19;
	v7 =	vadd.f32 v11, v11;
	(erf) = vrcp.f32 v17;
	v9 =	vpop (erf)  }
0x1e5: {  	v21 =	vadd.f32 $1.000000000e+00, v12;
	v17 =	vld [tilespmem:s16+$0x10790];
	v19 =	vmul.f32 v13, v22;
	(erf) = vrcp.f32 v23  }
0x1e6: {  	v11 =	vld [tilespmem:s16+$0x27D0];
	v16 =	vmul.f32 $1.442695020e+00, v6;
	(erf) = vpow2.f32 v26;
	v7 =	vsub.f32 $1.000000000e+00, v7  }
0x1e7: {  	v13 =	vadd.f32 $1.000000000e+00, v25;
	v22 =	vmul.f32 v24, v28;
	v6 =	vadd.f32 $1.000000000e+00, v27;
	v14 =	vld [tilespmem:s16+$0x97D0];
	v12 =	vpop (erf)  }
0x1e8: {  	(erf) = vrcp.f32 v21  }
0x1e9: {  	v23 =	vld [tilespmem:s16+$0x107B0];
	v15 =	vmul.f32 $1.442695020e+00, v15;
	v3 =	vmul.f32 v8, v3  }
0x1ea: {  	v4 =	vadd.f32 v4, v22;
	(erf) = vpow2.f32 v2;
	v8 =	vmul.f32 v20, v10  }
0x1eb: {  	v18 =	vmul.f32 $1.442695020e+00, v18;
	v2 =	vpop (erf)  }
0x1ec: {  	(erf) = vpow2.f32 v15;
	v10 =	vpop (erf);
	v4 =	vadd.f32 v4, v4;
	v8 =	vadd.f32 v17, v8  }
0x1ed: {  	(erf) = vpow2.f32 v16;
	v15 =	vpop (erf)  }
0x1ee: {  	(erf) = vpow2.f32 v18;
	v4 =	vmul.f32 $1.442695020e+00, v4;
	v3 =	vadd.f32 v23, v3;
	v16 =	vpop (erf)  }
0x1ef: {  	v12 =	vadd.f32 $1.000000000e+00, v12;
	(erf) = vrcp.f32 v13;
	v13 =	vpop (erf)  }
0x1f0: {  	v3 =	vadd.f32 v3, v3;
	(erf) = vpow2.f32 v4;
	v4 =	vadd.f32 v8, v8;
	v8 =	vpop (erf)  }
0x1f1: {  	v11 =	vmul.f32 v14, v11;
	v14 =	vpop (erf)  }
0x1f2: {  	v3 =	vmul.f32 $1.442695020e+00, v3;
	v17 =	vpop (erf)  }
0x1f3: {  	(erf) = vrcp.f32 v12;
	v4 =	vmul.f32 $1.442695020e+00, v4;
	v12 =	vpop (erf)  }
0x1f4: {  	v0 =	vadd.f32 v0, v11;
	(erf) = vpow2.f32 v3;
	v3 =	vadd.f32 $1.000000000e+00, v12  }
0x1f5: {  	v11 =	vpop (erf);
	(erf) = vpow2.f32 v4;
	v4 =	vadd.f32 v5, v19;
	v5 =	vadd.f32 $1.000000000e+00, v14  }
0x1f6: {  	v12 =	vpop (erf)  }
0x1f7: {  	v0 =	vadd.f32 v0, v0;
	(erf) = vrcp.f32 v6;
	v6 =	vpop (erf)  }
0x1f8: {  	v1 =	vadd.f32 $1.000000000e+00, v1;
	v2 =	vadd.f32 $1.000000000e+00, v2;
	(erf) = vrcp.f32 v3;
	v3 =	vpop (erf)  }
0x1f9: {  	v0 =	vmul.f32 $1.442695020e+00, v0;
	v4 =	vadd.f32 v4, v4;
	(erf) = vrcp.f32 v5;
	v5 =	vpop (erf)  }
0x1fa: {  	(erf) = vrcp.f32 v2;
	v2 =	vadd.f32 $1.000000000e+00, v5  }
0x1fb: {  	(erf) = vrcp.f32 v1;
	v1 =	vmul.f32 $1.442695020e+00, v4  }
0x1fc: {  	(erf) = vpow2.f32 v0  }
0x1fd: {  	v0 =	vpop (erf);
	(erf) = vrcp.f32 v2  }
0x1fe: {  	v2 =	vpop (erf);
	(erf) = vpow2.f32 v1  }
0x1ff: {  	v1 =	vpop (erf)  }
0x200: {  	v15 =	vadd.f32 v15, v15;
	v5 =	vpop (erf)  }
0x201: {  	v4 =	vadd.f32 v9, v9;
	v9 =	vadd.f32 v10, v10;
	v10 =	vpop (erf)  }
0x202: {  	v16 =	vadd.f32 v16, v16;
	v13 =	vadd.f32 v13, v13;
	v14 =	vpop (erf)  }
0x203: {  	v8 =	vadd.f32 v8, v8;
	v6 =	vadd.f32 $1.000000000e+00, v6;
	v18 =	vpop (erf)  }
0x204: {  	[tilespmem:s15+$0x177C0] =	vst v7;
	v7 =	vsub.f32 $1.000000000e+00, v16;
	v13 =	vsub.f32 $1.000000000e+00, v13;
	v19 =	vpop (erf)  }
0x205: {  	v12 =	vadd.f32 $1.000000000e+00, v12;
	v3 =	vadd.f32 v3, v3;
	v20 =	vpop (erf)  }
0x206: {  	v4 =	vsub.f32 $1.000000000e+00, v4;
	v2 =	vadd.f32 $1.000000000e+00, v2;
	v21 =	vpop (erf)  }
0x207: {  	[tilespmem:s15+$0x177D0] =	vst v7;
	v9 =	vsub.f32 $1.000000000e+00, v9;
	v0 =	vadd.f32 v0, v0;
	(erf) = vrcp.f32 v6;
	v6 =	vpop (erf)  }
0x208: {  	[tilespmem:s15+$0x177B0] =	vst v4;
	v4 =	vadd.f32 v17, v17;
	(erf) = vrcp.f32 v2;
	v2 =	vadd.f32 $1.000000000e+00, v6  }
0x209: {  	[tilespmem:s15+$0x177F0] =	vst v9;
	(erf) = vrcp.f32 v12;
	v9 =	vadd.f32 $1.000000000e+00, v20;
	v6 =	vsub.f32 $1.000000000e+00, v15  }
0x20a: {  	[tilespmem:s15+$0x17790] =	vst v13;
	v1 =	vadd.f32 $1.000000000e+00, v1;
	(erf) = vrcp.f32 v2;
	v2 =	vsub.f32 $1.000000000e+00, v8  }
0x20b: {  	v3 =	vsub.f32 $1.000000000e+00, v3;
	v4 =	vsub.f32 $1.000000000e+00, v4;
	[tilespmem:s15+$0x177A0] =	vst v6;
	(erf) = vrcp.f32 v9  }
0x20c: {  	v0 =	vsub.f32 $1.000000000e+00, v0;
	(erf) = vrcp.f32 v1;
	[tilespmem:s15+$0x177E0] =	vst v2;
	v1 =	vadd.f32 v5, v5  }
0x20d: {  	v2 =	vadd.f32 $1.000000000e+00, v11;
	[tilespmem:s14+$0x17780] =	vst v4;
	v4 =	vadd.f32 v18, v18  }
0x20e: {  	[tilespmem:s14+$0x177B0] =	vst v0;
	v0 =	vsub.f32 $1.000000000e+00, v1;
	v1 =	vadd.f32 v14, v14  }
0x20f: {  	[tilespmem:s14+$0x177C0] =	vst v3;
	v3 =	vsub.f32 $1.000000000e+00, v4  }
0x210: {  	v5 =	vadd.f32 v19, v19;
	(erf) = vrcp.f32 v2  }
0x211: {  	v2 =	vadd.f32 v10, v10;
	v4 =	vpop (erf)  }
0x212: {  	[tilespmem:s14+$0x177F0] =	vst v0;
	v0 =	vsub.f32 $1.000000000e+00, v1;
	v1 =	vpop (erf)  }
0x213: {  	v6 =	vadd.f32 v21, v21;
	v2 =	vsub.f32 $1.000000000e+00, v2;
	[tilespmem:s14+$0x17790] =	vst v3;
	v3 =	vpop (erf)  }
0x214: {  	[tilespmem:s14+$0x177D0] =	vst v0;
	v0 =	vsub.f32 $1.000000000e+00, v5;
	v1 =	vadd.f32 v1, v1;
	v5 =	vpop (erf)  }
0x215: {  	v6 =	vsub.f32 $1.000000000e+00, v6;
	[tilespmem:s14+$0x177A0] =	vst v2;
	v2 =	vadd.f32 v4, v4;
	v4 =	vpop (erf)  }
0x216: {  	[tilespmem:s14+$0x177E0] =	vst v0;
	v0 =	vsub.f32 $1.000000000e+00, v1;
	v1 =	vadd.f32 v3, v3;
	v3 =	vpop (erf)  }
0x217: {  	v2 =	vsub.f32 $1.000000000e+00, v2;
	[tilespmem:s16+$0x17780] =	vst v6;
	v3 =	vadd.f32 v3, v3  }
0x218: {  	[tilespmem:s16+$0x177B0] =	vst v0;
	v0 =	vsub.f32 $1.000000000e+00, v1;
	v1 =	vadd.f32 v4, v4  }
0x219: {  	[tilespmem:s16+$0x177C0] =	vst v2;
	v4 =	vadd.f32 v5, v5;
	v5 =	vpop (erf);
	v2 =	vsub.f32 $1.000000000e+00, v3  }
0x21a: {  	v3 =	vadd.f32 v5, v5;
	[tilespmem:s16+$0x177F0] =	vst v0;
	v0 =	vsub.f32 $1.000000000e+00, v1  }
0x21b: {  	v1 =	vsub.f32 $1.000000000e+00, v4;
	[tilespmem:s16+$0x17790] =	vst v2  }
0x21c: {  	[tilespmem:s16+$0x177D0] =	vst v0;
	v0 =	vsub.f32 $1.000000000e+00, v3  }
0x21d: {  	[tilespmem:s16+$0x177A0] =	vst v1  }
0x21e: {  	s10 =	simm.s32 $0x0;
	s11 =	rddreg [dreg:$0xd];
	[tilespmem:s16+$0x177E0] =	vst v0  }
0x21f: {  	[hbm4b:s11+s10] =	stream.linear.scatter [tilespmem:s31], [sflag:$0x7], $0x3800, $0x38;
	[tilespmem:$0x1E780] =	vst v63  }
0x220: {  	_ =	swait.ge [sflag:s3], $0x1000  }
0x221: {  	[sflag:s3] =	ssyncset.done $0x0  }
0x222: {  	[sflag:s3] =	ssyncadd.s32 $0xFFFFF000  }
0x223: {  	_ =	swait.ge [sflag:s0], $0x1000  }
0x224: {  	[sflag:s0] =	ssyncset.done $0x0  }
0x225: {  	[sflag:s0] =	ssyncadd.s32 $0xFFFFF000  }
0x226: {  	_ =	swait.ge [sflag:s8], $0x1000  }
0x227: {  	[sflag:s8] =	ssyncset.done $0x0  }
0x228: {  	s18 =	simm.s32 $0x8;
	[sflag:s8] =	ssyncadd.s32 $0xFFFFF000  }
0x229: {  	_ =	swait.ge [sflag:s18], $0x3800  }
0x22a: {  	[sflag:s18] =	ssyncset.done $0x0  }
0x22b: {  	s15 =	simm.s32 $0x0;
	[sflag:s18] =	ssyncadd.s32 $0xFFFFC800  }
0x22c: {  	v0 =	vld [tilespmem:s15+$0x13FD0]  }
0x22d: {  	v1 =	vld [tilespmem:s15+$0x13FE0]  }
0x22e: {  	v2 =	vld [tilespmem:s15+$0x13FF0]  }
0x22f: {  	v3 =	vld [tilespmem:s15+$0x13FC0]  }
0x230: {  	v4 =	vld [tilespmem:s15+$0xCFF0]  }
0x231: {  	v5 =	vld [tilespmem:s15+$0xCFE0]  }
0x232: {  	v6 =	vld [tilespmem:s15+$0xCFC0]  }
0x233: {  	v7 =	vld [tilespmem:s15+$0x5FE0]  }
0x234: {  	v8 =	vld [tilespmem:s15+$0x13F80]  }
0x235: {  	v9 =	vld [tilespmem:s15+$0x5FC0]  }
0x236: {  	v10 =	vld [tilespmem:s15+$0x5FF0]  }
0x237: {  	v11 =	vld [tilespmem:s15+$0x5FB0]  }
0x238: {  	v12 =	vld [tilespmem:s15+$0x13FA0]  }
0x239: {  	v13 =	vld [tilespmem:s15+$0x5F80]  }
0x23a: {  	v14 =	vld [tilespmem:s15+$0xCFA0]  }
0x23b: {  	v15 =	vld [tilespmem:s15+$0x5FA0]  }
0x23c: {  	v16 =	vld [tilespmem:s15+$0xCF80]  }
0x23d: {  	v17 =	vld [tilespmem:s15+$0x5F90]  }
0x23e: {  	v18 =	vld [tilespmem:s15+$0xCFB0]  }
0x23f: {  	v19 =	vld [tilespmem:s15+$0xCF90]  }
0x240: {  	v20 =	vld [tilespmem:s15+$0x13F90]  }
0x241: {  	v21 =	vld [tilespmem:s15+$0x5FD0]  }
0x242: {  	v22 =	vld [tilespmem:s15+$0xCFD0]  }
0x243: {  	s14 =	simm.s32 $0x80;
	v23 =	vld [tilespmem:s15+$0x13FB0]  }
0x244: {  	v24 =	vld [tilespmem:s14+$0x13FD0]  }
0x245: {  	v25 =	vld [tilespmem:s14+$0x13FE0]  }
0x246: {  	v26 =	vld [tilespmem:s14+$0x13FF0]  }
0x247: {  	s16 =	simm.s32 $0x100;
	v27 =	vld [tilespmem:s14+$0xCFF0]  }
0x248: {  	v61 =	vld [tilespmem:s16+$0x5F80];
	v5 =	vmul.f32 v5, v7  }
0x249: {  	v7 =	vld [tilespmem:s14+$0x13FC0];
	v4 =	vmul.f32 v4, v10  }
0x24a: {  	v6 =	vmul.f32 v6, v9;
	v9 =	vld [tilespmem:s14+$0xCFC0];
	v1 =	vadd.f32 v1, v5  }
0x24b: {  	v10 =	vld [tilespmem:s14+$0x5FE0];
	v11 =	vmul.f32 v18, v11;
	v2 =	vadd.f32 v2, v4;
	v4 =	vmul.f32 v16, v13  }
0x24c: {  	v17 =	vmul.f32 v19, v17;
	v18 =	vld [tilespmem:s14+$0xCF80];
	v3 =	vadd.f32 v3, v6;
	v1 =	vadd.f32 v1, v1  }
0x24d: {  	v19 =	vmul.f32 v22, v21;
	v21 =	vld [tilespmem:s14+$0xCFD0];
	v2 =	vadd.f32 v2, v2;
	v4 =	vadd.f32 v8, v4  }
0x24e: {  	v5 =	vld [tilespmem:s14+$0xCFE0];
	v3 =	vadd.f32 v3, v3;
	v1 =	vmul.f32 $1.442695020e+00, v1  }
0x24f: {  	v6 =	vld [tilespmem:s14+$0x13F80];
	v2 =	vmul.f32 $1.442695020e+00, v2;
	v4 =	vadd.f32 v4, v4  }
0x250: {  	v13 =	vld [tilespmem:s14+$0x5FF0];
	v3 =	vmul.f32 $1.442695020e+00, v3;
	(erf) = vpow2.f32 v1  }
0x251: {  	v16 =	vld [tilespmem:s14+$0x13FA0];
	v11 =	vadd.f32 v23, v11;
	v4 =	vmul.f32 $1.442695020e+00, v4;
	(erf) = vpow2.f32 v2  }
0x252: {  	v17 =	vadd.f32 v20, v17;
	v20 =	vld [tilespmem:s14+$0x5F90];
	(erf) = vpow2.f32 v3  }
0x253: {  	v8 =	vld [tilespmem:s14+$0x5FC0];
	v11 =	vadd.f32 v11, v11;
	(erf) = vpow2.f32 v4  }
0x254: {  	v0 =	vadd.f32 v0, v19;
	v19 =	vld [tilespmem:s14+$0xCF90]  }
0x255: {  	v14 =	vmul.f32 v14, v15;
	v15 =	vadd.f32 v17, v17;
	v17 =	vld [tilespmem:s14+$0xCFB0];
	v11 =	vmul.f32 $1.442695020e+00, v11  }
0x256: {  	v5 =	vmul.f32 v5, v10;
	v1 =	vld [tilespmem:s14+$0x5FB0]  }
0x257: {  	v12 =	vadd.f32 v12, v14;
	v14 =	vmul.f32 $1.442695020e+00, v15;
	v2 =	vld [tilespmem:s14+$0x5F80]  }
0x258: {  	v0 =	vadd.f32 v0, v0;
	v8 =	vmul.f32 v9, v8;
	v5 =	vadd.f32 v25, v5;
	v3 =	vld [tilespmem:s14+$0xCFA0]  }
0x259: {  	v12 =	vadd.f32 v12, v12;
	v13 =	vmul.f32 v27, v13;
	v4 =	vld [tilespmem:s14+$0x5FA0];
	(erf) = vpow2.f32 v11;
	v11 =	vpop (erf)  }
0x25a: {  	v23 =	vld [tilespmem:s14+$0x13FB0];
	v22 =	vmul.f32 $1.442695020e+00, v0;
	v7 =	vadd.f32 v7, v8;
	v5 =	vadd.f32 v5, v5;
	v9 =	vpop (erf)  }
0x25b: {  	v15 =	vld [tilespmem:s14+$0x5FD0];
	v12 =	vmul.f32 $1.442695020e+00, v12;
	v13 =	vadd.f32 v26, v13;
	(erf) = vpow2.f32 v14;
	v14 =	vpop (erf)  }
0x25c: {  	v10 =	vld [tilespmem:s14+$0x13F90];
	v7 =	vadd.f32 v7, v7;
	v5 =	vmul.f32 $1.442695020e+00, v5;
	v1 =	vmul.f32 v17, v1;
	v8 =	vpop (erf)  }
0x25d: {  	v0 =	vld [tilespmem:s16+$0x13FD0];
	(erf) = vpow2.f32 v22;
	v2 =	vmul.f32 v18, v2;
	v8 =	vadd.f32 $1.000000000e+00, v8  }
0x25e: {  	v17 =	vld [tilespmem:s16+$0xCFC0];
	v7 =	vmul.f32 $1.442695020e+00, v7;
	v3 =	vmul.f32 v3, v4;
	v4 =	vadd.f32 v13, v13  }
0x25f: {  	v18 =	vld [tilespmem:s16+$0x13FF0];
	v2 =	vadd.f32 v6, v2;
	v6 =	vmul.f32 v19, v20;
	(erf) = vrcp.f32 v8  }
0x260: {  	v1 =	vadd.f32 v23, v1;
	v3 =	vadd.f32 v16, v3;
	v16 =	vld [tilespmem:s16+$0xCFE0];
	(erf) = vpow2.f32 v12  }
0x261: {  	v4 =	vmul.f32 $1.442695020e+00, v4;
	v2 =	vadd.f32 v2, v2;
	v6 =	vadd.f32 v10, v6;
	v10 =	vld [tilespmem:s16+$0x5FE0]  }
0x262: {  	v13 =	vld [tilespmem:s16+$0x13FE0];
	v1 =	vadd.f32 v1, v1;
	(erf) = vpow2.f32 v5;
	v5 =	vmul.f32 v21, v15  }
0x263: {  	v14 =	vadd.f32 $1.000000000e+00, v14;
	v8 =	vld [tilespmem:s16+$0x13FC0];
	v15 =	vmul.f32 $1.442695020e+00, v2;
	(erf) = vpow2.f32 v4  }
0x264: {  	v1 =	vmul.f32 $1.442695020e+00, v1;
	v3 =	vadd.f32 v3, v3;
	v19 =	vpop (erf);
	(erf) = vpow2.f32 v7;
	v7 =	vld [tilespmem:s16+$0x5FC0]  }
0x265: {  	v6 =	vadd.f32 v6, v6;
	v19 =	vadd.f32 $1.000000000e+00, v19;
	v12 =	vld [tilespmem:s16+$0xCFF0];
	(erf) = vrcp.f32 v14  }
0x266: {  	v20 =	vpop (erf);
	v10 =	vmul.f32 v16, v10;
	v5 =	vadd.f32 v24, v5;
	v14 =	vld [tilespmem:s16+$0x5FF0];
	(erf) = vpow2.f32 v15  }
0x267: {  	v9 =	vadd.f32 $1.000000000e+00, v9;
	v6 =	vmul.f32 $1.442695020e+00, v6;
	v2 =	vmul.f32 $1.442695020e+00, v3;
	v3 =	vld [tilespmem:s16+$0x5FB0];
	v15 =	vpop (erf)  }
0x268: {  	v13 =	vadd.f32 v13, v10;
	v10 =	vld [tilespmem:s16+$0x5F90];
	v21 =	vadd.f32 v5, v5;
	v22 =	vpop (erf);
	(erf) = vrcp.f32 v19  }
0x269: {  	v4 =	vld [tilespmem:s16+$0x13F80];
	v23 =	vadd.f32 $1.000000000e+00, v15;
	v7 =	vmul.f32 v17, v7;
	v15 =	vpop (erf);
	(erf) = vpow2.f32 v1  }
0x26a: {  	v19 =	vld [tilespmem:s16+$0xCFA0];
	v16 =	vadd.f32 v22, v22;
	v22 =	vmul.f32 $1.442695020e+00, v21;
	(erf) = vpow2.f32 v6  }
0x26b: {  	v21 =	vld [tilespmem:s16+$0x5FA0];
	v15 =	vadd.f32 $1.000000000e+00, v15;
	v1 =	vpop (erf);
	v6 =	vmul.f32 v12, v14;
	v7 =	vadd.f32 v8, v7  }
0x26c: {  	v11 =	vadd.f32 $1.000000000e+00, v11;
	v5 =	vld [tilespmem:s16+$0x13FA0];
	v14 =	vadd.f32 $1.000000000e+00, v20;
	v62 =	vpop (erf);
	(erf) = vrcp.f32 v9  }
0x26d: {  	v12 =	vld [tilespmem:s16+$0xCF80];
	v9 =	vsub.f32 $1.000000000e+00, v16;
	v63 =	vpop (erf);
	v6 =	vadd.f32 v18, v6;
	(erf) = vrcp.f32 v15  }
0x26e: {  	v8 =	vld [tilespmem:s16+$0xCFB0];
	v18 =	vadd.f32 v7, v7;
	v15 =	vadd.f32 v13, v13;
	v16 =	vpop (erf);
	(erf) = vrcp.f32 v23  }
0x26f: {  	v20 =	vld [tilespmem:s16+$0xCF90];
	[tilespmem:s15+$0x1AF80] =	vst v9;
	v7 =	vpop (erf);
	v6 =	vadd.f32 v6, v6;
	v13 =	vadd.f32 v16, v16;
	(erf) = vrcp.f32 v14  }
0x270: {  	v17 =	vld [tilespmem:s16+$0x13F90];
	v19 =	vmul.f32 v19, v21;
	v21 =	vadd.f32 $1.000000000e+00, v7;
	(erf) = vrcp.f32 v11  }
0x271: {  	v14 =	vld [tilespmem:s16+$0xCFD0];
	v16 =	vmul.f32 $1.442695020e+00, v6;
	(erf) = vpow2.f32 v22;
	v7 =	vsub.f32 $1.000000000e+00, v13;
	v9 =	vpop (erf)  }
0x272: {  	s10 =	simm.s32 $0x600;
	v11 =	vld [tilespmem:s16+$0x5FD0];
	v22 =	vmul.f32 v12, v61;
	v13 =	vadd.f32 $1.000000000e+00, v63;
	v6 =	vadd.f32 $1.000000000e+00, v62;
	v12 =	vpop (erf)  }
.LBB2_11:
0x273: {  	s11 =	sshra.s32 s10, $0x2;
	p0 =	sne.s32 s10, $0x3E00;
	s10 =	sadd.s32 $0x200, s10;
	v5 =	vadd.f32 v5, v19;
	v19 =	vld [tilespmem:s16+$0x13FB0];
	(erf) = vrcp.f32 v21;
	v21 =	vpop (erf);
	v9 =	vadd.f32 v9, v9  }
0x274: {  	v18 =	vmul.f32 $1.442695020e+00, v18;
	v23 =	vld [tilespmem:s11+$0x13FD0];
	v4 =	vadd.f32 v4, v22;
	(erf) = vpow2.f32 v2  }
0x275: {  	v2 =	vmul.f32 v20, v10;
	v22 =	vld [tilespmem:s11+$0x13FE0];
	v26 =	vadd.f32 v5, v5;
	v9 =	vsub.f32 $1.000000000e+00, v9;
	v10 =	vpop (erf)  }
0x276: {  	v15 =	vmul.f32 $1.442695020e+00, v15;
	v20 =	vld [tilespmem:s11+$0x13FF0];
	v4 =	vadd.f32 v4, v4;
	v27 =	vadd.f32 v10, v10;
	v24 =	vpop (erf)  }
0x277: {  	v17 =	vadd.f32 v17, v2;
	v25 =	vld [tilespmem:s11+$0x13FC0];
	v2 =	vmul.f32 $1.442695020e+00, v26;
	v24 =	vadd.f32 v24, v24;
	[tilespmem:s15+$0x1AFB0] =	vst v9;
	v5 =	vpop (erf)  }
0x278: {  	v9 =	vld [tilespmem:s11+$0xCFF0];
	v26 =	vmul.f32 $1.442695020e+00, v4;
	(erf) = vpow2.f32 v15;
	v4 =	vsub.f32 $1.000000000e+00, v27;
	v10 =	vpop (erf)  }
0x279: {  	v3 =	vmul.f32 v8, v3;
	v17 =	vadd.f32 v17, v17;
	v8 =	vadd.f32 v5, v5;
	v15 =	vld [tilespmem:s11+$0xCFE0];
	v5 =	vpop (erf)  }
0x27a: {  	v28 =	vmul.f32 v14, v11;
	v27 =	vld [tilespmem:s11+$0xCFC0];
	(erf) = vpow2.f32 v16;
	v14 =	vpop (erf);
	[tilespmem:s15+$0x1AFC0] =	vst v7;
	v7 =	vadd.f32 v5, v5  }
0x27b: {  	v3 =	vadd.f32 v19, v3;
	v17 =	vmul.f32 $1.442695020e+00, v17;
	v16 =	vld [tilespmem:s11+$0x5FE0];
	(erf) = vpow2.f32 v18;
	[tilespmem:s15+$0x1AFF0] =	vst v4  }
0x27c: {  	v28 =	vadd.f32 v0, v28;
	v5 =	vadd.f32 $1.000000000e+00, v12;
	v4 =	vld [tilespmem:s11+$0x13F80];
	v11 =	vpop (erf);
	(erf) = vrcp.f32 v13  }
0x27d: {  	v10 =	vadd.f32 v10, v10;
	v13 =	vadd.f32 v3, v3;
	v12 =	vld [tilespmem:s11+$0x5FC0];
	(erf) = vpow2.f32 v26;
	v18 =	vpop (erf)  }
0x27e: {  	v0 =	vmovc v23;
	v14 =	vadd.f32 $1.000000000e+00, v14;
	v26 =	vadd.f32 v28, v28;
	v19 =	vld [tilespmem:s11+$0x5FF0];
	(erf) = vrcp.f32 v5  }
0x27f: {  	v23 =	vadd.f32 $1.000000000e+00, v1;
	v10 =	vsub.f32 $1.000000000e+00, v10;
	v13 =	vmul.f32 $1.442695020e+00, v13;
	v3 =	vld [tilespmem:s11+$0x5FB0]  }
0x280: {  	v11 =	vadd.f32 v11, v11;
	v5 =	vld [tilespmem:s11+$0x13FA0];
	v15 =	vmul.f32 v15, v16;
	v16 =	vadd.f32 $1.000000000e+00, v18  }
0x281: {  	v8 =	vsub.f32 $1.000000000e+00, v8;
	v26 =	vmul.f32 $1.442695020e+00, v26;
	v28 =	vld [tilespmem:s11+$0x5F80];
	(erf) = vpow2.f32 v13;
	v1 =	vpop (erf);
	[tilespmem:s15+$0x1AF90] =	vst v10  }
0x282: {  	v13 =	vld [tilespmem:s11+$0xCFA0];
	v10 =	vmul.f32 v27, v12;
	v12 =	vadd.f32 v22, v15;
	(erf) = vpow2.f32 v17  }
0x283: {  	v17 =	vadd.f32 $1.000000000e+00, v21;
	v15 =	vsub.f32 $1.000000000e+00, v24;
	v22 =	vld [tilespmem:s11+$0x5FA0];
	v9 =	vmul.f32 v9, v19;
	v27 =	vpop (erf);
	[tilespmem:s15+$0x1AFD0] =	vst v8  }
0x284: {  	v24 =	vld [tilespmem:s11+$0xCF80];
	v18 =	vadd.f32 v25, v10;
	v25 =	vpop (erf);
	(erf) = vrcp.f32 v6;
	v6 =	vsub.f32 $1.000000000e+00, v7  }
0x285: {  	v19 =	vsub.f32 $1.000000000e+00, v11;
	v10 =	vld [tilespmem:s11+$0x5F90];
	v7 =	vadd.f32 v20, v9;
	(erf) = vrcp.f32 v16;
	v11 =	vpop (erf);
	[tilespmem:s15+$0x1AFA0] =	vst v15  }
.Ltmp5:
0x286: {  	v15 =	vadd.f32 v12, v12;
	v8 =	vld [tilespmem:s11+$0xCFB0];
	v18 =	vadd.f32 v18, v18;
	v12 =	vpop (erf);
	(erf) = vrcp.f32 v14;
	[tilespmem:s15+$0x1AFE0] =	vst v6;
	s15 =	smov.u32 s14;
	s14 =	smov.u32 s16;
	(pc) =	sbr.rel @p0 .LBB2_11-.Ltmp5, $4  }
0x287: {  	s16 =	smov.u32 s11;
	v20 =	vld [tilespmem:s11+$0xCF90];
	v6 =	vadd.f32 v7, v7;
	[tilespmem:s15+$0x1AF80] =	vst v19;
	v7 =	vadd.f32 v11, v11;
	(erf) = vrcp.f32 v17;
	v9 =	vpop (erf)  }
0x288: {  	v21 =	vadd.f32 $1.000000000e+00, v12;
	v17 =	vld [tilespmem:s16+$0x13F90];
	v19 =	vmul.f32 v13, v22;
	(erf) = vrcp.f32 v23  }
0x289: {  	v11 =	vld [tilespmem:s16+$0x5FD0];
	v16 =	vmul.f32 $1.442695020e+00, v6;
	(erf) = vpow2.f32 v26;
	v7 =	vsub.f32 $1.000000000e+00, v7  }
0x28a: {  	v13 =	vadd.f32 $1.000000000e+00, v25;
	v22 =	vmul.f32 v24, v28;
	v6 =	vadd.f32 $1.000000000e+00, v27;
	v14 =	vld [tilespmem:s16+$0xCFD0];
	v12 =	vpop (erf)  }
0x28b: {  	v23 =	vld [tilespmem:s16+$0x13FB0]  }
0x28c: {  	(erf) = vrcp.f32 v21;
	v15 =	vmul.f32 $1.442695020e+00, v15;
	v4 =	vadd.f32 v4, v22  }
0x28d: {  	v18 =	vmul.f32 $1.442695020e+00, v18;
	(erf) = vpow2.f32 v2  }
0x28e: {  	v35 =	vpop (erf);
	v3 =	vmul.f32 v8, v3;
	(erf) = vpow2.f32 v15;
	v4 =	vadd.f32 v4, v4  }
0x28f: {  	v36 =	vmul.f32 v20, v10;
	v37 =	vpop (erf);
	(erf) = vpow2.f32 v16  }
0x290: {  	v38 =	vpop (erf);
	(erf) = vpow2.f32 v18;
	v4 =	vmul.f32 $1.442695020e+00, v4;
	v3 =	vadd.f32 v23, v3  }
0x291: {  	v8 =	vadd.f32 v17, v36;
	v39 =	vpop (erf);
	(erf) = vrcp.f32 v13  }
0x292: {  	v40 =	vpop (erf);
	v3 =	vadd.f32 v3, v3;
	(erf) = vpow2.f32 v4  }
0x293: {  	v12 =	vadd.f32 $1.000000000e+00, v12;
	v41 =	vadd.f32 v8, v8;
	v42 =	vpop (erf)  }
0x294: {  	v11 =	vmul.f32 v14, v11;
	v43 =	vpop (erf);
	v3 =	vmul.f32 $1.442695020e+00, v3  }
0x295: {  	v4 =	vmul.f32 $1.442695020e+00, v41;
	(erf) = vrcp.f32 v12;
	v44 =	vpop (erf)  }
0x296: {  	v45 =	vpop (erf);
	(erf) = vpow2.f32 v3  }
0x297: {  	v0 =	vadd.f32 v0, v11;
	v46 =	vadd.f32 $1.000000000e+00, v45;
	v47 =	vpop (erf);
	(erf) = vpow2.f32 v4  }
0x298: {  	v48 =	vadd.f32 v5, v19;
	v49 =	vadd.f32 $1.000000000e+00, v43;
	v50 =	vpop (erf);
	(erf) = vrcp.f32 v6  }
0x299: {  	v2 =	vadd.f32 $1.000000000e+00, v35;
	v0 =	vadd.f32 v0, v0;
	v51 =	vpop (erf);
	(erf) = vrcp.f32 v46  }
0x29a: {  	v1 =	vadd.f32 $1.000000000e+00, v1;
	v52 =	vpop (erf);
	(erf) = vrcp.f32 v49  }
0x29b: {  	v0 =	vmul.f32 $1.442695020e+00, v0;
	v4 =	vadd.f32 v48, v48;
	v53 =	vpop (erf);
	(erf) = vrcp.f32 v2  }
0x29c: {  	v54 =	vadd.f32 $1.000000000e+00, v53;
	(erf) = vrcp.f32 v1  }
0x29d: {  	v55 =	vmul.f32 $1.442695020e+00, v4;
	(erf) = vpow2.f32 v0  }
0x29e: {  	v56 =	vpop (erf);
	(erf) = vrcp.f32 v54  }
0x29f: {  	v57 =	vpop (erf);
	(erf) = vpow2.f32 v55  }
0x2a0: {  	v61 =	vadd.f32 v37, v37;
	v58 =	vpop (erf)  }
0x2a1: {  	v59 =	vadd.f32 v9, v9;
	v15 =	vadd.f32 v38, v38;
	v60 =	vpop (erf)  }
0x2a2: {  	v9 =	vsub.f32 $1.000000000e+00, v61;
	v16 =	vadd.f32 v39, v39;
	v62 =	vpop (erf)  }
0x2a3: {  	v13 =	vadd.f32 v40, v40;
	v8 =	vadd.f32 v42, v42;
	v63 =	vpop (erf)  }
0x2a4: {  	v32 =	vsub.f32 $1.000000000e+00, v15;
	v30 =	vsub.f32 $1.000000000e+00, v16;
	v24 =	vpop (erf)  }
0x2a5: {  	v13 =	vsub.f32 $1.000000000e+00, v13;
	v34 =	vsub.f32 $1.000000000e+00, v8;
	v25 =	vpop (erf)  }
0x2a6: {  	[tilespmem:s15+$0x1AFC0] =	vst v7;
	v28 =	vadd.f32 v44, v44;
	v6 =	vadd.f32 $1.000000000e+00, v51;
	v26 =	vpop (erf)  }
0x2a7: {  	[tilespmem:s15+$0x1AFF0] =	vst v9;
	v36 =	vadd.f32 $1.000000000e+00, v47;
	v2 =	vadd.f32 $1.000000000e+00, v57;
	v27 =	vpop (erf)  }
0x2a8: {  	[tilespmem:s15+$0x1AFA0] =	vst v32;
	v12 =	vadd.f32 $1.000000000e+00, v50;
	v4 =	vsub.f32 $1.000000000e+00, v59;
	(erf) = vrcp.f32 v6;
	v29 =	vpop (erf)  }
0x2a9: {  	[tilespmem:s15+$0x1AFD0] =	vst v30;
	v3 =	vadd.f32 v52, v52;
	(erf) = vrcp.f32 v2;
	v31 =	vadd.f32 $1.000000000e+00, v29  }
0x2aa: {  	[tilespmem:s15+$0x1AFB0] =	vst v4;
	v4 =	vsub.f32 $1.000000000e+00, v28;
	(erf) = vrcp.f32 v12;
	v33 =	vadd.f32 $1.000000000e+00, v26  }
0x2ab: {  	[tilespmem:s15+$0x1AF90] =	vst v13;
	v0 =	vadd.f32 v56, v56;
	v1 =	vadd.f32 $1.000000000e+00, v58;
	(erf) = vrcp.f32 v31  }
0x2ac: {  	[tilespmem:s15+$0x1AFE0] =	vst v34;
	v3 =	vsub.f32 $1.000000000e+00, v3;
	v35 =	vadd.f32 v60, v60;
	(erf) = vrcp.f32 v33  }
0x2ad: {  	[tilespmem:s14+$0x1AF80] =	vst v4;
	v0 =	vsub.f32 $1.000000000e+00, v0;
	v40 =	vadd.f32 v62, v62;
	(erf) = vrcp.f32 v1  }
0x2ae: {  	[tilespmem:s14+$0x1AFC0] =	vst v3;
	v38 =	vsub.f32 $1.000000000e+00, v35;
	v39 =	vadd.f32 v63, v63;
	(erf) = vrcp.f32 v36  }
0x2af: {  	[tilespmem:s14+$0x1AFB0] =	vst v0;
	v37 =	vadd.f32 v24, v24;
	v2 =	vsub.f32 $1.000000000e+00, v40  }
0x2b0: {  	v43 =	vadd.f32 v25, v25;
	[tilespmem:s14+$0x1AFF0] =	vst v38;
	v44 =	vsub.f32 $1.000000000e+00, v39  }
0x2b1: {  	v41 =	vsub.f32 $1.000000000e+00, v37;
	[tilespmem:s14+$0x1AFA0] =	vst v2;
	v46 =	vadd.f32 v27, v27;
	v42 =	vpop (erf)  }
0x2b2: {  	[tilespmem:s14+$0x1AFD0] =	vst v44;
	v48 =	vsub.f32 $1.000000000e+00, v43;
	v50 =	vadd.f32 v42, v42;
	v45 =	vpop (erf)  }
0x2b3: {  	[tilespmem:s14+$0x1AF90] =	vst v41;
	v6 =	vsub.f32 $1.000000000e+00, v46;
	v47 =	vpop (erf);
	v1 =	vadd.f32 v45, v45  }
0x2b4: {  	[tilespmem:s14+$0x1AFE0] =	vst v48;
	v2 =	vsub.f32 $1.000000000e+00, v50;
	v53 =	vadd.f32 v47, v47;
	v49 =	vpop (erf)  }
0x2b5: {  	[tilespmem:s16+$0x1AF80] =	vst v6;
	v52 =	vsub.f32 $1.000000000e+00, v1;
	v51 =	vpop (erf);
	v57 =	vadd.f32 v49, v49  }
0x2b6: {  	[tilespmem:s16+$0x1AFC0] =	vst v2;
	v55 =	vsub.f32 $1.000000000e+00, v53;
	v54 =	vpop (erf);
	v56 =	vadd.f32 v51, v51  }
0x2b7: {  	[tilespmem:s16+$0x1AFB0] =	vst v52;
	v3 =	vadd.f32 v54, v54;
	v58 =	vpop (erf);
	v62 =	vsub.f32 $1.000000000e+00, v57  }
0x2b8: {  	[tilespmem:s16+$0x1AFF0] =	vst v55;
	v60 =	vadd.f32 v58, v58;
	v61 =	vsub.f32 $1.000000000e+00, v56  }
0x2b9: {  	v59 =	vsub.f32 $1.000000000e+00, v3;
	[tilespmem:s16+$0x1AFA0] =	vst v62  }
0x2ba: {  	[tilespmem:s16+$0x1AFD0] =	vst v61;
	v63 =	vsub.f32 $1.000000000e+00, v60  }
0x2bb: {  	[tilespmem:s16+$0x1AF90] =	vst v59  }
0x2bc: {  	s10 =	rddreg [dreg:$0xe];
	[tilespmem:s16+$0x1AFE0] =	vst v63  }
0x2bd: {  	[hbm4b:s10+s6] =	stream.linear.scatter [tilespmem:s9], [sflag:$0x8], $0x1000, $0x38;
	[tilespmem:$0x1E780] =	vst v63  }
0x2be: {  	_ =	swait.ge [sflag:s17], $0x3800  }
0x2bf: {  	[sflag:s17] =	ssyncset.done $0x0  }
0x2c0: {  	[sflag:s17] =	ssyncadd.s32 $0xFFFFC800  }
0x2c1: {  	_ =	swait.ge [sflag:s18], $0x1000  }
0x2c2: {  	s12 =	sadd.s32 $0x1, s12;
	s19 =	rddreg [dreg:$0xf]  }
0x2c3: {  	p0 =	sne.s32 s12, s19  }
.Ltmp6:
0x2c4: {  	_ = 	snop;
	(pc) =	sbr.rel @p0 .LBB2_1-.Ltmp6, $3  }
0x2c5: {  	_ =	sdelay $0x1  }
0x2c6: {  	[sflag:s18] =	ssyncset.done $0x0  }
0x2c7: {  	[sflag:s18] =	ssyncadd.s32 $0xFFFFF000  }
0x2c8: {  	_ =	sfence.sel $0x180000  }
0x2c9: {  	[bflag:$0x0] =	sbarrier.arrive $0xFFFF  }
0x2ca: {  	_ =	strace $0x90000047  }
0x2cb: {  	s0 =	stileid.u32;
	[bflag:$0x2] =	sbarrier.arrive $0xFFFF  }
0x2cc: {  	p0 =	sne.s32 s0, $0x0;
	s0 =	rddreg [dreg:$0x5]  }
0x2cd: {  	s0 =	sadd.s32 @!p0 $0x100000, s0  }
0x2ce: {  	[sflag:s0] =	ssyncadd.tile.s32 @!p0 $0x1;
	_ =	shalt  }
.Lfunc_end2:
_tile_overlayer_lowered:
.L_overlay_start_2:
0x2cf: {  	(tag) =	ssettag $0x2  }
0x2d0: {  	s0 =	rddreg [dreg:$0x0];
	s2 =	stileid.u32  }
0x2d1: {  	s1 =	rddreg [dreg:$0x1];
	p0 =	sne.s32 s2, $0x0  }
0x2d2: {  	s3 =	rddreg [dreg:$0x2];
	[bflag:$0x3] =	sbarrier.arrive $0xFFFF;
	s2 =	simm.s32 @!p0 $0x1C09  }
0x2d3: {  	[timem:s3], [sflag:s2] =	dma.local @!p0 [hbm:s0], s1  }
0x2d4: {  	s0 =	simm.s32 @!p0 $0x9  }
0x2d5: {  	_ =	swait.ge @!p0 [sflag:s0], s1  }
0x2d6: {  	s1 =	ssub.s32 @!p0 $0x0, s1;
	[sflag:s0] =	ssyncset.done @!p0 $0x0  }
0x2d7: {  	[sflag:s0] =	ssyncadd.s32 @!p0 s1  }
0x2d8: {  	[bflag:$0x3] =	sbarrier.arrive $0xFFFF  }
0x2d9: {  	_ =	shalt  }

</sc_bundles>
